<compile_context>
chip_gen: v7x
topology: tpu7x:2x2x1
jax: 0.10.2.dev20260603
libtpu: 0.0.44.dev20260713+nightly
codegen_flags: <defaults>
</compile_context>

<pallas_src>
import functools

import jax
import jax.numpy as jnp
from jax import lax
from jax.experimental import pallas as pl
from jax.experimental.pallas import tpu as pltpu
from jax.experimental.pallas import tpu_sc as plsc

B = 16384
DIM = 32
PAIRS = DIM // 2
NC, NS = 2, 16
NW = NC * NS
B_PER_W = B // NW
E_PER_W = B_PER_W * PAIRS
MLP_BLOCK = 4096

UV = 1000001
RV = 100001
UPT = 7813
RPT = 782
UK = 601
RK = 391

PERM_LO = [16 * (i // 8) + i % 8 for i in range(PAIRS)]
PERM_HI = [16 * (i // 8) + i % 8 + 8 for i in range(PAIRS)]


def _flatten_pack_body(in_ref, out_ref):
    lo = in_ref[:8, :].astype(jnp.bfloat16)
    hi = in_ref[8:, :].astype(jnp.bfloat16)
    lo_u = lax.bitcast_convert_type(lo, jnp.uint16).astype(jnp.uint32)
    hi_u = lax.bitcast_convert_type(hi, jnp.uint16).astype(jnp.uint32)
    packed = lax.bitcast_convert_type(lo_u | (hi_u << 16), jnp.float32)
    out_ref[...] = pltpu.einshape(
        "s(tc)->(ts)c", packed, c=128, assert_is_tile_preserving=True
    )


def _flatten_pack(tableT, pt, k):
    ngroups = DIM // 16
    out_rows = ngroups * 8 * pt
    return pl.pallas_call(
        _flatten_pack_body,
        grid=(ngroups, pt // k),
        in_specs=[pl.BlockSpec((16, k * 128), lambda g, j: (g, j))],
        out_specs=pl.BlockSpec((k * 8, 128), lambda g, j, _pt=pt, _k=k:
                               (g * (_pt // _k) + j, 0)),
        out_shape=jax.ShapeDtypeStruct((out_rows, 128), jnp.float32),
        compiler_params=pltpu.CompilerParams(
            dimension_semantics=("parallel", "arbitrary")),
    )(tableT)


def _sc_gather(flat, ids, pt):
    gk = jnp.array(
        [(i // 8) * (pt * 1024) + (i % 8) * 128 for i in range(PAIRS)],
        dtype=jnp.int32,
    )

    @functools.partial(
        pl.kernel,
        mesh=plsc.VectorSubcoreMesh(core_axis_name="c", subcore_axis_name="s"),
        out_type=jax.ShapeDtypeStruct((B * PAIRS,), jnp.float32),
        scratch_types=[
            pltpu.VMEM((B_PER_W,), jnp.int32),
            pltpu.VMEM((PAIRS,), jnp.int32),
            pltpu.VMEM((E_PER_W,), jnp.int32),
            pltpu.VMEM((E_PER_W,), jnp.float32),
            pltpu.SemaphoreType.DMA,
        ],
    )
    def k(f_hbm, ids_hbm, gk_hbm, o_hbm, ids_v, gk_v, idx_v, val_v, sem):
        wid = lax.axis_index("s") * NC + lax.axis_index("c")
        base = wid * B_PER_W
        pltpu.sync_copy(ids_hbm.at[pl.ds(base, B_PER_W)], ids_v)
        pltpu.sync_copy(gk_hbm, gk_v)
        gk_row = gk_v[...]

        @plsc.parallel_loop(0, B_PER_W, unroll=4)
        def _(j):
            vj = ids_v[pl.ds(j, 1)]
            vterm = ((vj >> 7) << 10) + (vj & 127)
            idx_v[pl.ds(j * PAIRS, PAIRS)] = gk_row + vterm

        pltpu.async_copy(f_hbm.at[idx_v], val_v, sem).wait()
        pltpu.sync_copy(val_v, o_hbm.at[pl.ds(wid * E_PER_W, E_PER_W)])

    return k(flat, ids, gk)


def _unpack(p_u32):
    lo = lax.bitcast_convert_type(p_u32 << 16, jnp.float32)
    hi = lax.bitcast_convert_type(p_u32 & jnp.uint32(0xFFFF0000), jnp.float32)
    return lo.astype(jnp.bfloat16), hi.astype(jnp.bfloat16)


def _mlp_body(u_ref, r_ref, w1ul_ref, w1uh_ref, w1rl_ref, w1rh_ref, b1_ref,
              w2_ref, b2_ref, w3_ref, b3_ref, o_ref):
    u_lo, u_hi = _unpack(lax.bitcast_convert_type(u_ref[...], jnp.uint32))
    r_lo, r_hi = _unpack(lax.bitcast_convert_type(r_ref[...], jnp.uint32))
    f32 = jnp.float32
    h = jnp.dot(u_lo, w1ul_ref[...], preferred_element_type=f32)
    h += jnp.dot(u_hi, w1uh_ref[...], preferred_element_type=f32)
    h += jnp.dot(r_lo, w1rl_ref[...], preferred_element_type=f32)
    h += jnp.dot(r_hi, w1rh_ref[...], preferred_element_type=f32)
    h = jnp.maximum(h + b1_ref[...], 0.0)
    h = jnp.dot(h, w2_ref[...], preferred_element_type=f32)
    h = jnp.maximum(h + b2_ref[...], 0.0)
    o_ref[...] = (
        jnp.dot(h, w3_ref[...], preferred_element_type=f32) + b3_ref[...]
    )


def _tc_mlp(u, r, W1, b1, W2, b2, W3, b3):
    bf16 = jnp.bfloat16
    w1u = W1[:DIM]
    w1r = W1[DIM:]
    w1ul = w1u[jnp.array(PERM_LO)].astype(bf16)
    w1uh = w1u[jnp.array(PERM_HI)].astype(bf16)
    w1rl = w1r[jnp.array(PERM_LO)].astype(bf16)
    w1rh = w1r[jnp.array(PERM_HI)].astype(bf16)
    b1r = b1.reshape(1, -1)
    b2r = b2.reshape(1, -1)
    b3r = b3.reshape(1, -1)
    const = lambda shape: pl.BlockSpec(shape, lambda i: (0, 0))
    return pl.pallas_call(
        _mlp_body,
        grid=(B // MLP_BLOCK,),
        in_specs=[
            pl.BlockSpec((MLP_BLOCK, PAIRS), lambda i: (i, 0)),
            pl.BlockSpec((MLP_BLOCK, PAIRS), lambda i: (i, 0)),
            const(w1ul.shape),
            const(w1uh.shape),
            const(w1rl.shape),
            const(w1rh.shape),
            const(b1r.shape),
            const(W2.shape),
            const(b2r.shape),
            const(W3.shape),
            const(b3r.shape),
        ],
        out_specs=pl.BlockSpec((MLP_BLOCK, 1), lambda i: (i, 0)),
        out_shape=jax.ShapeDtypeStruct((B, 1), jnp.float32),
        compiler_params=pltpu.CompilerParams(
            dimension_semantics=("parallel",)),
    )(u, r, w1ul, w1uh, w1rl, w1rh, b1r, W2, b2r, W3, b3r)


def kernel(user_id, recipe_id, user_table, recipe_table, W1, b1, W2, b2, W3, b3):
    rflat = _flatten_pack(recipe_table.T, RPT, RK).reshape(-1)
    ro = _sc_gather(rflat, recipe_id.astype(jnp.int32), RPT)
    user_tableT, _ = lax.optimization_barrier((user_table.T, rflat))
    uflat = _flatten_pack(user_tableT, UPT, UK).reshape(-1)
    uo = _sc_gather(uflat, user_id.astype(jnp.int32), UPT)
    u = uo.reshape(B, PAIRS)
    r = ro.reshape(B, PAIRS)
    return _tc_mlp(u, r, W1, b1, W2, b2, W3, b3)

# --- scband reference (transcript-rebuilt; emitter-appended) ---
"""Pipeline reference for scband-ranking-model-35957466202705 (READ-ONLY COPY).

The authoritative reference and input builder live on the scoring server;
editing this copy changes nothing except your own understanding.
"""

import jax, jax.numpy as jnp
import numpy as np

NUM_USERS = 1000000
NUM_RECIPES = 100000
DIM = 32
B = 16384


def setup_inputs(seed: int = 0) -> dict:
    key = jax.random.key(seed)
    ks = jax.random.split(key, 10)
    user_id = jax.random.randint(ks[0], (B,), 0, NUM_USERS + 1)
    recipe_id = jax.random.randint(ks[1], (B,), 0, NUM_RECIPES + 1)
    user_table = jax.random.normal(ks[2], (NUM_USERS + 1, DIM), dtype=jnp.float32) * 0.05
    recipe_table = jax.random.normal(ks[3], (NUM_RECIPES + 1, DIM), dtype=jnp.float32) * 0.05
    W1 = jax.random.normal(ks[4], (2 * DIM, 256), dtype=jnp.float32) * 0.05
    b1 = jnp.zeros((256,), dtype=jnp.float32)
    W2 = jax.random.normal(ks[5], (256, 64), dtype=jnp.float32) * 0.05
    b2 = jnp.zeros((64,), dtype=jnp.float32)
    W3 = jax.random.normal(ks[6], (64, 1), dtype=jnp.float32) * 0.05
    b3 = jnp.zeros((1,), dtype=jnp.float32)
    return {
        "user_id": user_id,
        "recipe_id": recipe_id,
        "user_table": user_table,
        "recipe_table": recipe_table,
        "W1": W1, "b1": b1,
        "W2": W2, "b2": b2,
        "W3": W3, "b3": b3,
    }


def reference(user_id, recipe_id, user_table, recipe_table, W1, b1, W2, b2, W3, b3):
    # StringLookup + Embedding -> integer index gather into embedding table
    user_embedding = jnp.take(user_table, user_id, axis=0)
    recipe_embedding = jnp.take(recipe_table, recipe_id, axis=0)
    h = jnp.concatenate([user_embedding, recipe_embedding], axis=1)
    h = jax.nn.relu(h @ W1 + b1)
    h = jax.nn.relu(h @ W2 + b2)
    out = h @ W3 + b3
    return out

if __name__ == "__main__":
    import jax
    _d = setup_inputs()
    print(jax.jit(kernel)(*tuple(_d.values())))

</pallas_src>

<mosaic_0001>
#map = affine_map<(d0, d1) -> (0)>
module attributes {stable_mosaic.version = 14 : i64} {
  func.func @k(%arg0: i32, %arg1: i32, %arg2: memref<1601536xf32, #tpu.memory_space<hbm>>, %arg3: memref<16384xi32, #tpu.memory_space<hbm>>, %arg4: memref<16xi32, #tpu.memory_space<hbm>>, %arg5: memref<262144xf32, #tpu.memory_space<hbm>>, %arg6: memref<512xi32, #tpu.memory_space<vmem>>, %arg7: memref<16xi32, #tpu.memory_space<vmem>>, %arg8: memref<8192xi32, #tpu.memory_space<vmem>>, %arg9: memref<8192xf32, #tpu.memory_space<vmem>>, %arg10: memref<!tpu.dma_semaphore, #tpu.memory_space<semaphore_mem>>) attributes {dimension_semantics = [#tpu.dimension_semantics<core_parallel>, #tpu.dimension_semantics<subcore_parallel>], iteration_bounds = array<i64: 2, 16>, scalar_prefetch = 0 : i64, scratch_operands = 5 : i64, tpu.core_type = #tpu.core_type<sc_vector_subcore>, window_params = [{transform_indices = #map}, {transform_indices = #map}, {transform_indices = #map}, {transform_indices = #map}]} {
    %mul3A = arith.constant 2 : i32
    %mul3A_0 = arith.muli %arg1, %mul3A : i32
    %add3A = arith.addi %mul3A_0, %arg0 : i32
    %mul3A_1 = arith.constant 512 : i32
    %mul3A_2 = arith.muli %add3A, %mul3A_1 : i32
    "tpu.region"() ({
      %run_scoped3A = tpu.sem_alloc : memref<!tpu.dma_semaphore, #tpu.memory_space<semaphore_mem>>
      %dma_start3A_11 = tpu.memref_slice %arg3[%mul3A_2] : memref<16384xi32, #tpu.memory_space<hbm>> -> memref<512xi32, #tpu.memory_space<hbm>>
      %dma_start3A_12 = tpu.memref_slice %arg3[%mul3A_2] : memref<16384xi32, #tpu.memory_space<hbm>> -> memref<512xi32, #tpu.memory_space<hbm>>
      tpu.enqueue_dma source(%dma_start3A_12 : memref<512xi32, #tpu.memory_space<hbm>>) target(%arg6 : memref<512xi32, #tpu.memory_space<vmem>>) target_semaphore(%run_scoped3A : memref<!tpu.dma_semaphore, #tpu.memory_space<semaphore_mem>>)
      %dma_wait3A_13 = tpu.memref_slice %arg3[%mul3A_2] : memref<16384xi32, #tpu.memory_space<hbm>> -> memref<512xi32, #tpu.memory_space<hbm>>
      %dma_wait3A_14 = tpu.memref_slice %arg3[%mul3A_2] : memref<16384xi32, #tpu.memory_space<hbm>> -> memref<512xi32, #tpu.memory_space<hbm>>
      tpu.wait_dma2 semaphore(%run_scoped3A : memref<!tpu.dma_semaphore, #tpu.memory_space<semaphore_mem>>) src(%dma_wait3A_14 : memref<512xi32, #tpu.memory_space<hbm>>) dst(%arg6 : memref<512xi32, #tpu.memory_space<vmem>>)
      tpu.yield
    }) : () -> ()
    "tpu.region"() ({
      %run_scoped3A = tpu.sem_alloc : memref<!tpu.dma_semaphore, #tpu.memory_space<semaphore_mem>>
      tpu.enqueue_dma source(%arg4 : memref<16xi32, #tpu.memory_space<hbm>>) target(%arg7 : memref<16xi32, #tpu.memory_space<vmem>>) target_semaphore(%run_scoped3A : memref<!tpu.dma_semaphore, #tpu.memory_space<semaphore_mem>>)
      tpu.wait_dma2 semaphore(%run_scoped3A : memref<!tpu.dma_semaphore, #tpu.memory_space<semaphore_mem>>) src(%arg4 : memref<16xi32, #tpu.memory_space<hbm>>) dst(%arg7 : memref<16xi32, #tpu.memory_space<vmem>>)
      tpu.yield
    }) : () -> ()
    %get3A = arith.constant 0 : index
    %get3A_3 = tpu.vector_load %arg7[%get3A] {strides = array<i32>} : memref<16xi32, #tpu.memory_space<vmem>>, vector<16xi32>,
    %get3A_4 = vector.shape_cast %get3A_3 : vector<16xi32> to vector<16xi32>
    %parallel_loop3A = arith.constant 0 : i32
    %parallel_loop3A_5 = arith.constant 512 : i32
    %parallel_loop3A_6 = arith.constant 1 : i32
    scf.for %parallel_loop3A_11 = %parallel_loop3A to %parallel_loop3A_5 step %parallel_loop3A_6  : i32 {
      %parallel_loop3A_12 = arith.index_cast %parallel_loop3A_11 : i32 to index
      %parallel_loop3A_13 = tpu.vector_load %arg6[%parallel_loop3A_12] {strides = array<i32>} : memref<512xi32, #tpu.memory_space<vmem>>, vector<1xi32>,
      %parallel_loop3A_14 = vector.shape_cast %parallel_loop3A_13 : vector<1xi32> to vector<1xi32>
      %parallel_loop3A_15 = arith.constant 7 : i32
      %parallel_loop3A_16 = vector.broadcast %parallel_loop3A_15 : i32 to vector<1xi32>
      %parallel_loop3A_17 = arith.shrsi %parallel_loop3A_14, %parallel_loop3A_16 : vector<1xi32>
      %parallel_loop3A_18 = arith.constant 10 : i32
      %parallel_loop3A_19 = vector.broadcast %parallel_loop3A_18 : i32 to vector<1xi32>
      %parallel_loop3A_20 = arith.shli %parallel_loop3A_17, %parallel_loop3A_19 : vector<1xi32>
      %parallel_loop3A_21 = arith.constant 127 : i32
      %parallel_loop3A_22 = vector.broadcast %parallel_loop3A_21 : i32 to vector<1xi32>
      %parallel_loop3A_23 = arith.andi %parallel_loop3A_14, %parallel_loop3A_22 : vector<1xi32>
      %parallel_loop3A_24 = arith.addi %parallel_loop3A_20, %parallel_loop3A_23 : vector<1xi32>
      %parallel_loop3A_25 = vector.broadcast %parallel_loop3A_24 : vector<1xi32> to vector<16xi32>
      %parallel_loop3A_26 = arith.addi %get3A_4, %parallel_loop3A_25 : vector<16xi32>
      %parallel_loop3A_27 = arith.constant 16 : i32
      %parallel_loop3A_28 = arith.muli %parallel_loop3A_11, %parallel_loop3A_27 : i32
      %parallel_loop3A_29 = arith.index_cast %parallel_loop3A_28 : i32 to index
      %parallel_loop3A_30 = tpu.vector_load %arg8[%parallel_loop3A_29] {strides = array<i32>} : memref<8192xi32, #tpu.memory_space<vmem>>, vector<16xi32>,
      %parallel_loop3A_31 = vector.shape_cast %parallel_loop3A_30 : vector<16xi32> to vector<16xi32>
      %parallel_loop3A_32 = vector.shape_cast %parallel_loop3A_26 : vector<16xi32> to vector<16xi32>
      tpu.vector_store %arg8[%parallel_loop3A_29], %parallel_loop3A_32 {strides = array<i32>} : memref<8192xi32, #tpu.memory_space<vmem>>, vector<16xi32>,
    } {sc.loop_unroll_factor = 4 : i64, sc.parallel_access}
    %dma_start3A = arith.constant 0 : i32
    %dma_start3A_7 = tpu.memref_slice %arg2[%dma_start3A] : memref<1601536xf32, #tpu.memory_space<hbm>> -> memref<1601536xf32, #tpu.memory_space<hbm>>
    tpu.enqueue_indirect_dma source(%dma_start3A_7 : memref<1601536xf32, #tpu.memory_space<hbm>>) target(%arg9 : memref<8192xf32, #tpu.memory_space<vmem>>) offsets(%arg8 : memref<8192xi32, #tpu.memory_space<vmem>>) semaphore(%arg10 : memref<!tpu.dma_semaphore, #tpu.memory_space<semaphore_mem>>)
    %dma_wait3A = arith.constant 0 : i32
    %dma_wait3A_8 = tpu.memref_slice %arg2[%dma_wait3A] : memref<1601536xf32, #tpu.memory_space<hbm>> -> memref<1601536xf32, #tpu.memory_space<hbm>>
    tpu.wait_indirect_dma semaphore(%arg10 : memref<!tpu.dma_semaphore, #tpu.memory_space<semaphore_mem>>) src(%dma_wait3A_8 : memref<1601536xf32, #tpu.memory_space<hbm>>) dst(%arg9 : memref<8192xf32, #tpu.memory_space<vmem>>)
    %mul3A_9 = arith.constant 8192 : i32
    %mul3A_10 = arith.muli %add3A, %mul3A_9 : i32
    "tpu.region"() ({
      %run_scoped3A = tpu.sem_alloc : memref<!tpu.dma_semaphore, #tpu.memory_space<semaphore_mem>>
      %dma_start3A_11 = tpu.memref_slice %arg5[%mul3A_10] : memref<262144xf32, #tpu.memory_space<hbm>> -> memref<8192xf32, #tpu.memory_space<hbm>>
      %dma_start3A_12 = tpu.memref_slice %arg5[%mul3A_10] : memref<262144xf32, #tpu.memory_space<hbm>> -> memref<8192xf32, #tpu.memory_space<hbm>>
      tpu.enqueue_dma source(%arg9 : memref<8192xf32, #tpu.memory_space<vmem>>) target(%dma_start3A_12 : memref<8192xf32, #tpu.memory_space<hbm>>) target_semaphore(%run_scoped3A : memref<!tpu.dma_semaphore, #tpu.memory_space<semaphore_mem>>)
      %dma_wait3A_13 = tpu.memref_slice %arg5[%mul3A_10] : memref<262144xf32, #tpu.memory_space<hbm>> -> memref<8192xf32, #tpu.memory_space<hbm>>
      %dma_wait3A_14 = tpu.memref_slice %arg5[%mul3A_10] : memref<262144xf32, #tpu.memory_space<hbm>> -> memref<8192xf32, #tpu.memory_space<hbm>>
      tpu.wait_dma2 semaphore(%run_scoped3A : memref<!tpu.dma_semaphore, #tpu.memory_space<semaphore_mem>>) src(%arg9 : memref<8192xf32, #tpu.memory_space<vmem>>) dst(%dma_wait3A_14 : memref<8192xf32, #tpu.memory_space<hbm>>)
      tpu.yield
    }) : () -> ()
    return
  }
}

#map = affine_map<(d0, d1) -> (0)>
module attributes {stable_mosaic.version = 14 : i64} {
  func.func @k(%arg0: i32, %arg1: i32, %arg2: memref<16001024xf32, #tpu.memory_space<hbm>>, %arg3: memref<16384xi32, #tpu.memory_space<hbm>>, %arg4: memref<16xi32, #tpu.memory_space<hbm>>, %arg5: memref<262144xf32, #tpu.memory_space<hbm>>, %arg6: memref<512xi32, #tpu.memory_space<vmem>>, %arg7: memref<16xi32, #tpu.memory_space<vmem>>, %arg8: memref<8192xi32, #tpu.memory_space<vmem>>, %arg9: memref<8192xf32, #tpu.memory_space<vmem>>, %arg10: memref<!tpu.dma_semaphore, #tpu.memory_space<semaphore_mem>>) attributes {dimension_semantics = [#tpu.dimension_semantics<core_parallel>, #tpu.dimension_semantics<subcore_parallel>], iteration_bounds = array<i64: 2, 16>, scalar_prefetch = 0 : i64, scratch_operands = 5 : i64, tpu.core_type = #tpu.core_type<sc_vector_subcore>, window_params = [{transform_indices = #map}, {transform_indices = #map}, {transform_indices = #map}, {transform_indices = #map}]} {
    %mul3A = arith.constant 2 : i32
    %mul3A_0 = arith.muli %arg1, %mul3A : i32
    %add3A = arith.addi %mul3A_0, %arg0 : i32
    %mul3A_1 = arith.constant 512 : i32
    %mul3A_2 = arith.muli %add3A, %mul3A_1 : i32
    "tpu.region"() ({
      %run_scoped3A = tpu.sem_alloc : memref<!tpu.dma_semaphore, #tpu.memory_space<semaphore_mem>>
      %dma_start3A_11 = tpu.memref_slice %arg3[%mul3A_2] : memref<16384xi32, #tpu.memory_space<hbm>> -> memref<512xi32, #tpu.memory_space<hbm>>
      %dma_start3A_12 = tpu.memref_slice %arg3[%mul3A_2] : memref<16384xi32, #tpu.memory_space<hbm>> -> memref<512xi32, #tpu.memory_space<hbm>>
      tpu.enqueue_dma source(%dma_start3A_12 : memref<512xi32, #tpu.memory_space<hbm>>) target(%arg6 : memref<512xi32, #tpu.memory_space<vmem>>) target_semaphore(%run_scoped3A : memref<!tpu.dma_semaphore, #tpu.memory_space<semaphore_mem>>)
      %dma_wait3A_13 = tpu.memref_slice %arg3[%mul3A_2] : memref<16384xi32, #tpu.memory_space<hbm>> -> memref<512xi32, #tpu.memory_space<hbm>>
      %dma_wait3A_14 = tpu.memref_slice %arg3[%mul3A_2] : memref<16384xi32, #tpu.memory_space<hbm>> -> memref<512xi32, #tpu.memory_space<hbm>>
      tpu.wait_dma2 semaphore(%run_scoped3A : memref<!tpu.dma_semaphore, #tpu.memory_space<semaphore_mem>>) src(%dma_wait3A_14 : memref<512xi32, #tpu.memory_space<hbm>>) dst(%arg6 : memref<512xi32, #tpu.memory_space<vmem>>)
      tpu.yield
    }) : () -> ()
    "tpu.region"() ({
      %run_scoped3A = tpu.sem_alloc : memref<!tpu.dma_semaphore, #tpu.memory_space<semaphore_mem>>
      tpu.enqueue_dma source(%arg4 : memref<16xi32, #tpu.memory_space<hbm>>) target(%arg7 : memref<16xi32, #tpu.memory_space<vmem>>) target_semaphore(%run_scoped3A : memref<!tpu.dma_semaphore, #tpu.memory_space<semaphore_mem>>)
      tpu.wait_dma2 semaphore(%run_scoped3A : memref<!tpu.dma_semaphore, #tpu.memory_space<semaphore_mem>>) src(%arg4 : memref<16xi32, #tpu.memory_space<hbm>>) dst(%arg7 : memref<16xi32, #tpu.memory_space<vmem>>)
      tpu.yield
    }) : () -> ()
    %get3A = arith.constant 0 : index
    %get3A_3 = tpu.vector_load %arg7[%get3A] {strides = array<i32>} : memref<16xi32, #tpu.memory_space<vmem>>, vector<16xi32>,
    %get3A_4 = vector.shape_cast %get3A_3 : vector<16xi32> to vector<16xi32>
    %parallel_loop3A = arith.constant 0 : i32
    %parallel_loop3A_5 = arith.constant 512 : i32
    %parallel_loop3A_6 = arith.constant 1 : i32
    scf.for %parallel_loop3A_11 = %parallel_loop3A to %parallel_loop3A_5 step %parallel_loop3A_6  : i32 {
      %parallel_loop3A_12 = arith.index_cast %parallel_loop3A_11 : i32 to index
      %parallel_loop3A_13 = tpu.vector_load %arg6[%parallel_loop3A_12] {strides = array<i32>} : memref<512xi32, #tpu.memory_space<vmem>>, vector<1xi32>,
      %parallel_loop3A_14 = vector.shape_cast %parallel_loop3A_13 : vector<1xi32> to vector<1xi32>
      %parallel_loop3A_15 = arith.constant 7 : i32
      %parallel_loop3A_16 = vector.broadcast %parallel_loop3A_15 : i32 to vector<1xi32>
      %parallel_loop3A_17 = arith.shrsi %parallel_loop3A_14, %parallel_loop3A_16 : vector<1xi32>
      %parallel_loop3A_18 = arith.constant 10 : i32
      %parallel_loop3A_19 = vector.broadcast %parallel_loop3A_18 : i32 to vector<1xi32>
      %parallel_loop3A_20 = arith.shli %parallel_loop3A_17, %parallel_loop3A_19 : vector<1xi32>
      %parallel_loop3A_21 = arith.constant 127 : i32
      %parallel_loop3A_22 = vector.broadcast %parallel_loop3A_21 : i32 to vector<1xi32>
      %parallel_loop3A_23 = arith.andi %parallel_loop3A_14, %parallel_loop3A_22 : vector<1xi32>
      %parallel_loop3A_24 = arith.addi %parallel_loop3A_20, %parallel_loop3A_23 : vector<1xi32>
      %parallel_loop3A_25 = vector.broadcast %parallel_loop3A_24 : vector<1xi32> to vector<16xi32>
      %parallel_loop3A_26 = arith.addi %get3A_4, %parallel_loop3A_25 : vector<16xi32>
      %parallel_loop3A_27 = arith.constant 16 : i32
      %parallel_loop3A_28 = arith.muli %parallel_loop3A_11, %parallel_loop3A_27 : i32
      %parallel_loop3A_29 = arith.index_cast %parallel_loop3A_28 : i32 to index
      %parallel_loop3A_30 = tpu.vector_load %arg8[%parallel_loop3A_29] {strides = array<i32>} : memref<8192xi32, #tpu.memory_space<vmem>>, vector<16xi32>,
      %parallel_loop3A_31 = vector.shape_cast %parallel_loop3A_30 : vector<16xi32> to vector<16xi32>
      %parallel_loop3A_32 = vector.shape_cast %parallel_loop3A_26 : vector<16xi32> to vector<16xi32>
      tpu.vector_store %arg8[%parallel_loop3A_29], %parallel_loop3A_32 {strides = array<i32>} : memref<8192xi32, #tpu.memory_space<vmem>>, vector<16xi32>,
    } {sc.loop_unroll_factor = 4 : i64, sc.parallel_access}
    %dma_start3A = arith.constant 0 : i32
    %dma_start3A_7 = tpu.memref_slice %arg2[%dma_start3A] : memref<16001024xf32, #tpu.memory_space<hbm>> -> memref<16001024xf32, #tpu.memory_space<hbm>>
    tpu.enqueue_indirect_dma source(%dma_start3A_7 : memref<16001024xf32, #tpu.memory_space<hbm>>) target(%arg9 : memref<8192xf32, #tpu.memory_space<vmem>>) offsets(%arg8 : memref<8192xi32, #tpu.memory_space<vmem>>) semaphore(%arg10 : memref<!tpu.dma_semaphore, #tpu.memory_space<semaphore_mem>>)
    %dma_wait3A = arith.constant 0 : i32
    %dma_wait3A_8 = tpu.memref_slice %arg2[%dma_wait3A] : memref<16001024xf32, #tpu.memory_space<hbm>> -> memref<16001024xf32, #tpu.memory_space<hbm>>
    tpu.wait_indirect_dma semaphore(%arg10 : memref<!tpu.dma_semaphore, #tpu.memory_space<semaphore_mem>>) src(%dma_wait3A_8 : memref<16001024xf32, #tpu.memory_space<hbm>>) dst(%arg9 : memref<8192xf32, #tpu.memory_space<vmem>>)
    %mul3A_9 = arith.constant 8192 : i32
    %mul3A_10 = arith.muli %add3A, %mul3A_9 : i32
    "tpu.region"() ({
      %run_scoped3A = tpu.sem_alloc : memref<!tpu.dma_semaphore, #tpu.memory_space<semaphore_mem>>
      %dma_start3A_11 = tpu.memref_slice %arg5[%mul3A_10] : memref<262144xf32, #tpu.memory_space<hbm>> -> memref<8192xf32, #tpu.memory_space<hbm>>
      %dma_start3A_12 = tpu.memref_slice %arg5[%mul3A_10] : memref<262144xf32, #tpu.memory_space<hbm>> -> memref<8192xf32, #tpu.memory_space<hbm>>
      tpu.enqueue_dma source(%arg9 : memref<8192xf32, #tpu.memory_space<vmem>>) target(%dma_start3A_12 : memref<8192xf32, #tpu.memory_space<hbm>>) target_semaphore(%run_scoped3A : memref<!tpu.dma_semaphore, #tpu.memory_space<semaphore_mem>>)
      %dma_wait3A_13 = tpu.memref_slice %arg5[%mul3A_10] : memref<262144xf32, #tpu.memory_space<hbm>> -> memref<8192xf32, #tpu.memory_space<hbm>>
      %dma_wait3A_14 = tpu.memref_slice %arg5[%mul3A_10] : memref<262144xf32, #tpu.memory_space<hbm>> -> memref<8192xf32, #tpu.memory_space<hbm>>
      tpu.wait_dma2 semaphore(%run_scoped3A : memref<!tpu.dma_semaphore, #tpu.memory_space<semaphore_mem>>) src(%arg9 : memref<8192xf32, #tpu.memory_space<vmem>>) dst(%dma_wait3A_14 : memref<8192xf32, #tpu.memory_space<hbm>>)
      tpu.yield
    }) : () -> ()
    return
  }
}

module attributes {stable_mosaic.version = 14 : i64} {
  func.func @_flatten_pack_body(%arg0: i32, %arg1: i32, %arg2: memref<16x76928xf32, #tpu.memory_space<vmem>>, %arg3: memref<4808x128xf32, #tpu.memory_space<vmem>>) attributes {dimension_semantics = [#tpu.dimension_semantics<parallel>, #tpu.dimension_semantics<arbitrary>], iteration_bounds = array<i64: 2, 13>, scalar_prefetch = 0 : i64, scratch_operands = 0 : i64, tpu.core_type = #tpu.core_type<tc>, window_params = [{transform_indices = @transform_0, window_bounds = array<i64: 16, 76928>}, {transform_indices = @transform_1, window_bounds = array<i64: 4808, 128>}]} {
    %get3A = arith.constant 0 : index
    %get3A_0 = arith.constant 0 : index
    %get3A_1 = vector.load %arg2[%get3A, %get3A_0] : memref<16x76928xf32, #tpu.memory_space<vmem>>, vector<8x76928xf32>
    %convert_element_type3A = arith.truncf %get3A_1 : vector<8x76928xf32> to vector<8x76928xbf16>
    %get3A_2 = arith.constant 8 : index
    %get3A_3 = arith.constant 0 : index
    %get3A_4 = vector.load %arg2[%get3A_2, %get3A_3] : memref<16x76928xf32, #tpu.memory_space<vmem>>, vector<8x76928xf32>
    %convert_element_type3A_5 = arith.truncf %get3A_4 : vector<8x76928xf32> to vector<8x76928xbf16>
    %bitcast_convert_type3A = tpu.bitcast %convert_element_type3A : vector<8x76928xbf16> -> vector<8x76928xi16>
    %convert_element_type3A_6 = arith.extui %bitcast_convert_type3A : vector<8x76928xi16> to vector<8x76928xi32>
    %bitcast_convert_type3A_7 = tpu.bitcast %convert_element_type3A_5 : vector<8x76928xbf16> -> vector<8x76928xi16>
    %convert_element_type3A_8 = arith.extui %bitcast_convert_type3A_7 : vector<8x76928xi16> to vector<8x76928xi32>
    %shift_left3A = arith.constant 16 : i32
    %shift_left3A_9 = vector.broadcast %shift_left3A : i32 to vector<8x76928xi32>
    %shift_left3A_10 = arith.shli %convert_element_type3A_8, %shift_left3A_9 : vector<8x76928xi32>
    %or3A = arith.ori %convert_element_type3A_6, %shift_left3A_10 : vector<8x76928xi32>
    %bitcast_convert_type3A_11 = tpu.bitcast %or3A : vector<8x76928xi32> -> vector<8x76928xf32>
    %einshape_lo3A = vector.extract_strided_slice %bitcast_convert_type3A_11 {offsets = [0, 0], sizes = [8, 128], strides = [1, 1]} : vector<8x76928xf32> to vector<8x128xf32>
    %einshape_lo3A_12 = vector.extract_strided_slice %bitcast_convert_type3A_11 {offsets = [0, 128], sizes = [8, 128], strides = [1, 1]} : vector<8x76928xf32> to vector<8x128xf32>
    %einshape_lo3A_13 = vector.extract_strided_slice %bitcast_convert_type3A_11 {offsets = [0, 256], sizes = [8, 128], strides = [1, 1]} : vector<8x76928xf32> to vector<8x128xf32>
    %einshape_lo3A_14 = vector.extract_strided_slice %bitcast_convert_type3A_11 {offsets = [0, 384], sizes = [8, 128], strides = [1, 1]} : vector<8x76928xf32> to vector<8x128xf32>
    %einshape_lo3A_15 = vector.extract_strided_slice %bitcast_convert_type3A_11 {offsets = [0, 512], sizes = [8, 128], strides = [1, 1]} : vector<8x76928xf32> to vector<8x128xf32>
    %einshape_lo3A_16 = vector.extract_strided_slice %bitcast_convert_type3A_11 {offsets = [0, 640], sizes = [8, 128], strides = [1, 1]} : vector<8x76928xf32> to vector<8x128xf32>
    %einshape_lo3A_17 = vector.extract_strided_slice %bitcast_convert_type3A_11 {offsets = [0, 768], sizes = [8, 128], strides = [1, 1]} : vector<8x76928xf32> to vector<8x128xf32>
    %einshape_lo3A_18 = vector.extract_strided_slice %bitcast_convert_type3A_11 {offsets = [0, 896], sizes = [8, 128], strides = [1, 1]} : vector<8x76928xf32> to vector<8x128xf32>
    %einshape_lo3A_19 = vector.extract_strided_slice %bitcast_convert_type3A_11 {offsets = [0, 1024], sizes = [8, 128], strides = [1, 1]} : vector<8x76928xf32> to vector<8x128xf32>
    %einshape_lo3A_20 = vector.extract_strided_slice %bitcast_convert_type3A_11 {offsets = [0, 1152], sizes = [8, 128], strides = [1, 1]} : vector<8x76928xf32> to vector<8x128xf32>
    %einshape_lo3A_21 = vector.extract_strided_slice %bitcast_convert_type3A_11 {offsets = [0, 1280], sizes = [8, 128], strides = [1, 1]} : vector<8x76928xf32> to vector<8x128xf32>
    %einshape_lo3A_22 = vector.extract_strided_slice %bitcast_convert_type3A_11 {offsets = [0, 1408], sizes = [8, 128], strides = [1, 1]} : vector<8x76928xf32> to vector<8x128xf32>
    %einshape_lo3A_23 = vector.extract_strided_slice %bitcast_convert_type3A_11 {offsets = [0, 1536], sizes = [8, 128], strides = [1, 1]} : vector<8x76928xf32> to vector<8x128xf32>
    %einshape_lo3A_24 = vector.extract_strided_slice %bitcast_convert_type3A_11 {offsets = [0, 1664], sizes = [8, 128], strides = [1, 1]} : vector<8x76928xf32> to vector<8x128xf32>
    %einshape_lo3A_25 = vector.extract_strided_slice %bitcast_convert_type3A_11 {offsets = [0, 1792], sizes = [8, 128], strides = [1, 1]} : vector<8x76928xf32> to vector<8x128xf32>
    %einshape_lo3A_26 = vector.extract_strided_slice %bitcast_convert_type3A_11 {offsets = [0, 1920], sizes = [8, 128], strides = [1, 1]} : vector<8x76928xf32> to vector<8x128xf32>
    %einshape_lo3A_27 = vector.extract_strided_slice %bitcast_convert_type3A_11 {offsets = [0, 2048], sizes = [8, 128], strides = [1, 1]} : vector<8x76928xf32> to vector<8x128xf32>
    %einshape_lo3A_28 = vector.extract_strided_slice %bitcast_convert_type3A_11 {offsets = [0, 2176], sizes = [8, 128], strides = [1, 1]} : vector<8x76928xf32> to vector<8x128xf32>
    %einshape_lo3A_29 = vector.extract_strided_slice %bitcast_convert_type3A_11 {offsets = [0, 2304], sizes = [8, 128], strides = [1, 1]} : vector<8x76928xf32> to vector<8x128xf32>
    %einshape_lo3A_30 = vector.extract_strided_slice %bitcast_convert_type3A_11 {offsets = [0, 2432], sizes = [8, 128], strides = [1, 1]} : vector<8x76928xf32> to vector<8x128xf32>
    %einshape_lo3A_31 = vector.extract_strided_slice %bitcast_convert_type3A_11 {offsets = [0, 2560], sizes = [8, 128], strides = [1, 1]} : vector<8x76928xf32> to vector<8x128xf32>
    %einshape_lo3A_32 = vector.extract_strided_slice %bitcast_convert_type3A_11 {offsets = [0, 2688], sizes = [8, 128], strides = [1, 1]} : vector<8x76928xf32> to vector<8x128xf32>
    %einshape_lo3A_33 = vector.extract_strided_slice %bitcast_convert_type3A_11 {offsets = [0, 2816], sizes = [8, 128], strides = [1, 1]} : vector<8x76928xf32> to vector<8x128xf32>
    %einshape_lo3A_34 = vector.extract_strided_slice %bitcast_convert_type3A_11 {offsets = [0, 2944], sizes = [8, 128], strides = [1, 1]} : vector<8x76928xf32> to vector<8x128xf32>
    %einshape_lo3A_35 = vector.extract_strided_slice %bitcast_convert_type3A_11 {offsets = [0, 3072], sizes = [8, 128], strides = [1, 1]} : vector<8x76928xf32> to vector<8x128xf32>
    %einshape_lo3A_36 = vector.extract_strided_slice %bitcast_convert_type3A_11 {offsets = [0, 3200], sizes = [8, 128], strides = [1, 1]} : vector<8x76928xf32> to vector<8x128xf32>
    %einshape_lo3A_37 = vector.extract_strided_slice %bitcast_convert_type3A_11 {offsets = [0, 3328], sizes = [8, 128], strides = [1, 1]} : vector<8x76928xf32> to vector<8x128xf32>
    %einshape_lo3A_38 = vector.extract_strided_slice %bitcast_convert_type3A_11 {offsets = [0, 3456], sizes = [8, 128], strides = [1, 1]} : vector<8x76928xf32> to vector<8x128xf32>
    %einshape_lo3A_39 = vector.extract_strided_slice %bitcast_convert_type3A_11 {offsets = [0, 3584], sizes = [8, 128], strides = [1, 1]} : vector<8x76928xf32> to vector<8x128xf32>
    %einshape_lo3A_40 = vector.extract_strided_slice %bitcast_convert_type3A_11 {offsets = [0, 3712], sizes = [8, 128], strides = [1, 1]} : vector<8x76928xf32> to vector<8x128xf32>
    %einshape_lo3A_41 = vector.extract_strided_slice %bitcast_convert_type3A_11 {offsets = [0, 3840], sizes = [8, 128], strides = [1, 1]} : vector<8x76928xf32> to vector<8x128xf32>
    %einshape_lo3A_42 = vector.extract_strided_slice %bitcast_convert_type3A_11 {offsets = [0, 3968], sizes = [8, 128], strides = [1, 1]} : vector<8x76928xf32> to vector<8x128xf32>
    %einshape_lo3A_43 = vector.extract_strided_slice %bitcast_convert_type3A_11 {offsets = [0, 4096], sizes = [8, 128], strides = [1, 1]} : vector<8x76928xf32> to vector<8x128xf32>
    %einshape_lo3A_44 = vector.extract_strided_slice %bitcast_convert_type3A_11 {offsets = [0, 4224], sizes = [8, 128], strides = [1, 1]} : vector<8x76928xf32> to vector<8x128xf32>
    %einshape_lo3A_45 = vector.extract_strided_slice %bitcast_convert_type3A_11 {offsets = [0, 4352], sizes = [8, 128], strides = [1, 1]} : vector<8x76928xf32> to vector<8x128xf32>
    %einshape_lo3A_46 = vector.extract_strided_slice %bitcast_convert_type3A_11 {offsets = [0, 4480], sizes = [8, 128], strides = [1, 1]} : vector<8x76928xf32> to vector<8x128xf32>
    %einshape_lo3A_47 = vector.extract_strided_slice %bitcast_convert_type3A_11 {offsets = [0, 4608], sizes = [8, 128], strides = [1, 1]} : vector<8x76928xf32> to vector<8x128xf32>
    %einshape_lo3A_48 = vector.extract_strided_slice %bitcast_convert_type3A_11 {offsets = [0, 4736], sizes = [8, 128], strides = [1, 1]} : vector<8x76928xf32> to vector<8x128xf32>
    %einshape_lo3A_49 = vector.extract_strided_slice %bitcast_convert_type3A_11 {offsets = [0, 4864], sizes = [8, 128], strides = [1, 1]} : vector<8x76928xf32> to vector<8x128xf32>
    %einshape_lo3A_50 = vector.extract_strided_slice %bitcast_convert_type3A_11 {offsets = [0, 4992], sizes = [8, 128], strides = [1, 1]} : vector<8x76928xf32> to vector<8x128xf32>
    %einshape_lo3A_51 = vector.extract_strided_slice %bitcast_convert_type3A_11 {offsets = [0, 5120], sizes = [8, 128], strides = [1, 1]} : vector<8x76928xf32> to vector<8x128xf32>
    %einshape_lo3A_52 = vector.extract_strided_slice %bitcast_convert_type3A_11 {offsets = [0, 5248], sizes = [8, 128], strides = [1, 1]} : vector<8x76928xf32> to vector<8x128xf32>
    %einshape_lo3A_53 = vector.extract_strided_slice %bitcast_convert_type3A_11 {offsets = [0, 5376], sizes = [8, 128], strides = [1, 1]} : vector<8x76928xf32> to vector<8x128xf32>
    %einshape_lo3A_54 = vector.extract_strided_slice %bitcast_convert_type3A_11 {offsets = [0, 5504], sizes = [8, 128], strides = [1, 1]} : vector<8x76928xf32> to vector<8x128xf32>
    %einshape_lo3A_55 = vector.extract_strided_slice %bitcast_convert_type3A_11 {offsets = [0, 5632], sizes = [8, 128], strides = [1, 1]} : vector<8x76928xf32> to vector<8x128xf32>
    %einshape_lo3A_56 = vector.extract_strided_slice %bitcast_convert_type3A_11 {offsets = [0, 5760], sizes = [8, 128], strides = [1, 1]} : vector<8x76928xf32> to vector<8x128xf32>
    %einshape_lo3A_57 = vector.extract_strided_slice %bitcast_convert_type3A_11 {offsets = [0, 5888], sizes = [8, 128], strides = [1, 1]} : vector<8x76928xf32> to vector<8x128xf32>
    %einshape_lo3A_58 = vector.extract_strided_slice %bitcast_convert_type3A_11 {offsets = [0, 6016], sizes = [8, 128], strides = [1, 1]} : vector<8x76928xf32> to vector<8x128xf32>
    %einshape_lo3A_59 = vector.extract_strided_slice %bitcast_convert_type3A_11 {offsets = [0, 6144], sizes = [8, 128], strides = [1, 1]} : vector<8x76928xf32> to vector<8x128xf32>
    %einshape_lo3A_60 = vector.extract_strided_slice %bitcast_convert_type3A_11 {offsets = [0, 6272], sizes = [8, 128], strides = [1, 1]} : vector<8x76928xf32> to vector<8x128xf32>
    %einshape_lo3A_61 = vector.extract_strided_slice %bitcast_convert_type3A_11 {offsets = [0, 6400], sizes = [8, 128], strides = [1, 1]} : vector<8x76928xf32> to vector<8x128xf32>
    %einshape_lo3A_62 = vector.extract_strided_slice %bitcast_convert_type3A_11 {offsets = [0, 6528], sizes = [8, 128], strides = [1, 1]} : vector<8x76928xf32> to vector<8x128xf32>
    %einshape_lo3A_63 = vector.extract_strided_slice %bitcast_convert_type3A_11 {offsets = [0, 6656], sizes = [8, 128], strides = [1, 1]} : vector<8x76928xf32> to vector<8x128xf32>
    %einshape_lo3A_64 = vector.extract_strided_slice %bitcast_convert_type3A_11 {offsets = [0, 6784], sizes = [8, 128], strides = [1, 1]} : vector<8x76928xf32> to vector<8x128xf32>
    %einshape_lo3A_65 = vector.extract_strided_slice %bitcast_convert_type3A_11 {offsets = [0, 6912], sizes = [8, 128], strides = [1, 1]} : vector<8x76928xf32> to vector<8x128xf32>
    %einshape_lo3A_66 = vector.extract_strided_slice %bitcast_convert_type3A_11 {offsets = [0, 7040], sizes = [8, 128], strides = [1, 1]} : vector<8x76928xf32> to vector<8x128xf32>
    %einshape_lo3A_67 = vector.extract_strided_slice %bitcast_convert_type3A_11 {offsets = [0, 7168], sizes = [8, 128], strides = [1, 1]} : vector<8x76928xf32> to vector<8x128xf32>
    %einshape_lo3A_68 = vector.extract_strided_slice %bitcast_convert_type3A_11 {offsets = [0, 7296], sizes = [8, 128], strides = [1, 1]} : vector<8x76928xf32> to vector<8x128xf32>
    %einshape_lo3A_69 = vector.extract_strided_slice %bitcast_convert_type3A_11 {offsets = [0, 7424], sizes = [8, 128], strides = [1, 1]} : vector<8x76928xf32> to vector<8x128xf32>
    %einshape_lo3A_70 = vector.extract_strided_slice %bitcast_convert_type3A_11 {offsets = [0, 7552], sizes = [8, 128], strides = [1, 1]} : vector<8x76928xf32> to vector<8x128xf32>
    %einshape_lo3A_71 = vector.extract_strided_slice %bitcast_convert_type3A_11 {offsets = [0, 7680], sizes = [8, 128], strides = [1, 1]} : vector<8x76928xf32> to vector<8x128xf32>
    %einshape_lo3A_72 = vector.extract_strided_slice %bitcast_convert_type3A_11 {offsets = [0, 7808], sizes = [8, 128], strides = [1, 1]} : vector<8x76928xf32> to vector<8x128xf32>
    %einshape_lo3A_73 = vector.extract_strided_slice %bitcast_convert_type3A_11 {offsets = [0, 7936], sizes = [8, 128], strides = [1, 1]} : vector<8x76928xf32> to vector<8x128xf32>
    %einshape_lo3A_74 = vector.extract_strided_slice %bitcast_convert_type3A_11 {offsets = [0, 8064], sizes = [8, 128], strides = [1, 1]} : vector<8x76928xf32> to vector<8x128xf32>
    %einshape_lo3A_75 = vector.extract_strided_slice %bitcast_convert_type3A_11 {offsets = [0, 8192], sizes = [8, 128], strides = [1, 1]} : vector<8x76928xf32> to vector<8x128xf32>
    %einshape_lo3A_76 = vector.extract_strided_slice %bitcast_convert_type3A_11 {offsets = [0, 8320], sizes = [8, 128], strides = [1, 1]} : vector<8x76928xf32> to vector<8x128xf32>
    %einshape_lo3A_77 = vector.extract_strided_slice %bitcast_convert_type3A_11 {offsets = [0, 8448], sizes = [8, 128], strides = [1, 1]} : vector<8x76928xf32> to vector<8x128xf32>
    %einshape_lo3A_78 = vector.extract_strided_slice %bitcast_convert_type3A_11 {offsets = [0, 8576], sizes = [8, 128], strides = [1, 1]} : vector<8x76928xf32> to vector<8x128xf32>
    %einshape_lo3A_79 = vector.extract_strided_slice %bitcast_convert_type3A_11 {offsets = [0, 8704], sizes = [8, 128], strides = [1, 1]} : vector<8x76928xf32> to vector<8x128xf32>
    %einshape_lo3A_80 = vector.extract_strided_slice %bitcast_convert_type3A_11 {offsets = [0, 8832], sizes = [8, 128], strides = [1, 1]} : vector<8x76928xf32> to vector<8x128xf32>
    %einshape_lo3A_81 = vector.extract_strided_slice %bitcast_convert_type3A_11 {offsets = [0, 8960], sizes = [8, 128], strides = [1, 1]} : vector<8x76928xf32> to vector<8x128xf32>
    %einshape_lo3A_82 = vector.extract_strided_slice %bitcast_convert_type3A_11 {offsets = [0, 9088], sizes = [8, 128], strides = [1, 1]} : vector<8x76928xf32> to vector<8x128xf32>
    %einshape_lo3A_83 = vector.extract_strided_slice %bitcast_convert_type3A_11 {offsets = [0, 9216], sizes = [8, 128], strides = [1, 1]} : vector<8x76928xf32> to vector<8x128xf32>
    %einshape_lo3A_84 = vector.extract_strided_slice %bitcast_convert_type3A_11 {offsets = [0, 9344], sizes = [8, 128], strides = [1, 1]} : vector<8x76928xf32> to vector<8x128xf32>
    %einshape_lo3A_85 = vector.extract_strided_slice %bitcast_convert_type3A_11 {offsets = [0, 9472], sizes = [8, 128], strides = [1, 1]} : vector<8x76928xf32> to vector<8x128xf32>
    %einshape_lo3A_86 = vector.extract_strided_slice %bitcast_convert_type3A_11 {offsets = [0, 9600], sizes = [8, 128], strides = [1, 1]} : vector<8x76928xf32> to vector<8x128xf32>
    %einshape_lo3A_87 = vector.extract_strided_slice %bitcast_convert_type3A_11 {offsets = [0, 9728], sizes = [8, 128], strides = [1, 1]} : vector<8x76928xf32> to vector<8x128xf32>
    %einshape_lo3A_88 = vector.extract_strided_slice %bitcast_convert_type3A_11 {offsets = [0, 9856], sizes = [8, 128], strides = [1, 1]} : vector<8x76928xf32> to vector<8x128xf32>
    %einshape_lo3A_89 = vector.extract_strided_slice %bitcast_convert_type3A_11 {offsets = [0, 9984], sizes = [8, 128], strides = [1, 1]} : vector<8x76928xf32> to vector<8x128xf32>
    %einshape_lo3A_90 = vector.extract_strided_slice %bitcast_convert_type3A_11 {offsets = [0, 10112], sizes = [8, 128], strides = [1, 1]} : vector<8x76928xf32> to vector<8x128xf32>
    %einshape_lo3A_91 = vector.extract_strided_slice %bitcast_convert_type3A_11 {offsets = [0, 10240], sizes = [8, 128], strides = [1, 1]} : vector<8x76928xf32> to vector<8x128xf32>
    %einshape_lo3A_92 = vector.extract_strided_slice %bitcast_convert_type3A_11 {offsets = [0, 10368], sizes = [8, 128], strides = [1, 1]} : vector<8x76928xf32> to vector<8x128xf32>
    %einshape_lo3A_93 = vector.extract_strided_slice %bitcast_convert_type3A_11 {offsets = [0, 10496], sizes = [8, 128], strides = [1, 1]} : vector<8x76928xf32> to vector<8x128xf32>
    %einshape_lo3A_94 = vector.extract_strided_slice %bitcast_convert_type3A_11 {offsets = [0, 10624], sizes = [8, 128], strides = [1, 1]} : vector<8x76928xf32> to vector<8x128xf32>
    %einshape_lo3A_95 = vector.extract_strided_slice %bitcast_convert_type3A_11 {offsets = [0, 10752], sizes = [8, 128], strides = [1, 1]} : vector<8x76928xf32> to vector<8x128xf32>
    %einshape_lo3A_96 = vector.extract_strided_slice %bitcast_convert_type3A_11 {offsets = [0, 10880], sizes = [8, 128], strides = [1, 1]} : vector<8x76928xf32> to vector<8x128xf32>
    %einshape_lo3A_97 = vector.extract_strided_slice %bitcast_convert_type3A_11 {offsets = [0, 11008], sizes = [8, 128], strides = [1, 1]} : vector<8x76928xf32> to vector<8x128xf32>
    %einshape_lo3A_98 = vector.extract_strided_slice %bitcast_convert_type3A_11 {offsets = [0, 11136], sizes = [8, 128], strides = [1, 1]} : vector<8x76928xf32> to vector<8x128xf32>
    %einshape_lo3A_99 = vector.extract_strided_slice %bitcast_convert_type3A_11 {offsets = [0, 11264], sizes = [8, 128], strides = [1, 1]} : vector<8x76928xf32> to vector<8x128xf32>
    %einshape_lo3A_100 = vector.extract_strided_slice %bitcast_convert_type3A_11 {offsets = [0, 11392], sizes = [8, 128], strides = [1, 1]} : vector<8x76928xf32> to vector<8x128xf32>
    %einshape_lo3A_101 = vector.extract_strided_slice %bitcast_convert_type3A_11 {offsets = [0, 11520], sizes = [8, 128], strides = [1, 1]} : vector<8x76928xf32> to vector<8x128xf32>
    %einshape_lo3A_102 = vector.extract_strided_slice %bitcast_convert_type3A_11 {offsets = [0, 11648], sizes = [8, 128], strides = [1, 1]} : vector<8x76928xf32> to vector<8x128xf32>
    %einshape_lo3A_103 = vector.extract_strided_slice %bitcast_convert_type3A_11 {offsets = [0, 11776], sizes = [8, 128], strides = [1, 1]} : vector<8x76928xf32> to vector<8x128xf32>
    %einshape_lo3A_104 = vector.extract_strided_slice %bitcast_convert_type3A_11 {offsets = [0, 11904], sizes = [8, 128], strides = [1, 1]} : vector<8x76928xf32> to vector<8x128xf32>
    %einshape_lo3A_105 = vector.extract_strided_slice %bitcast_convert_type3A_11 {offsets = [0, 12032], sizes = [8, 128], strides = [1, 1]} : vector<8x76928xf32> to vector<8x128xf32>
    %einshape_lo3A_106 = vector.extract_strided_slice %bitcast_convert_type3A_11 {offsets = [0, 12160], sizes = [8, 128], strides = [1, 1]} : vector<8x76928xf32> to vector<8x128xf32>
    %einshape_lo3A_107 = vector.extract_strided_slice %bitcast_convert_type3A_11 {offsets = [0, 12288], sizes = [8, 128], strides = [1, 1]} : vector<8x76928xf32> to vector<8x128xf32>
    %einshape_lo3A_108 = vector.extract_strided_slice %bitcast_convert_type3A_11 {offsets = [0, 12416], sizes = [8, 128], strides = [1, 1]} : vector<8x76928xf32> to vector<8x128xf32>
    %einshape_lo3A_109 = vector.extract_strided_slice %bitcast_convert_type3A_11 {offsets = [0, 12544], sizes = [8, 128], strides = [1, 1]} : vector<8x76928xf32> to vector<8x128xf32>
    %einshape_lo3A_110 = vector.extract_strided_slice %bitcast_convert_type3A_11 {offsets = [0, 12672], sizes = [8, 128], strides = [1, 1]} : vector<8x76928xf32> to vector<8x128xf32>
    %einshape_lo3A_111 = vector.extract_strided_slice %bitcast_convert_type3A_11 {offsets = [0, 12800], sizes = [8, 128], strides = [1, 1]} : vector<8x76928xf32> to vector<8x128xf32>
    %einshape_lo3A_112 = vector.extract_strided_slice %bitcast_convert_type3A_11 {offsets = [0, 12928], sizes = [8, 128], strides = [1, 1]} : vector<8x76928xf32> to vector<8x128xf32>
    %einshape_lo3A_113 = vector.extract_strided_slice %bitcast_convert_type3A_11 {offsets = [0, 13056], sizes = [8, 128], strides = [1, 1]} : vector<8x76928xf32> to vector<8x128xf32>
    %einshape_lo3A_114 = vector.extract_strided_slice %bitcast_convert_type3A_11 {offsets = [0, 13184], sizes = [8, 128], strides = [1, 1]} : vector<8x76928xf32> to vector<8x128xf32>
    %einshape_lo3A_115 = vector.extract_strided_slice %bitcast_convert_type3A_11 {offsets = [0, 13312], sizes = [8, 128], strides = [1, 1]} : vector<8x76928xf32> to vector<8x128xf32>
    %einshape_lo3A_116 = vector.extract_strided_slice %bitcast_convert_type3A_11 {offsets = [0, 13440], sizes = [8, 128], strides = [1, 1]} : vector<8x76928xf32> to vector<8x128xf32>
    %einshape_lo3A_117 = vector.extract_strided_slice %bitcast_convert_type3A_11 {offsets = [0, 13568], sizes = [8, 128], strides = [1, 1]} : vector<8x76928xf32> to vector<8x128xf32>
    %einshape_lo3A_118 = vector.extract_strided_slice %bitcast_convert_type3A_11 {offsets = [0, 13696], sizes = [8, 128], strides = [1, 1]} : vector<8x76928xf32> to vector<8x128xf32>
    %einshape_lo3A_119 = vector.extract_strided_slice %bitcast_convert_type3A_11 {offsets = [0, 13824], sizes = [8, 128], strides = [1, 1]} : vector<8x76928xf32> to vector<8x128xf32>
    %einshape_lo3A_120 = vector.extract_strided_slice %bitcast_convert_type3A_11 {offsets = [0, 13952], sizes = [8, 128], strides = [1, 1]} : vector<8x76928xf32> to vector<8x128xf32>
    %einshape_lo3A_121 = vector.extract_strided_slice %bitcast_convert_type3A_11 {offsets = [0, 14080], sizes = [8, 128], strides = [1, 1]} : vector<8x76928xf32> to vector<8x128xf32>
    %einshape_lo3A_122 = vector.extract_strided_slice %bitcast_convert_type3A_11 {offsets = [0, 14208], sizes = [8, 128], strides = [1, 1]} : vector<8x76928xf32> to vector<8x128xf32>
    %einshape_lo3A_123 = vector.extract_strided_slice %bitcast_convert_type3A_11 {offsets = [0, 14336], sizes = [8, 128], strides = [1, 1]} : vector<8x76928xf32> to vector<8x128xf32>
    %einshape_lo3A_124 = vector.extract_strided_slice %bitcast_convert_type3A_11 {offsets = [0, 14464], sizes = [8, 128], strides = [1, 1]} : vector<8x76928xf32> to vector<8x128xf32>
    %einshape_lo3A_125 = vector.extract_strided_slice %bitcast_convert_type3A_11 {offsets = [0, 14592], sizes = [8, 128], strides = [1, 1]} : vector<8x76928xf32> to vector<8x128xf32>
    %einshape_lo3A_126 = vector.extract_strided_slice %bitcast_convert_type3A_11 {offsets = [0, 14720], sizes = [8, 128], strides = [1, 1]} : vector<8x76928xf32> to vector<8x128xf32>
    %einshape_lo3A_127 = vector.extract_strided_slice %bitcast_convert_type3A_11 {offsets = [0, 14848], sizes = [8, 128], strides = [1, 1]} : vector<8x76928xf32> to vector<8x128xf32>
    %einshape_lo3A_128 = vector.extract_strided_slice %bitcast_convert_type3A_11 {offsets = [0, 14976], sizes = [8, 128], strides = [1, 1]} : vector<8x76928xf32> to vector<8x128xf32>
    %einshape_lo3A_129 = vector.extract_strided_slice %bitcast_convert_type3A_11 {offsets = [0, 15104], sizes = [8, 128], strides = [1, 1]} : vector<8x76928xf32> to vector<8x128xf32>
    %einshape_lo3A_130 = vector.extract_strided_slice %bitcast_convert_type3A_11 {offsets = [0, 15232], sizes = [8, 128], strides = [1, 1]} : vector<8x76928xf32> to vector<8x128xf32>
    %einshape_lo3A_131 = vector.extract_strided_slice %bitcast_convert_type3A_11 {offsets = [0, 15360], sizes = [8, 128], strides = [1, 1]} : vector<8x76928xf32> to vector<8x128xf32>
    %einshape_lo3A_132 = vector.extract_strided_slice %bitcast_convert_type3A_11 {offsets = [0, 15488], sizes = [8, 128], strides = [1, 1]} : vector<8x76928xf32> to vector<8x128xf32>
    %einshape_lo3A_133 = vector.extract_strided_slice %bitcast_convert_type3A_11 {offsets = [0, 15616], sizes = [8, 128], strides = [1, 1]} : vector<8x76928xf32> to vector<8x128xf32>
    %einshape_lo3A_134 = vector.extract_strided_slice %bitcast_convert_type3A_11 {offsets = [0, 15744], sizes = [8, 128], strides = [1, 1]} : vector<8x76928xf32> to vector<8x128xf32>
    %einshape_lo3A_135 = vector.extract_strided_slice %bitcast_convert_type3A_11 {offsets = [0, 15872], sizes = [8, 128], strides = [1, 1]} : vector<8x76928xf32> to vector<8x128xf32>
    %einshape_lo3A_136 = vector.extract_strided_slice %bitcast_convert_type3A_11 {offsets = [0, 16000], sizes = [8, 128], strides = [1, 1]} : vector<8x76928xf32> to vector<8x128xf32>
    %einshape_lo3A_137 = vector.extract_strided_slice %bitcast_convert_type3A_11 {offsets = [0, 16128], sizes = [8, 128], strides = [1, 1]} : vector<8x76928xf32> to vector<8x128xf32>
    %einshape_lo3A_138 = vector.extract_strided_slice %bitcast_convert_type3A_11 {offsets = [0, 16256], sizes = [8, 128], strides = [1, 1]} : vector<8x76928xf32> to vector<8x128xf32>
    %einshape_lo3A_139 = vector.extract_strided_slice %bitcast_convert_type3A_11 {offsets = [0, 16384], sizes = [8, 128], strides = [1, 1]} : vector<8x76928xf32> to vector<8x128xf32>
    %einshape_lo3A_140 = vector.extract_strided_slice %bitcast_convert_type3A_11 {offsets = [0, 16512], sizes = [8, 128], strides = [1, 1]} : vector<8x76928xf32> to vector<8x128xf32>
    %einshape_lo3A_141 = vector.extract_strided_slice %bitcast_convert_type3A_11 {offsets = [0, 16640], sizes = [8, 128], strides = [1, 1]} : vector<8x76928xf32> to vector<8x128xf32>
    %einshape_lo3A_142 = vector.extract_strided_slice %bitcast_convert_type3A_11 {offsets = [0, 16768], sizes = [8, 128], strides = [1, 1]} : vector<8x76928xf32> to vector<8x128xf32>
    %einshape_lo3A_143 = vector.extract_strided_slice %bitcast_convert_type3A_11 {offsets = [0, 16896], sizes = [8, 128], strides = [1, 1]} : vector<8x76928xf32> to vector<8x128xf32>
    %einshape_lo3A_144 = vector.extract_strided_slice %bitcast_convert_type3A_11 {offsets = [0, 17024], sizes = [8, 128], strides = [1, 1]} : vector<8x76928xf32> to vector<8x128xf32>
    %einshape_lo3A_145 = vector.extract_strided_slice %bitcast_convert_type3A_11 {offsets = [0, 17152], sizes = [8, 128], strides = [1, 1]} : vector<8x76928xf32> to vector<8x128xf32>
    %einshape_lo3A_146 = vector.extract_strided_slice %bitcast_convert_type3A_11 {offsets = [0, 17280], sizes = [8, 128], strides = [1, 1]} : vector<8x76928xf32> to vector<8x128xf32>
    %einshape_lo3A_147 = vector.extract_strided_slice %bitcast_convert_type3A_11 {offsets = [0, 17408], sizes = [8, 128], strides = [1, 1]} : vector<8x76928xf32> to vector<8x128xf32>
    %einshape_lo3A_148 = vector.extract_strided_slice %bitcast_convert_type3A_11 {offsets = [0, 17536], sizes = [8, 128], strides = [1, 1]} : vector<8x76928xf32> to vector<8x128xf32>
    %einshape_lo3A_149 = vector.extract_strided_slice %bitcast_convert_type3A_11 {offsets = [0, 17664], sizes = [8, 128], strides = [1, 1]} : vector<8x76928xf32> to vector<8x128xf32>
    %einshape_lo3A_150 = vector.extract_strided_slice %bitcast_convert_type3A_11 {offsets = [0, 17792], sizes = [8, 128], strides = [1, 1]} : vector<8x76928xf32> to vector<8x128xf32>
    %einshape_lo3A_151 = vector.extract_strided_slice %bitcast_convert_type3A_11 {offsets = [0, 17920], sizes = [8, 128], strides = [1, 1]} : vector<8x76928xf32> to vector<8x128xf32>
    %einshape_lo3A_152 = vector.extract_strided_slice %bitcast_convert_type3A_11 {offsets = [0, 18048], sizes = [8, 128], strides = [1, 1]} : vector<8x76928xf32> to vector<8x128xf32>
    %einshape_lo3A_153 = vector.extract_strided_slice %bitcast_convert_type3A_11 {offsets = [0, 18176], sizes = [8, 128], strides = [1, 1]} : vector<8x76928xf32> to vector<8x128xf32>
    %einshape_lo3A_154 = vector.extract_strided_slice %bitcast_convert_type3A_11 {offsets = [0, 18304], sizes = [8, 128], strides = [1, 1]} : vector<8x76928xf32> to vector<8x128xf32>
    %einshape_lo3A_155 = vector.extract_strided_slice %bitcast_convert_type3A_11 {offsets = [0, 18432], sizes = [8, 128], strides = [1, 1]} : vector<8x76928xf32> to vector<8x128xf32>
    %einshape_lo3A_156 = vector.extract_strided_slice %bitcast_convert_type3A_11 {offsets = [0, 18560], sizes = [8, 128], strides = [1, 1]} : vector<8x76928xf32> to vector<8x128xf32>
    %einshape_lo3A_157 = vector.extract_strided_slice %bitcast_convert_type3A_11 {offsets = [0, 18688], sizes = [8, 128], strides = [1, 1]} : vector<8x76928xf32> to vector<8x128xf32>
    %einshape_lo3A_158 = vector.extract_strided_slice %bitcast_convert_type3A_11 {offsets = [0, 18816], sizes = [8, 128], strides = [1, 1]} : vector<8x76928xf32> to vector<8x128xf32>
    %einshape_lo3A_159 = vector.extract_strided_slice %bitcast_convert_type3A_11 {offsets = [0, 18944], sizes = [8, 128], strides = [1, 1]} : vector<8x76928xf32> to vector<8x128xf32>
    %einshape_lo3A_160 = vector.extract_strided_slice %bitcast_convert_type3A_11 {offsets = [0, 19072], sizes = [8, 128], strides = [1, 1]} : vector<8x76928xf32> to vector<8x128xf32>
    %einshape_lo3A_161 = vector.extract_strided_slice %bitcast_convert_type3A_11 {offsets = [0, 19200], sizes = [8, 128], strides = [1, 1]} : vector<8x76928xf32> to vector<8x128xf32>
    %einshape_lo3A_162 = vector.extract_strided_slice %bitcast_convert_type3A_11 {offsets = [0, 19328], sizes = [8, 128], strides = [1, 1]} : vector<8x76928xf32> to vector<8x128xf32>
    %einshape_lo3A_163 = vector.extract_strided_slice %bitcast_convert_type3A_11 {offsets = [0, 19456], sizes = [8, 128], strides = [1, 1]} : vector<8x76928xf32> to vector<8x128xf32>
    %einshape_lo3A_164 = vector.extract_strided_slice %bitcast_convert_type3A_11 {offsets = [0, 19584], sizes = [8, 128], strides = [1, 1]} : vector<8x76928xf32> to vector<8x128xf32>
    %einshape_lo3A_165 = vector.extract_strided_slice %bitcast_convert_type3A_11 {offsets = [0, 19712], sizes = [8, 128], strides = [1, 1]} : vector<8x76928xf32> to vector<8x128xf32>
    %einshape_lo3A_166 = vector.extract_strided_slice %bitcast_convert_type3A_11 {offsets = [0, 19840], sizes = [8, 128], strides = [1, 1]} : vector<8x76928xf32> to vector<8x128xf32>
    %einshape_lo3A_167 = vector.extract_strided_slice %bitcast_convert_type3A_11 {offsets = [0, 19968], sizes = [8, 128], strides = [1, 1]} : vector<8x76928xf32> to vector<8x128xf32>
    %einshape_lo3A_168 = vector.extract_strided_slice %bitcast_convert_type3A_11 {offsets = [0, 20096], sizes = [8, 128], strides = [1, 1]} : vector<8x76928xf32> to vector<8x128xf32>
    %einshape_lo3A_169 = vector.extract_strided_slice %bitcast_convert_type3A_11 {offsets = [0, 20224], sizes = [8, 128], strides = [1, 1]} : vector<8x76928xf32> to vector<8x128xf32>
    %einshape_lo3A_170 = vector.extract_strided_slice %bitcast_convert_type3A_11 {offsets = [0, 20352], sizes = [8, 128], strides = [1, 1]} : vector<8x76928xf32> to vector<8x128xf32>
    %einshape_lo3A_171 = vector.extract_strided_slice %bitcast_convert_type3A_11 {offsets = [0, 20480], sizes = [8, 128], strides = [1, 1]} : vector<8x76928xf32> to vector<8x128xf32>
    %einshape_lo3A_172 = vector.extract_strided_slice %bitcast_convert_type3A_11 {offsets = [0, 20608], sizes = [8, 128], strides = [1, 1]} : vector<8x76928xf32> to vector<8x128xf32>
    %einshape_lo3A_173 = vector.extract_strided_slice %bitcast_convert_type3A_11 {offsets = [0, 20736], sizes = [8, 128], strides = [1, 1]} : vector<8x76928xf32> to vector<8x128xf32>
    %einshape_lo3A_174 = vector.extract_strided_slice %bitcast_convert_type3A_11 {offsets = [0, 20864], sizes = [8, 128], strides = [1, 1]} : vector<8x76928xf32> to vector<8x128xf32>
    %einshape_lo3A_175 = vector.extract_strided_slice %bitcast_convert_type3A_11 {offsets = [0, 20992], sizes = [8, 128], strides = [1, 1]} : vector<8x76928xf32> to vector<8x128xf32>
    %einshape_lo3A_176 = vector.extract_strided_slice %bitcast_convert_type3A_11 {offsets = [0, 21120], sizes = [8, 128], strides = [1, 1]} : vector<8x76928xf32> to vector<8x128xf32>
    %einshape_lo3A_177 = vector.extract_strided_slice %bitcast_convert_type3A_11 {offsets = [0, 21248], sizes = [8, 128], strides = [1, 1]} : vector<8x76928xf32> to vector<8x128xf32>
    %einshape_lo3A_178 = vector.extract_strided_slice %bitcast_convert_type3A_11 {offsets = [0, 21376], sizes = [8, 128], strides = [1, 1]} : vector<8x76928xf32> to vector<8x128xf32>
    %einshape_lo3A_179 = vector.extract_strided_slice %bitcast_convert_type3A_11 {offsets = [0, 21504], sizes = [8, 128], strides = [1, 1]} : vector<8x76928xf32> to vector<8x128xf32>
    %einshape_lo3A_180 = vector.extract_strided_slice %bitcast_convert_type3A_11 {offsets = [0, 21632], sizes = [8, 128], strides = [1, 1]} : vector<8x76928xf32> to vector<8x128xf32>
    %einshape_lo3A_181 = vector.extract_strided_slice %bitcast_convert_type3A_11 {offsets = [0, 21760], sizes = [8, 128], strides = [1, 1]} : vector<8x76928xf32> to vector<8x128xf32>
    %einshape_lo3A_182 = vector.extract_strided_slice %bitcast_convert_type3A_11 {offsets = [0, 21888], sizes = [8, 128], strides = [1, 1]} : vector<8x76928xf32> to vector<8x128xf32>
    %einshape_lo3A_183 = vector.extract_strided_slice %bitcast_convert_type3A_11 {offsets = [0, 22016], sizes = [8, 128], strides = [1, 1]} : vector<8x76928xf32> to vector<8x128xf32>
    %einshape_lo3A_184 = vector.extract_strided_slice %bitcast_convert_type3A_11 {offsets = [0, 22144], sizes = [8, 128], strides = [1, 1]} : vector<8x76928xf32> to vector<8x128xf32>
    %einshape_lo3A_185 = vector.extract_strided_slice %bitcast_convert_type3A_11 {offsets = [0, 22272], sizes = [8, 128], strides = [1, 1]} : vector<8x76928xf32> to vector<8x128xf32>
    %einshape_lo3A_186 = vector.extract_strided_slice %bitcast_convert_type3A_11 {offsets = [0, 22400], sizes = [8, 128], strides = [1, 1]} : vector<8x76928xf32> to vector<8x128xf32>
    %einshape_lo3A_187 = vector.extract_strided_slice %bitcast_convert_type3A_11 {offsets = [0, 22528], sizes = [8, 128], strides = [1, 1]} : vector<8x76928xf32> to vector<8x128xf32>
    %einshape_lo3A_188 = vector.extract_strided_slice %bitcast_convert_type3A_11 {offsets = [0, 22656], sizes = [8, 128], strides = [1, 1]} : vector<8x76928xf32> to vector<8x128xf32>
    %einshape_lo3A_189 = vector.extract_strided_slice %bitcast_convert_type3A_11 {offsets = [0, 22784], sizes = [8, 128], strides = [1, 1]} : vector<8x76928xf32> to vector<8x128xf32>
    %einshape_lo3A_190 = vector.extract_strided_slice %bitcast_convert_type3A_11 {offsets = [0, 22912], sizes = [8, 128], strides = [1, 1]} : vector<8x76928xf32> to vector<8x128xf32>
    %einshape_lo3A_191 = vector.extract_strided_slice %bitcast_convert_type3A_11 {offsets = [0, 23040], sizes = [8, 128], strides = [1, 1]} : vector<8x76928xf32> to vector<8x128xf32>
    %einshape_lo3A_192 = vector.extract_strided_slice %bitcast_convert_type3A_11 {offsets = [0, 23168], sizes = [8, 128], strides = [1, 1]} : vector<8x76928xf32> to vector<8x128xf32>
    %einshape_lo3A_193 = vector.extract_strided_slice %bitcast_convert_type3A_11 {offsets = [0, 23296], sizes = [8, 128], strides = [1, 1]} : vector<8x76928xf32> to vector<8x128xf32>
    %einshape_lo3A_194 = vector.extract_strided_slice %bitcast_convert_type3A_11 {offsets = [0, 23424], sizes = [8, 128], strides = [1, 1]} : vector<8x76928xf32> to vector<8x128xf32>
    %einshape_lo3A_195 = vector.extract_strided_slice %bitcast_convert_type3A_11 {offsets = [0, 23552], sizes = [8, 128], strides = [1, 1]} : vector<8x76928xf32> to vector<8x128xf32>
    %einshape_lo3A_196 = vector.extract_strided_slice %bitcast_convert_type3A_11 {offsets = [0, 23680], sizes = [8, 128], strides = [1, 1]} : vector<8x76928xf32> to vector<8x128xf32>
    %einshape_lo3A_197 = vector.extract_strided_slice %bitcast_convert_type3A_11 {offsets = [0, 23808], sizes = [8, 128], strides = [1, 1]} : vector<8x76928xf32> to vector<8x128xf32>
    %einshape_lo3A_198 = vector.extract_strided_slice %bitcast_convert_type3A_11 {offsets = [0, 23936], sizes = [8, 128], strides = [1, 1]} : vector<8x76928xf32> to vector<8x128xf32>
    %einshape_lo3A_199 = vector.extract_strided_slice %bitcast_convert_type3A_11 {offsets = [0, 24064], sizes = [8, 128], strides = [1, 1]} : vector<8x76928xf32> to vector<8x128xf32>
    %einshape_lo3A_200 = vector.extract_strided_slice %bitcast_convert_type3A_11 {offsets = [0, 24192], sizes = [8, 128], strides = [1, 1]} : vector<8x76928xf32> to vector<8x128xf32>
    %einshape_lo3A_201 = vector.extract_strided_slice %bitcast_convert_type3A_11 {offsets = [0, 24320], sizes = [8, 128], strides = [1, 1]} : vector<8x76928xf32> to vector<8x128xf32>
    %einshape_lo3A_202 = vector.extract_strided_slice %bitcast_convert_type3A_11 {offsets = [0, 24448], sizes = [8, 128], strides = [1, 1]} : vector<8x76928xf32> to vector<8x128xf32>
    %einshape_lo3A_203 = vector.extract_strided_slice %bitcast_convert_type3A_11 {offsets = [0, 24576], sizes = [8, 128], strides = [1, 1]} : vector<8x76928xf32> to vector<8x128xf32>
    %einshape_lo3A_204 = vector.extract_strided_slice %bitcast_convert_type3A_11 {offsets = [0, 24704], sizes = [8, 128], strides = [1, 1]} : vector<8x76928xf32> to vector<8x128xf32>
    %einshape_lo3A_205 = vector.extract_strided_slice %bitcast_convert_type3A_11 {offsets = [0, 24832], sizes = [8, 128], strides = [1, 1]} : vector<8x76928xf32> to vector<8x128xf32>
    %einshape_lo3A_206 = vector.extract_strided_slice %bitcast_convert_type3A_11 {offsets = [0, 24960], sizes = [8, 128], strides = [1, 1]} : vector<8x76928xf32> to vector<8x128xf32>
    %einshape_lo3A_207 = vector.extract_strided_slice %bitcast_convert_type3A_11 {offsets = [0, 25088], sizes = [8, 128], strides = [1, 1]} : vector<8x76928xf32> to vector<8x128xf32>
    %einshape_lo3A_208 = vector.extract_strided_slice %bitcast_convert_type3A_11 {offsets = [0, 25216], sizes = [8, 128], strides = [1, 1]} : vector<8x76928xf32> to vector<8x128xf32>
    %einshape_lo3A_209 = vector.extract_strided_slice %bitcast_convert_type3A_11 {offsets = [0, 25344], sizes = [8, 128], strides = [1, 1]} : vector<8x76928xf32> to vector<8x128xf32>
    %einshape_lo3A_210 = vector.extract_strided_slice %bitcast_convert_type3A_11 {offsets = [0, 25472], sizes = [8, 128], strides = [1, 1]} : vector<8x76928xf32> to vector<8x128xf32>
    %einshape_lo3A_211 = vector.extract_strided_slice %bitcast_convert_type3A_11 {offsets = [0, 25600], sizes = [8, 128], strides = [1, 1]} : vector<8x76928xf32> to vector<8x128xf32>
    %einshape_lo3A_212 = vector.extract_strided_slice %bitcast_convert_type3A_11 {offsets = [0, 25728], sizes = [8, 128], strides = [1, 1]} : vector<8x76928xf32> to vector<8x128xf32>
    %einshape_lo3A_213 = vector.extract_strided_slice %bitcast_convert_type3A_11 {offsets = [0, 25856], sizes = [8, 128], strides = [1, 1]} : vector<8x76928xf32> to vector<8x128xf32>
    %einshape_lo3A_214 = vector.extract_strided_slice %bitcast_convert_type3A_11 {offsets = [0, 25984], sizes = [8, 128], strides = [1, 1]} : vector<8x76928xf32> to vector<8x128xf32>
    %einshape_lo3A_215 = vector.extract_strided_slice %bitcast_convert_type3A_11 {offsets = [0, 26112], sizes = [8, 128], strides = [1, 1]} : vector<8x76928xf32> to vector<8x128xf32>
    %einshape_lo3A_216 = vector.extract_strided_slice %bitcast_convert_type3A_11 {offsets = [0, 26240], sizes = [8, 128], strides = [1, 1]} : vector<8x76928xf32> to vector<8x128xf32>
    %einshape_lo3A_217 = vector.extract_strided_slice %bitcast_convert_type3A_11 {offsets = [0, 26368], sizes = [8, 128], strides = [1, 1]} : vector<8x76928xf32> to vector<8x128xf32>
    %einshape_lo3A_218 = vector.extract_strided_slice %bitcast_convert_type3A_11 {offsets = [0, 26496], sizes = [8, 128], strides = [1, 1]} : vector<8x76928xf32> to vector<8x128xf32>
    %einshape_lo3A_219 = vector.extract_strided_slice %bitcast_convert_type3A_11 {offsets = [0, 26624], sizes = [8, 128], strides = [1, 1]} : vector<8x76928xf32> to vector<8x128xf32>
    %einshape_lo3A_220 = vector.extract_strided_slice %bitcast_convert_type3A_11 {offsets = [0, 26752], sizes = [8, 128], strides = [1, 1]} : vector<8x76928xf32> to vector<8x128xf32>
    %einshape_lo3A_221 = vector.extract_strided_slice %bitcast_convert_type3A_11 {offsets = [0, 26880], sizes = [8, 128], strides = [1, 1]} : vector<8x76928xf32> to vector<8x128xf32>
    %einshape_lo3A_222 = vector.extract_strided_slice %bitcast_convert_type3A_11 {offsets = [0, 27008], sizes = [8, 128], strides = [1, 1]} : vector<8x76928xf32> to vector<8x128xf32>
    %einshape_lo3A_223 = vector.extract_strided_slice %bitcast_convert_type3A_11 {offsets = [0, 27136], sizes = [8, 128], strides = [1, 1]} : vector<8x76928xf32> to vector<8x128xf32>
    %einshape_lo3A_224 = vector.extract_strided_slice %bitcast_convert_type3A_11 {offsets = [0, 27264], sizes = [8, 128], strides = [1, 1]} : vector<8x76928xf32> to vector<8x128xf32>
    %einshape_lo3A_225 = vector.extract_strided_slice %bitcast_convert_type3A_11 {offsets = [0, 27392], sizes = [8, 128], strides = [1, 1]} : vector<8x76928xf32> to vector<8x128xf32>
    %einshape_lo3A_226 = vector.extract_strided_slice %bitcast_convert_type3A_11 {offsets = [0, 27520], sizes = [8, 128], strides = [1, 1]} : vector<8x76928xf32> to vector<8x128xf32>
    %einshape_lo3A_227 = vector.extract_strided_slice %bitcast_convert_type3A_11 {offsets = [0, 27648], sizes = [8, 128], strides = [1, 1]} : vector<8x76928xf32> to vector<8x128xf32>
    %einshape_lo3A_228 = vector.extract_strided_slice %bitcast_convert_type3A_11 {offsets = [0, 27776], sizes = [8, 128], strides = [1, 1]} : vector<8x76928xf32> to vector<8x128xf32>
    %einshape_lo3A_229 = vector.extract_strided_slice %bitcast_convert_type3A_11 {offsets = [0, 27904], sizes = [8, 128], strides = [1, 1]} : vector<8x76928xf32> to vector<8x128xf32>
    %einshape_lo3A_230 = vector.extract_strided_slice %bitcast_convert_type3A_11 {offsets = [0, 28032], sizes = [8, 128], strides = [1, 1]} : vector<8x76928xf32> to vector<8x128xf32>
    %einshape_lo3A_231 = vector.extract_strided_slice %bitcast_convert_type3A_11 {offsets = [0, 28160], sizes = [8, 128], strides = [1, 1]} : vector<8x76928xf32> to vector<8x128xf32>
    %einshape_lo3A_232 = vector.extract_strided_slice %bitcast_convert_type3A_11 {offsets = [0, 28288], sizes = [8, 128], strides = [1, 1]} : vector<8x76928xf32> to vector<8x128xf32>
    %einshape_lo3A_233 = vector.extract_strided_slice %bitcast_convert_type3A_11 {offsets = [0, 28416], sizes = [8, 128], strides = [1, 1]} : vector<8x76928xf32> to vector<8x128xf32>
    %einshape_lo3A_234 = vector.extract_strided_slice %bitcast_convert_type3A_11 {offsets = [0, 28544], sizes = [8, 128], strides = [1, 1]} : vector<8x76928xf32> to vector<8x128xf32>
    %einshape_lo3A_235 = vector.extract_strided_slice %bitcast_convert_type3A_11 {offsets = [0, 28672], sizes = [8, 128], strides = [1, 1]} : vector<8x76928xf32> to vector<8x128xf32>
    %einshape_lo3A_236 = vector.extract_strided_slice %bitcast_convert_type3A_11 {offsets = [0, 28800], sizes = [8, 128], strides = [1, 1]} : vector<8x76928xf32> to vector<8x128xf32>
    %einshape_lo3A_237 = vector.extract_strided_slice %bitcast_convert_type3A_11 {offsets = [0, 28928], sizes = [8, 128], strides = [1, 1]} : vector<8x76928xf32> to vector<8x128xf32>
    %einshape_lo3A_238 = vector.extract_strided_slice %bitcast_convert_type3A_11 {offsets = [0, 29056], sizes = [8, 128], strides = [1, 1]} : vector<8x76928xf32> to vector<8x128xf32>
    %einshape_lo3A_239 = vector.extract_strided_slice %bitcast_convert_type3A_11 {offsets = [0, 29184], sizes = [8, 128], strides = [1, 1]} : vector<8x76928xf32> to vector<8x128xf32>
    %einshape_lo3A_240 = vector.extract_strided_slice %bitcast_convert_type3A_11 {offsets = [0, 29312], sizes = [8, 128], strides = [1, 1]} : vector<8x76928xf32> to vector<8x128xf32>
    %einshape_lo3A_241 = vector.extract_strided_slice %bitcast_convert_type3A_11 {offsets = [0, 29440], sizes = [8, 128], strides = [1, 1]} : vector<8x76928xf32> to vector<8x128xf32>
    %einshape_lo3A_242 = vector.extract_strided_slice %bitcast_convert_type3A_11 {offsets = [0, 29568], sizes = [8, 128], strides = [1, 1]} : vector<8x76928xf32> to vector<8x128xf32>
    %einshape_lo3A_243 = vector.extract_strided_slice %bitcast_convert_type3A_11 {offsets = [0, 29696], sizes = [8, 128], strides = [1, 1]} : vector<8x76928xf32> to vector<8x128xf32>
    %einshape_lo3A_244 = vector.extract_strided_slice %bitcast_convert_type3A_11 {offsets = [0, 29824], sizes = [8, 128], strides = [1, 1]} : vector<8x76928xf32> to vector<8x128xf32>
    %einshape_lo3A_245 = vector.extract_strided_slice %bitcast_convert_type3A_11 {offsets = [0, 29952], sizes = [8, 128], strides = [1, 1]} : vector<8x76928xf32> to vector<8x128xf32>
    %einshape_lo3A_246 = vector.extract_strided_slice %bitcast_convert_type3A_11 {offsets = [0, 30080], sizes = [8, 128], strides = [1, 1]} : vector<8x76928xf32> to vector<8x128xf32>
    %einshape_lo3A_247 = vector.extract_strided_slice %bitcast_convert_type3A_11 {offsets = [0, 30208], sizes = [8, 128], strides = [1, 1]} : vector<8x76928xf32> to vector<8x128xf32>
    %einshape_lo3A_248 = vector.extract_strided_slice %bitcast_convert_type3A_11 {offsets = [0, 30336], sizes = [8, 128], strides = [1, 1]} : vector<8x76928xf32> to vector<8x128xf32>
    %einshape_lo3A_249 = vector.extract_strided_slice %bitcast_convert_type3A_11 {offsets = [0, 30464], sizes = [8, 128], strides = [1, 1]} : vector<8x76928xf32> to vector<8x128xf32>
    %einshape_lo3A_250 = vector.extract_strided_slice %bitcast_convert_type3A_11 {offsets = [0, 30592], sizes = [8, 128], strides = [1, 1]} : vector<8x76928xf32> to vector<8x128xf32>
    %einshape_lo3A_251 = vector.extract_strided_slice %bitcast_convert_type3A_11 {offsets = [0, 30720], sizes = [8, 128], strides = [1, 1]} : vector<8x76928xf32> to vector<8x128xf32>
    %einshape_lo3A_252 = vector.extract_strided_slice %bitcast_convert_type3A_11 {offsets = [0, 30848], sizes = [8, 128], strides = [1, 1]} : vector<8x76928xf32> to vector<8x128xf32>
    %einshape_lo3A_253 = vector.extract_strided_slice %bitcast_convert_type3A_11 {offsets = [0, 30976], sizes = [8, 128], strides = [1, 1]} : vector<8x76928xf32> to vector<8x128xf32>
    %einshape_lo3A_254 = vector.extract_strided_slice %bitcast_convert_type3A_11 {offsets = [0, 31104], sizes = [8, 128], strides = [1, 1]} : vector<8x76928xf32> to vector<8x128xf32>
    %einshape_lo3A_255 = vector.extract_strided_slice %bitcast_convert_type3A_11 {offsets = [0, 31232], sizes = [8, 128], strides = [1, 1]} : vector<8x76928xf32> to vector<8x128xf32>
    %einshape_lo3A_256 = vector.extract_strided_slice %bitcast_convert_type3A_11 {offsets = [0, 31360], sizes = [8, 128], strides = [1, 1]} : vector<8x76928xf32> to vector<8x128xf32>
    %einshape_lo3A_257 = vector.extract_strided_slice %bitcast_convert_type3A_11 {offsets = [0, 31488], sizes = [8, 128], strides = [1, 1]} : vector<8x76928xf32> to vector<8x128xf32>
    %einshape_lo3A_258 = vector.extract_strided_slice %bitcast_convert_type3A_11 {offsets = [0, 31616], sizes = [8, 128], strides = [1, 1]} : vector<8x76928xf32> to vector<8x128xf32>
    %einshape_lo3A_259 = vector.extract_strided_slice %bitcast_convert_type3A_11 {offsets = [0, 31744], sizes = [8, 128], strides = [1, 1]} : vector<8x76928xf32> to vector<8x128xf32>
    %einshape_lo3A_260 = vector.extract_strided_slice %bitcast_convert_type3A_11 {offsets = [0, 31872], sizes = [8, 128], strides = [1, 1]} : vector<8x76928xf32> to vector<8x128xf32>
    %einshape_lo3A_261 = vector.extract_strided_slice %bitcast_convert_type3A_11 {offsets = [0, 32000], sizes = [8, 128], strides = [1, 1]} : vector<8x76928xf32> to vector<8x128xf32>
    %einshape_lo3A_262 = vector.extract_strided_slice %bitcast_convert_type3A_11 {offsets = [0, 32128], sizes = [8, 128], strides = [1, 1]} : vector<8x76928xf32> to vector<8x128xf32>
    %einshape_lo3A_263 = vector.extract_strided_slice %bitcast_convert_type3A_11 {offsets = [0, 32256], sizes = [8, 128], strides = [1, 1]} : vector<8x76928xf32> to vector<8x128xf32>
    %einshape_lo3A_264 = vector.extract_strided_slice %bitcast_convert_type3A_11 {offsets = [0, 32384], sizes = [8, 128], strides = [1, 1]} : vector<8x76928xf32> to vector<8x128xf32>
    %einshape_lo3A_265 = vector.extract_strided_slice %bitcast_convert_type3A_11 {offsets = [0, 32512], sizes = [8, 128], strides = [1, 1]} : vector<8x76928xf32> to vector<8x128xf32>
    %einshape_lo3A_266 = vector.extract_strided_slice %bitcast_convert_type3A_11 {offsets = [0, 32640], sizes = [8, 128], strides = [1, 1]} : vector<8x76928xf32> to vector<8x128xf32>
    %einshape_lo3A_267 = vector.extract_strided_slice %bitcast_convert_type3A_11 {offsets = [0, 32768], sizes = [8, 128], strides = [1, 1]} : vector<8x76928xf32> to vector<8x128xf32>
    %einshape_lo3A_268 = vector.extract_strided_slice %bitcast_convert_type3A_11 {offsets = [0, 32896], sizes = [8, 128], strides = [1, 1]} : vector<8x76928xf32> to vector<8x128xf32>
    %einshape_lo3A_269 = vector.extract_strided_slice %bitcast_convert_type3A_11 {offsets = [0, 33024], sizes = [8, 128], strides = [1, 1]} : vector<8x76928xf32> to vector<8x128xf32>
    %einshape_lo3A_270 = vector.extract_strided_slice %bitcast_convert_type3A_11 {offsets = [0, 33152], sizes = [8, 128], strides = [1, 1]} : vector<8x76928xf32> to vector<8x128xf32>
    %einshape_lo3A_271 = vector.extract_strided_slice %bitcast_convert_type3A_11 {offsets = [0, 33280], sizes = [8, 128], strides = [1, 1]} : vector<8x76928xf32> to vector<8x128xf32>
    %einshape_lo3A_272 = vector.extract_strided_slice %bitcast_convert_type3A_11 {offsets = [0, 33408], sizes = [8, 128], strides = [1, 1]} : vector<8x76928xf32> to vector<8x128xf32>
    %einshape_lo3A_273 = vector.extract_strided_slice %bitcast_convert_type3A_11 {offsets = [0, 33536], sizes = [8, 128], strides = [1, 1]} : vector<8x76928xf32> to vector<8x128xf32>
    %einshape_lo3A_274 = vector.extract_strided_slice %bitcast_convert_type3A_11 {offsets = [0, 33664], sizes = [8, 128], strides = [1, 1]} : vector<8x76928xf32> to vector<8x128xf32>
    %einshape_lo3A_275 = vector.extract_strided_slice %bitcast_convert_type3A_11 {offsets = [0, 33792], sizes = [8, 128], strides = [1, 1]} : vector<8x76928xf32> to vector<8x128xf32>
    %einshape_lo3A_276 = vector.extract_strided_slice %bitcast_convert_type3A_11 {offsets = [0, 33920], sizes = [8, 128], strides = [1, 1]} : vector<8x76928xf32> to vector<8x128xf32>
    %einshape_lo3A_277 = vector.extract_strided_slice %bitcast_convert_type3A_11 {offsets = [0, 34048], sizes = [8, 128], strides = [1, 1]} : vector<8x76928xf32> to vector<8x128xf32>
    %einshape_lo3A_278 = vector.extract_strided_slice %bitcast_convert_type3A_11 {offsets = [0, 34176], sizes = [8, 128], strides = [1, 1]} : vector<8x76928xf32> to vector<8x128xf32>
    %einshape_lo3A_279 = vector.extract_strided_slice %bitcast_convert_type3A_11 {offsets = [0, 34304], sizes = [8, 128], strides = [1, 1]} : vector<8x76928xf32> to vector<8x128xf32>
    %einshape_lo3A_280 = vector.extract_strided_slice %bitcast_convert_type3A_11 {offsets = [0, 34432], sizes = [8, 128], strides = [1, 1]} : vector<8x76928xf32> to vector<8x128xf32>
    %einshape_lo3A_281 = vector.extract_strided_slice %bitcast_convert_type3A_11 {offsets = [0, 34560], sizes = [8, 128], strides = [1, 1]} : vector<8x76928xf32> to vector<8x128xf32>
    %einshape_lo3A_282 = vector.extract_strided_slice %bitcast_convert_type3A_11 {offsets = [0, 34688], sizes = [8, 128], strides = [1, 1]} : vector<8x76928xf32> to vector<8x128xf32>
    %einshape_lo3A_283 = vector.extract_strided_slice %bitcast_convert_type3A_11 {offsets = [0, 34816], sizes = [8, 128], strides = [1, 1]} : vector<8x76928xf32> to vector<8x128xf32>
    %einshape_lo3A_284 = vector.extract_strided_slice %bitcast_convert_type3A_11 {offsets = [0, 34944], sizes = [8, 128], strides = [1, 1]} : vector<8x76928xf32> to vector<8x128xf32>
    %einshape_lo3A_285 = vector.extract_strided_slice %bitcast_convert_type3A_11 {offsets = [0, 35072], sizes = [8, 128], strides = [1, 1]} : vector<8x76928xf32> to vector<8x128xf32>
    %einshape_lo3A_286 = vector.extract_strided_slice %bitcast_convert_type3A_11 {offsets = [0, 35200], sizes = [8, 128], strides = [1, 1]} : vector<8x76928xf32> to vector<8x128xf32>
    %einshape_lo3A_287 = vector.extract_strided_slice %bitcast_convert_type3A_11 {offsets = [0, 35328], sizes = [8, 128], strides = [1, 1]} : vector<8x76928xf32> to vector<8x128xf32>
    %einshape_lo3A_288 = vector.extract_strided_slice %bitcast_convert_type3A_11 {offsets = [0, 35456], sizes = [8, 128], strides = [1, 1]} : vector<8x76928xf32> to vector<8x128xf32>
    %einshape_lo3A_289 = vector.extract_strided_slice %bitcast_convert_type3A_11 {offsets = [0, 35584], sizes = [8, 128], strides = [1, 1]} : vector<8x76928xf32> to vector<8x128xf32>
    %einshape_lo3A_290 = vector.extract_strided_slice %bitcast_convert_type3A_11 {offsets = [0, 35712], sizes = [8, 128], strides = [1, 1]} : vector<8x76928xf32> to vector<8x128xf32>
    %einshape_lo3A_291 = vector.extract_strided_slice %bitcast_convert_type3A_11 {offsets = [0, 35840], sizes = [8, 128], strides = [1, 1]} : vector<8x76928xf32> to vector<8x128xf32>
    %einshape_lo3A_292 = vector.extract_strided_slice %bitcast_convert_type3A_11 {offsets = [0, 35968], sizes = [8, 128], strides = [1, 1]} : vector<8x76928xf32> to vector<8x128xf32>
    %einshape_lo3A_293 = vector.extract_strided_slice %bitcast_convert_type3A_11 {offsets = [0, 36096], sizes = [8, 128], strides = [1, 1]} : vector<8x76928xf32> to vector<8x128xf32>
    %einshape_lo3A_294 = vector.extract_strided_slice %bitcast_convert_type3A_11 {offsets = [0, 36224], sizes = [8, 128], strides = [1, 1]} : vector<8x76928xf32> to vector<8x128xf32>
    %einshape_lo3A_295 = vector.extract_strided_slice %bitcast_convert_type3A_11 {offsets = [0, 36352], sizes = [8, 128], strides = [1, 1]} : vector<8x76928xf32> to vector<8x128xf32>
    %einshape_lo3A_296 = vector.extract_strided_slice %bitcast_convert_type3A_11 {offsets = [0, 36480], sizes = [8, 128], strides = [1, 1]} : vector<8x76928xf32> to vector<8x128xf32>
    %einshape_lo3A_297 = vector.extract_strided_slice %bitcast_convert_type3A_11 {offsets = [0, 36608], sizes = [8, 128], strides = [1, 1]} : vector<8x76928xf32> to vector<8x128xf32>
    %einshape_lo3A_298 = vector.extract_strided_slice %bitcast_convert_type3A_11 {offsets = [0, 36736], sizes = [8, 128], strides = [1, 1]} : vector<8x76928xf32> to vector<8x128xf32>
    %einshape_lo3A_299 = vector.extract_strided_slice %bitcast_convert_type3A_11 {offsets = [0, 36864], sizes = [8, 128], strides = [1, 1]} : vector<8x76928xf32> to vector<8x128xf32>
    %einshape_lo3A_300 = vector.extract_strided_slice %bitcast_convert_type3A_11 {offsets = [0, 36992], sizes = [8, 128], strides = [1, 1]} : vector<8x76928xf32> to vector<8x128xf32>
    %einshape_lo3A_301 = vector.extract_strided_slice %bitcast_convert_type3A_11 {offsets = [0, 37120], sizes = [8, 128], strides = [1, 1]} : vector<8x76928xf32> to vector<8x128xf32>
    %einshape_lo3A_302 = vector.extract_strided_slice %bitcast_convert_type3A_11 {offsets = [0, 37248], sizes = [8, 128], strides = [1, 1]} : vector<8x76928xf32> to vector<8x128xf32>
    %einshape_lo3A_303 = vector.extract_strided_slice %bitcast_convert_type3A_11 {offsets = [0, 37376], sizes = [8, 128], strides = [1, 1]} : vector<8x76928xf32> to vector<8x128xf32>
    %einshape_lo3A_304 = vector.extract_strided_slice %bitcast_convert_type3A_11 {offsets = [0, 37504], sizes = [8, 128], strides = [1, 1]} : vector<8x76928xf32> to vector<8x128xf32>
    %einshape_lo3A_305 = vector.extract_strided_slice %bitcast_convert_type3A_11 {offsets = [0, 37632], sizes = [8, 128], strides = [1, 1]} : vector<8x76928xf32> to vector<8x128xf32>
    %einshape_lo3A_306 = vector.extract_strided_slice %bitcast_convert_type3A_11 {offsets = [0, 37760], sizes = [8, 128], strides = [1, 1]} : vector<8x76928xf32> to vector<8x128xf32>
    %einshape_lo3A_307 = vector.extract_strided_slice %bitcast_convert_type3A_11 {offsets = [0, 37888], sizes = [8, 128], strides = [1, 1]} : vector<8x76928xf32> to vector<8x128xf32>
    %einshape_lo3A_308 = vector.extract_strided_slice %bitcast_convert_type3A_11 {offsets = [0, 38016], sizes = [8, 128], strides = [1, 1]} : vector<8x76928xf32> to vector<8x128xf32>
    %einshape_lo3A_309 = vector.extract_strided_slice %bitcast_convert_type3A_11 {offsets = [0, 38144], sizes = [8, 128], strides = [1, 1]} : vector<8x76928xf32> to vector<8x128xf32>
    %einshape_lo3A_310 = vector.extract_strided_slice %bitcast_convert_type3A_11 {offsets = [0, 38272], sizes = [8, 128], strides = [1, 1]} : vector<8x76928xf32> to vector<8x128xf32>
    %einshape_lo3A_311 = vector.extract_strided_slice %bitcast_convert_type3A_11 {offsets = [0, 38400], sizes = [8, 128], strides = [1, 1]} : vector<8x76928xf32> to vector<8x128xf32>
    %einshape_lo3A_312 = vector.extract_strided_slice %bitcast_convert_type3A_11 {offsets = [0, 38528], sizes = [8, 128], strides = [1, 1]} : vector<8x76928xf32> to vector<8x128xf32>
    %einshape_lo3A_313 = vector.extract_strided_slice %bitcast_convert_type3A_11 {offsets = [0, 38656], sizes = [8, 128], strides = [1, 1]} : vector<8x76928xf32> to vector<8x128xf32>
    %einshape_lo3A_314 = vector.extract_strided_slice %bitcast_convert_type3A_11 {offsets = [0, 38784], sizes = [8, 128], strides = [1, 1]} : vector<8x76928xf32> to vector<8x128xf32>
    %einshape_lo3A_315 = vector.extract_strided_slice %bitcast_convert_type3A_11 {offsets = [0, 38912], sizes = [8, 128], strides = [1, 1]} : vector<8x76928xf32> to vector<8x128xf32>
    %einshape_lo3A_316 = vector.extract_strided_slice %bitcast_convert_type3A_11 {offsets = [0, 39040], sizes = [8, 128], strides = [1, 1]} : vector<8x76928xf32> to vector<8x128xf32>
    %einshape_lo3A_317 = vector.extract_strided_slice %bitcast_convert_type3A_11 {offsets = [0, 39168], sizes = [8, 128], strides = [1, 1]} : vector<8x76928xf32> to vector<8x128xf32>
    %einshape_lo3A_318 = vector.extract_strided_slice %bitcast_convert_type3A_11 {offsets = [0, 39296], sizes = [8, 128], strides = [1, 1]} : vector<8x76928xf32> to vector<8x128xf32>
    %einshape_lo3A_319 = vector.extract_strided_slice %bitcast_convert_type3A_11 {offsets = [0, 39424], sizes = [8, 128], strides = [1, 1]} : vector<8x76928xf32> to vector<8x128xf32>
    %einshape_lo3A_320 = vector.extract_strided_slice %bitcast_convert_type3A_11 {offsets = [0, 39552], sizes = [8, 128], strides = [1, 1]} : vector<8x76928xf32> to vector<8x128xf32>
    %einshape_lo3A_321 = vector.extract_strided_slice %bitcast_convert_type3A_11 {offsets = [0, 39680], sizes = [8, 128], strides = [1, 1]} : vector<8x76928xf32> to vector<8x128xf32>
    %einshape_lo3A_322 = vector.extract_strided_slice %bitcast_convert_type3A_11 {offsets = [0, 39808], sizes = [8, 128], strides = [1, 1]} : vector<8x76928xf32> to vector<8x128xf32>
    %einshape_lo3A_323 = vector.extract_strided_slice %bitcast_convert_type3A_11 {offsets = [0, 39936], sizes = [8, 128], strides = [1, 1]} : vector<8x76928xf32> to vector<8x128xf32>
    %einshape_lo3A_324 = vector.extract_strided_slice %bitcast_convert_type3A_11 {offsets = [0, 40064], sizes = [8, 128], strides = [1, 1]} : vector<8x76928xf32> to vector<8x128xf32>
    %einshape_lo3A_325 = vector.extract_strided_slice %bitcast_convert_type3A_11 {offsets = [0, 40192], sizes = [8, 128], strides = [1, 1]} : vector<8x76928xf32> to vector<8x128xf32>
    %einshape_lo3A_326 = vector.extract_strided_slice %bitcast_convert_type3A_11 {offsets = [0, 40320], sizes = [8, 128], strides = [1, 1]} : vector<8x76928xf32> to vector<8x128xf32>
    %einshape_lo3A_327 = vector.extract_strided_slice %bitcast_convert_type3A_11 {offsets = [0, 40448], sizes = [8, 128], strides = [1, 1]} : vector<8x76928xf32> to vector<8x128xf32>
    %einshape_lo3A_328 = vector.extract_strided_slice %bitcast_convert_type3A_11 {offsets = [0, 40576], sizes = [8, 128], strides = [1, 1]} : vector<8x76928xf32> to vector<8x128xf32>
    %einshape_lo3A_329 = vector.extract_strided_slice %bitcast_convert_type3A_11 {offsets = [0, 40704], sizes = [8, 128], strides = [1, 1]} : vector<8x76928xf32> to vector<8x128xf32>
    %einshape_lo3A_330 = vector.extract_strided_slice %bitcast_convert_type3A_11 {offsets = [0, 40832], sizes = [8, 128], strides = [1, 1]} : vector<8x76928xf32> to vector<8x128xf32>
    %einshape_lo3A_331 = vector.extract_strided_slice %bitcast_convert_type3A_11 {offsets = [0, 40960], sizes = [8, 128], strides = [1, 1]} : vector<8x76928xf32> to vector<8x128xf32>
    %einshape_lo3A_332 = vector.extract_strided_slice %bitcast_convert_type3A_11 {offsets = [0, 41088], sizes = [8, 128], strides = [1, 1]} : vector<8x76928xf32> to vector<8x128xf32>
    %einshape_lo3A_333 = vector.extract_strided_slice %bitcast_convert_type3A_11 {offsets = [0, 41216], sizes = [8, 128], strides = [1, 1]} : vector<8x76928xf32> to vector<8x128xf32>
    %einshape_lo3A_334 = vector.extract_strided_slice %bitcast_convert_type3A_11 {offsets = [0, 41344], sizes = [8, 128], strides = [1, 1]} : vector<8x76928xf32> to vector<8x128xf32>
    %einshape_lo3A_335 = vector.extract_strided_slice %bitcast_convert_type3A_11 {offsets = [0, 41472], sizes = [8, 128], strides = [1, 1]} : vector<8x76928xf32> to vector<8x128xf32>
    %einshape_lo3A_336 = vector.extract_strided_slice %bitcast_convert_type3A_11 {offsets = [0, 41600], sizes = [8, 128], strides = [1, 1]} : vector<8x76928xf32> to vector<8x128xf32>
    %einshape_lo3A_337 = vector.extract_strided_slice %bitcast_convert_type3A_11 {offsets = [0, 41728], sizes = [8, 128], strides = [1, 1]} : vector<8x76928xf32> to vector<8x128xf32>
    %einshape_lo3A_338 = vector.extract_strided_slice %bitcast_convert_type3A_11 {offsets = [0, 41856], sizes = [8, 128], strides = [1, 1]} : vector<8x76928xf32> to vector<8x128xf32>
    %einshape_lo3A_339 = vector.extract_strided_slice %bitcast_convert_type3A_11 {offsets = [0, 41984], sizes = [8, 128], strides = [1, 1]} : vector<8x76928xf32> to vector<8x128xf32>
    %einshape_lo3A_340 = vector.extract_strided_slice %bitcast_convert_type3A_11 {offsets = [0, 42112], sizes = [8, 128], strides = [1, 1]} : vector<8x76928xf32> to vector<8x128xf32>
    %einshape_lo3A_341 = vector.extract_strided_slice %bitcast_convert_type3A_11 {offsets = [0, 42240], sizes = [8, 128], strides = [1, 1]} : vector<8x76928xf32> to vector<8x128xf32>
    %einshape_lo3A_342 = vector.extract_strided_slice %bitcast_convert_type3A_11 {offsets = [0, 42368], sizes = [8, 128], strides = [1, 1]} : vector<8x76928xf32> to vector<8x128xf32>
    %einshape_lo3A_343 = vector.extract_strided_slice %bitcast_convert_type3A_11 {offsets = [0, 42496], sizes = [8, 128], strides = [1, 1]} : vector<8x76928xf32> to vector<8x128xf32>
    %einshape_lo3A_344 = vector.extract_strided_slice %bitcast_convert_type3A_11 {offsets = [0, 42624], sizes = [8, 128], strides = [1, 1]} : vector<8x76928xf32> to vector<8x128xf32>
    %einshape_lo3A_345 = vector.extract_strided_slice %bitcast_convert_type3A_11 {offsets = [0, 42752], sizes = [8, 128], strides = [1, 1]} : vector<8x76928xf32> to vector<8x128xf32>
    %einshape_lo3A_346 = vector.extract_strided_slice %bitcast_convert_type3A_11 {offsets = [0, 42880], sizes = [8, 128], strides = [1, 1]} : vector<8x76928xf32> to vector<8x128xf32>
    %einshape_lo3A_347 = vector.extract_strided_slice %bitcast_convert_type3A_11 {offsets = [0, 43008], sizes = [8, 128], strides = [1, 1]} : vector<8x76928xf32> to vector<8x128xf32>
    %einshape_lo3A_348 = vector.extract_strided_slice %bitcast_convert_type3A_11 {offsets = [0, 43136], sizes = [8, 128], strides = [1, 1]} : vector<8x76928xf32> to vector<8x128xf32>
    %einshape_lo3A_349 = vector.extract_strided_slice %bitcast_convert_type3A_11 {offsets = [0, 43264], sizes = [8, 128], strides = [1, 1]} : vector<8x76928xf32> to vector<8x128xf32>
    %einshape_lo3A_350 = vector.extract_strided_slice %bitcast_convert_type3A_11 {offsets = [0, 43392], sizes = [8, 128], strides = [1, 1]} : vector<8x76928xf32> to vector<8x128xf32>
    %einshape_lo3A_351 = vector.extract_strided_slice %bitcast_convert_type3A_11 {offsets = [0, 43520], sizes = [8, 128], strides = [1, 1]} : vector<8x76928xf32> to vector<8x128xf32>
    %einshape_lo3A_352 = vector.extract_strided_slice %bitcast_convert_type3A_11 {offsets = [0, 43648], sizes = [8, 128], strides = [1, 1]} : vector<8x76928xf32> to vector<8x128xf32>
    %einshape_lo3A_353 = vector.extract_strided_slice %bitcast_convert_type3A_11 {offsets = [0, 43776], sizes = [8, 128], strides = [1, 1]} : vector<8x76928xf32> to vector<8x128xf32>
    %einshape_lo3A_354 = vector.extract_strided_slice %bitcast_convert_type3A_11 {offsets = [0, 43904], sizes = [8, 128], strides = [1, 1]} : vector<8x76928xf32> to vector<8x128xf32>
    %einshape_lo3A_355 = vector.extract_strided_slice %bitcast_convert_type3A_11 {offsets = [0, 44032], sizes = [8, 128], strides = [1, 1]} : vector<8x76928xf32> to vector<8x128xf32>
    %einshape_lo3A_356 = vector.extract_strided_slice %bitcast_convert_type3A_11 {offsets = [0, 44160], sizes = [8, 128], strides = [1, 1]} : vector<8x76928xf32> to vector<8x128xf32>
    %einshape_lo3A_357 = vector.extract_strided_slice %bitcast_convert_type3A_11 {offsets = [0, 44288], sizes = [8, 128], strides = [1, 1]} : vector<8x76928xf32> to vector<8x128xf32>
    %einshape_lo3A_358 = vector.extract_strided_slice %bitcast_convert_type3A_11 {offsets = [0, 44416], sizes = [8, 128], strides = [1, 1]} : vector<8x76928xf32> to vector<8x128xf32>
    %einshape_lo3A_359 = vector.extract_strided_slice %bitcast_convert_type3A_11 {offsets = [0, 44544], sizes = [8, 128], strides = [1, 1]} : vector<8x76928xf32> to vector<8x128xf32>
    %einshape_lo3A_360 = vector.extract_strided_slice %bitcast_convert_type3A_11 {offsets = [0, 44672], sizes = [8, 128], strides = [1, 1]} : vector<8x76928xf32> to vector<8x128xf32>
    %einshape_lo3A_361 = vector.extract_strided_slice %bitcast_convert_type3A_11 {offsets = [0, 44800], sizes = [8, 128], strides = [1, 1]} : vector<8x76928xf32> to vector<8x128xf32>
    %einshape_lo3A_362 = vector.extract_strided_slice %bitcast_convert_type3A_11 {offsets = [0, 44928], sizes = [8, 128], strides = [1, 1]} : vector<8x76928xf32> to vector<8x128xf32>
    %einshape_lo3A_363 = vector.extract_strided_slice %bitcast_convert_type3A_11 {offsets = [0, 45056], sizes = [8, 128], strides = [1, 1]} : vector<8x76928xf32> to vector<8x128xf32>
    %einshape_lo3A_364 = vector.extract_strided_slice %bitcast_convert_type3A_11 {offsets = [0, 45184], sizes = [8, 128], strides = [1, 1]} : vector<8x76928xf32> to vector<8x128xf32>
    %einshape_lo3A_365 = vector.extract_strided_slice %bitcast_convert_type3A_11 {offsets = [0, 45312], sizes = [8, 128], strides = [1, 1]} : vector<8x76928xf32> to vector<8x128xf32>
    %einshape_lo3A_366 = vector.extract_strided_slice %bitcast_convert_type3A_11 {offsets = [0, 45440], sizes = [8, 128], strides = [1, 1]} : vector<8x76928xf32> to vector<8x128xf32>
    %einshape_lo3A_367 = vector.extract_strided_slice %bitcast_convert_type3A_11 {offsets = [0, 45568], sizes = [8, 128], strides = [1, 1]} : vector<8x76928xf32> to vector<8x128xf32>
    %einshape_lo3A_368 = vector.extract_strided_slice %bitcast_convert_type3A_11 {offsets = [0, 45696], sizes = [8, 128], strides = [1, 1]} : vector<8x76928xf32> to vector<8x128xf32>
    %einshape_lo3A_369 = vector.extract_strided_slice %bitcast_convert_type3A_11 {offsets = [0, 45824], sizes = [8, 128], strides = [1, 1]} : vector<8x76928xf32> to vector<8x128xf32>
    %einshape_lo3A_370 = vector.extract_strided_slice %bitcast_convert_type3A_11 {offsets = [0, 45952], sizes = [8, 128], strides = [1, 1]} : vector<8x76928xf32> to vector<8x128xf32>
    %einshape_lo3A_371 = vector.extract_strided_slice %bitcast_convert_type3A_11 {offsets = [0, 46080], sizes = [8, 128], strides = [1, 1]} : vector<8x76928xf32> to vector<8x128xf32>
    %einshape_lo3A_372 = vector.extract_strided_slice %bitcast_convert_type3A_11 {offsets = [0, 46208], sizes = [8, 128], strides = [1, 1]} : vector<8x76928xf32> to vector<8x128xf32>
    %einshape_lo3A_373 = vector.extract_strided_slice %bitcast_convert_type3A_11 {offsets = [0, 46336], sizes = [8, 128], strides = [1, 1]} : vector<8x76928xf32> to vector<8x128xf32>
    %einshape_lo3A_374 = vector.extract_strided_slice %bitcast_convert_type3A_11 {offsets = [0, 46464], sizes = [8, 128], strides = [1, 1]} : vector<8x76928xf32> to vector<8x128xf32>
    %einshape_lo3A_375 = vector.extract_strided_slice %bitcast_convert_type3A_11 {offsets = [0, 46592], sizes = [8, 128], strides = [1, 1]} : vector<8x76928xf32> to vector<8x128xf32>
    %einshape_lo3A_376 = vector.extract_strided_slice %bitcast_convert_type3A_11 {offsets = [0, 46720], sizes = [8, 128], strides = [1, 1]} : vector<8x76928xf32> to vector<8x128xf32>
    %einshape_lo3A_377 = vector.extract_strided_slice %bitcast_convert_type3A_11 {offsets = [0, 46848], sizes = [8, 128], strides = [1, 1]} : vector<8x76928xf32> to vector<8x128xf32>
    %einshape_lo3A_378 = vector.extract_strided_slice %bitcast_convert_type3A_11 {offsets = [0, 46976], sizes = [8, 128], strides = [1, 1]} : vector<8x76928xf32> to vector<8x128xf32>
    %einshape_lo3A_379 = vector.extract_strided_slice %bitcast_convert_type3A_11 {offsets = [0, 47104], sizes = [8, 128], strides = [1, 1]} : vector<8x76928xf32> to vector<8x128xf32>
    %einshape_lo3A_380 = vector.extract_strided_slice %bitcast_convert_type3A_11 {offsets = [0, 47232], sizes = [8, 128], strides = [1, 1]} : vector<8x76928xf32> to vector<8x128xf32>
    %einshape_lo3A_381 = vector.extract_strided_slice %bitcast_convert_type3A_11 {offsets = [0, 47360], sizes = [8, 128], strides = [1, 1]} : vector<8x76928xf32> to vector<8x128xf32>
    %einshape_lo3A_382 = vector.extract_strided_slice %bitcast_convert_type3A_11 {offsets = [0, 47488], sizes = [8, 128], strides = [1, 1]} : vector<8x76928xf32> to vector<8x128xf32>
    %einshape_lo3A_383 = vector.extract_strided_slice %bitcast_convert_type3A_11 {offsets = [0, 47616], sizes = [8, 128], strides = [1, 1]} : vector<8x76928xf32> to vector<8x128xf32>
    %einshape_lo3A_384 = vector.extract_strided_slice %bitcast_convert_type3A_11 {offsets = [0, 47744], sizes = [8, 128], strides = [1, 1]} : vector<8x76928xf32> to vector<8x128xf32>
    %einshape_lo3A_385 = vector.extract_strided_slice %bitcast_convert_type3A_11 {offsets = [0, 47872], sizes = [8, 128], strides = [1, 1]} : vector<8x76928xf32> to vector<8x128xf32>
    %einshape_lo3A_386 = vector.extract_strided_slice %bitcast_convert_type3A_11 {offsets = [0, 48000], sizes = [8, 128], strides = [1, 1]} : vector<8x76928xf32> to vector<8x128xf32>
    %einshape_lo3A_387 = vector.extract_strided_slice %bitcast_convert_type3A_11 {offsets = [0, 48128], sizes = [8, 128], strides = [1, 1]} : vector<8x76928xf32> to vector<8x128xf32>
    %einshape_lo3A_388 = vector.extract_strided_slice %bitcast_convert_type3A_11 {offsets = [0, 48256], sizes = [8, 128], strides = [1, 1]} : vector<8x76928xf32> to vector<8x128xf32>
    %einshape_lo3A_389 = vector.extract_strided_slice %bitcast_convert_type3A_11 {offsets = [0, 48384], sizes = [8, 128], strides = [1, 1]} : vector<8x76928xf32> to vector<8x128xf32>
    %einshape_lo3A_390 = vector.extract_strided_slice %bitcast_convert_type3A_11 {offsets = [0, 48512], sizes = [8, 128], strides = [1, 1]} : vector<8x76928xf32> to vector<8x128xf32>
    %einshape_lo3A_391 = vector.extract_strided_slice %bitcast_convert_type3A_11 {offsets = [0, 48640], sizes = [8, 128], strides = [1, 1]} : vector<8x76928xf32> to vector<8x128xf32>
    %einshape_lo3A_392 = vector.extract_strided_slice %bitcast_convert_type3A_11 {offsets = [0, 48768], sizes = [8, 128], strides = [1, 1]} : vector<8x76928xf32> to vector<8x128xf32>
    %einshape_lo3A_393 = vector.extract_strided_slice %bitcast_convert_type3A_11 {offsets = [0, 48896], sizes = [8, 128], strides = [1, 1]} : vector<8x76928xf32> to vector<8x128xf32>
    %einshape_lo3A_394 = vector.extract_strided_slice %bitcast_convert_type3A_11 {offsets = [0, 49024], sizes = [8, 128], strides = [1, 1]} : vector<8x76928xf32> to vector<8x128xf32>
    %einshape_lo3A_395 = vector.extract_strided_slice %bitcast_convert_type3A_11 {offsets = [0, 49152], sizes = [8, 128], strides = [1, 1]} : vector<8x76928xf32> to vector<8x128xf32>
    %einshape_lo3A_396 = vector.extract_strided_slice %bitcast_convert_type3A_11 {offsets = [0, 49280], sizes = [8, 128], strides = [1, 1]} : vector<8x76928xf32> to vector<8x128xf32>
    %einshape_lo3A_397 = vector.extract_strided_slice %bitcast_convert_type3A_11 {offsets = [0, 49408], sizes = [8, 128], strides = [1, 1]} : vector<8x76928xf32> to vector<8x128xf32>
    %einshape_lo3A_398 = vector.extract_strided_slice %bitcast_convert_type3A_11 {offsets = [0, 49536], sizes = [8, 128], strides = [1, 1]} : vector<8x76928xf32> to vector<8x128xf32>
    %einshape_lo3A_399 = vector.extract_strided_slice %bitcast_convert_type3A_11 {offsets = [0, 49664], sizes = [8, 128], strides = [1, 1]} : vector<8x76928xf32> to vector<8x128xf32>
    %einshape_lo3A_400 = vector.extract_strided_slice %bitcast_convert_type3A_11 {offsets = [0, 49792], sizes = [8, 128], strides = [1, 1]} : vector<8x76928xf32> to vector<8x128xf32>
    %einshape_lo3A_401 = vector.extract_strided_slice %bitcast_convert_type3A_11 {offsets = [0, 49920], sizes = [8, 128], strides = [1, 1]} : vector<8x76928xf32> to vector<8x128xf32>
    %einshape_lo3A_402 = vector.extract_strided_slice %bitcast_convert_type3A_11 {offsets = [0, 50048], sizes = [8, 128], strides = [1, 1]} : vector<8x76928xf32> to vector<8x128xf32>
    %einshape_lo3A_403 = vector.extract_strided_slice %bitcast_convert_type3A_11 {offsets = [0, 50176], sizes = [8, 128], strides = [1, 1]} : vector<8x76928xf32> to vector<8x128xf32>
    %einshape_lo3A_404 = vector.extract_strided_slice %bitcast_convert_type3A_11 {offsets = [0, 50304], sizes = [8, 128], strides = [1, 1]} : vector<8x76928xf32> to vector<8x128xf32>
    %einshape_lo3A_405 = vector.extract_strided_slice %bitcast_convert_type3A_11 {offsets = [0, 50432], sizes = [8, 128], strides = [1, 1]} : vector<8x76928xf32> to vector<8x128xf32>
    %einshape_lo3A_406 = vector.extract_strided_slice %bitcast_convert_type3A_11 {offsets = [0, 50560], sizes = [8, 128], strides = [1, 1]} : vector<8x76928xf32> to vector<8x128xf32>
    %einshape_lo3A_407 = vector.extract_strided_slice %bitcast_convert_type3A_11 {offsets = [0, 50688], sizes = [8, 128], strides = [1, 1]} : vector<8x76928xf32> to vector<8x128xf32>
    %einshape_lo3A_408 = vector.extract_strided_slice %bitcast_convert_type3A_11 {offsets = [0, 50816], sizes = [8, 128], strides = [1, 1]} : vector<8x76928xf32> to vector<8x128xf32>
    %einshape_lo3A_409 = vector.extract_strided_slice %bitcast_convert_type3A_11 {offsets = [0, 50944], sizes = [8, 128], strides = [1, 1]} : vector<8x76928xf32> to vector<8x128xf32>
    %einshape_lo3A_410 = vector.extract_strided_slice %bitcast_convert_type3A_11 {offsets = [0, 51072], sizes = [8, 128], strides = [1, 1]} : vector<8x76928xf32> to vector<8x128xf32>
    %einshape_lo3A_411 = vector.extract_strided_slice %bitcast_convert_type3A_11 {offsets = [0, 51200], sizes = [8, 128], strides = [1, 1]} : vector<8x76928xf32> to vector<8x128xf32>
    %einshape_lo3A_412 = vector.extract_strided_slice %bitcast_convert_type3A_11 {offsets = [0, 51328], sizes = [8, 128], strides = [1, 1]} : vector<8x76928xf32> to vector<8x128xf32>
    %einshape_lo3A_413 = vector.extract_strided_slice %bitcast_convert_type3A_11 {offsets = [0, 51456], sizes = [8, 128], strides = [1, 1]} : vector<8x76928xf32> to vector<8x128xf32>
    %einshape_lo3A_414 = vector.extract_strided_slice %bitcast_convert_type3A_11 {offsets = [0, 51584], sizes = [8, 128], strides = [1, 1]} : vector<8x76928xf32> to vector<8x128xf32>
    %einshape_lo3A_415 = vector.extract_strided_slice %bitcast_convert_type3A_11 {offsets = [0, 51712], sizes = [8, 128], strides = [1, 1]} : vector<8x76928xf32> to vector<8x128xf32>
    %einshape_lo3A_416 = vector.extract_strided_slice %bitcast_convert_type3A_11 {offsets = [0, 51840], sizes = [8, 128], strides = [1, 1]} : vector<8x76928xf32> to vector<8x128xf32>
    %einshape_lo3A_417 = vector.extract_strided_slice %bitcast_convert_type3A_11 {offsets = [0, 51968], sizes = [8, 128], strides = [1, 1]} : vector<8x76928xf32> to vector<8x128xf32>
    %einshape_lo3A_418 = vector.extract_strided_slice %bitcast_convert_type3A_11 {offsets = [0, 52096], sizes = [8, 128], strides = [1, 1]} : vector<8x76928xf32> to vector<8x128xf32>
    %einshape_lo3A_419 = vector.extract_strided_slice %bitcast_convert_type3A_11 {offsets = [0, 52224], sizes = [8, 128], strides = [1, 1]} : vector<8x76928xf32> to vector<8x128xf32>
    %einshape_lo3A_420 = vector.extract_strided_slice %bitcast_convert_type3A_11 {offsets = [0, 52352], sizes = [8, 128], strides = [1, 1]} : vector<8x76928xf32> to vector<8x128xf32>
    %einshape_lo3A_421 = vector.extract_strided_slice %bitcast_convert_type3A_11 {offsets = [0, 52480], sizes = [8, 128], strides = [1, 1]} : vector<8x76928xf32> to vector<8x128xf32>
    %einshape_lo3A_422 = vector.extract_strided_slice %bitcast_convert_type3A_11 {offsets = [0, 52608], sizes = [8, 128], strides = [1, 1]} : vector<8x76928xf32> to vector<8x128xf32>
    %einshape_lo3A_423 = vector.extract_strided_slice %bitcast_convert_type3A_11 {offsets = [0, 52736], sizes = [8, 128], strides = [1, 1]} : vector<8x76928xf32> to vector<8x128xf32>
    %einshape_lo3A_424 = vector.extract_strided_slice %bitcast_convert_type3A_11 {offsets = [0, 52864], sizes = [8, 128], strides = [1, 1]} : vector<8x76928xf32> to vector<8x128xf32>
    %einshape_lo3A_425 = vector.extract_strided_slice %bitcast_convert_type3A_11 {offsets = [0, 52992], sizes = [8, 128], strides = [1, 1]} : vector<8x76928xf32> to vector<8x128xf32>
    %einshape_lo3A_426 = vector.extract_strided_slice %bitcast_convert_type3A_11 {offsets = [0, 53120], sizes = [8, 128], strides = [1, 1]} : vector<8x76928xf32> to vector<8x128xf32>
    %einshape_lo3A_427 = vector.extract_strided_slice %bitcast_convert_type3A_11 {offsets = [0, 53248], sizes = [8, 128], strides = [1, 1]} : vector<8x76928xf32> to vector<8x128xf32>
    %einshape_lo3A_428 = vector.extract_strided_slice %bitcast_convert_type3A_11 {offsets = [0, 53376], sizes = [8, 128], strides = [1, 1]} : vector<8x76928xf32> to vector<8x128xf32>
    %einshape_lo3A_429 = vector.extract_strided_slice %bitcast_convert_type3A_11 {offsets = [0, 53504], sizes = [8, 128], strides = [1, 1]} : vector<8x76928xf32> to vector<8x128xf32>
    %einshape_lo3A_430 = vector.extract_strided_slice %bitcast_convert_type3A_11 {offsets = [0, 53632], sizes = [8, 128], strides = [1, 1]} : vector<8x76928xf32> to vector<8x128xf32>
    %einshape_lo3A_431 = vector.extract_strided_slice %bitcast_convert_type3A_11 {offsets = [0, 53760], sizes = [8, 128], strides = [1, 1]} : vector<8x76928xf32> to vector<8x128xf32>
    %einshape_lo3A_432 = vector.extract_strided_slice %bitcast_convert_type3A_11 {offsets = [0, 53888], sizes = [8, 128], strides = [1, 1]} : vector<8x76928xf32> to vector<8x128xf32>
    %einshape_lo3A_433 = vector.extract_strided_slice %bitcast_convert_type3A_11 {offsets = [0, 54016], sizes = [8, 128], strides = [1, 1]} : vector<8x76928xf32> to vector<8x128xf32>
    %einshape_lo3A_434 = vector.extract_strided_slice %bitcast_convert_type3A_11 {offsets = [0, 54144], sizes = [8, 128], strides = [1, 1]} : vector<8x76928xf32> to vector<8x128xf32>
    %einshape_lo3A_435 = vector.extract_strided_slice %bitcast_convert_type3A_11 {offsets = [0, 54272], sizes = [8, 128], strides = [1, 1]} : vector<8x76928xf32> to vector<8x128xf32>
    %einshape_lo3A_436 = vector.extract_strided_slice %bitcast_convert_type3A_11 {offsets = [0, 54400], sizes = [8, 128], strides = [1, 1]} : vector<8x76928xf32> to vector<8x128xf32>
    %einshape_lo3A_437 = vector.extract_strided_slice %bitcast_convert_type3A_11 {offsets = [0, 54528], sizes = [8, 128], strides = [1, 1]} : vector<8x76928xf32> to vector<8x128xf32>
    %einshape_lo3A_438 = vector.extract_strided_slice %bitcast_convert_type3A_11 {offsets = [0, 54656], sizes = [8, 128], strides = [1, 1]} : vector<8x76928xf32> to vector<8x128xf32>
    %einshape_lo3A_439 = vector.extract_strided_slice %bitcast_convert_type3A_11 {offsets = [0, 54784], sizes = [8, 128], strides = [1, 1]} : vector<8x76928xf32> to vector<8x128xf32>
    %einshape_lo3A_440 = vector.extract_strided_slice %bitcast_convert_type3A_11 {offsets = [0, 54912], sizes = [8, 128], strides = [1, 1]} : vector<8x76928xf32> to vector<8x128xf32>
    %einshape_lo3A_441 = vector.extract_strided_slice %bitcast_convert_type3A_11 {offsets = [0, 55040], sizes = [8, 128], strides = [1, 1]} : vector<8x76928xf32> to vector<8x128xf32>
    %einshape_lo3A_442 = vector.extract_strided_slice %bitcast_convert_type3A_11 {offsets = [0, 55168], sizes = [8, 128], strides = [1, 1]} : vector<8x76928xf32> to vector<8x128xf32>
    %einshape_lo3A_443 = vector.extract_strided_slice %bitcast_convert_type3A_11 {offsets = [0, 55296], sizes = [8, 128], strides = [1, 1]} : vector<8x76928xf32> to vector<8x128xf32>
    %einshape_lo3A_444 = vector.extract_strided_slice %bitcast_convert_type3A_11 {offsets = [0, 55424], sizes = [8, 128], strides = [1, 1]} : vector<8x76928xf32> to vector<8x128xf32>
    %einshape_lo3A_445 = vector.extract_strided_slice %bitcast_convert_type3A_11 {offsets = [0, 55552], sizes = [8, 128], strides = [1, 1]} : vector<8x76928xf32> to vector<8x128xf32>
    %einshape_lo3A_446 = vector.extract_strided_slice %bitcast_convert_type3A_11 {offsets = [0, 55680], sizes = [8, 128], strides = [1, 1]} : vector<8x76928xf32> to vector<8x128xf32>
    %einshape_lo3A_447 = vector.extract_strided_slice %bitcast_convert_type3A_11 {offsets = [0, 55808], sizes = [8, 128], strides = [1, 1]} : vector<8x76928xf32> to vector<8x128xf32>
    %einshape_lo3A_448 = vector.extract_strided_slice %bitcast_convert_type3A_11 {offsets = [0, 55936], sizes = [8, 128], strides = [1, 1]} : vector<8x76928xf32> to vector<8x128xf32>
    %einshape_lo3A_449 = vector.extract_strided_slice %bitcast_convert_type3A_11 {offsets = [0, 56064], sizes = [8, 128], strides = [1, 1]} : vector<8x76928xf32> to vector<8x128xf32>
    %einshape_lo3A_450 = vector.extract_strided_slice %bitcast_convert_type3A_11 {offsets = [0, 56192], sizes = [8, 128], strides = [1, 1]} : vector<8x76928xf32> to vector<8x128xf32>
    %einshape_lo3A_451 = vector.extract_strided_slice %bitcast_convert_type3A_11 {offsets = [0, 56320], sizes = [8, 128], strides = [1, 1]} : vector<8x76928xf32> to vector<8x128xf32>
    %einshape_lo3A_452 = vector.extract_strided_slice %bitcast_convert_type3A_11 {offsets = [0, 56448], sizes = [8, 128], strides = [1, 1]} : vector<8x76928xf32> to vector<8x128xf32>
    %einshape_lo3A_453 = vector.extract_strided_slice %bitcast_convert_type3A_11 {offsets = [0, 56576], sizes = [8, 128], strides = [1, 1]} : vector<8x76928xf32> to vector<8x128xf32>
    %einshape_lo3A_454 = vector.extract_strided_slice %bitcast_convert_type3A_11 {offsets = [0, 56704], sizes = [8, 128], strides = [1, 1]} : vector<8x76928xf32> to vector<8x128xf32>
    %einshape_lo3A_455 = vector.extract_strided_slice %bitcast_convert_type3A_11 {offsets = [0, 56832], sizes = [8, 128], strides = [1, 1]} : vector<8x76928xf32> to vector<8x128xf32>
    %einshape_lo3A_456 = vector.extract_strided_slice %bitcast_convert_type3A_11 {offsets = [0, 56960], sizes = [8, 128], strides = [1, 1]} : vector<8x76928xf32> to vector<8x128xf32>
    %einshape_lo3A_457 = vector.extract_strided_slice %bitcast_convert_type3A_11 {offsets = [0, 57088], sizes = [8, 128], strides = [1, 1]} : vector<8x76928xf32> to vector<8x128xf32>
    %einshape_lo3A_458 = vector.extract_strided_slice %bitcast_convert_type3A_11 {offsets = [0, 57216], sizes = [8, 128], strides = [1, 1]} : vector<8x76928xf32> to vector<8x128xf32>
    %einshape_lo3A_459 = vector.extract_strided_slice %bitcast_convert_type3A_11 {offsets = [0, 57344], sizes = [8, 128], strides = [1, 1]} : vector<8x76928xf32> to vector<8x128xf32>
    %einshape_lo3A_460 = vector.extract_strided_slice %bitcast_convert_type3A_11 {offsets = [0, 57472], sizes = [8, 128], strides = [1, 1]} : vector<8x76928xf32> to vector<8x128xf32>
    %einshape_lo3A_461 = vector.extract_strided_slice %bitcast_convert_type3A_11 {offsets = [0, 57600], sizes = [8, 128], strides = [1, 1]} : vector<8x76928xf32> to vector<8x128xf32>
    %einshape_lo3A_462 = vector.extract_strided_slice %bitcast_convert_type3A_11 {offsets = [0, 57728], sizes = [8, 128], strides = [1, 1]} : vector<8x76928xf32> to vector<8x128xf32>
    %einshape_lo3A_463 = vector.extract_strided_slice %bitcast_convert_type3A_11 {offsets = [0, 57856], sizes = [8, 128], strides = [1, 1]} : vector<8x76928xf32> to vector<8x128xf32>
    %einshape_lo3A_464 = vector.extract_strided_slice %bitcast_convert_type3A_11 {offsets = [0, 57984], sizes = [8, 128], strides = [1, 1]} : vector<8x76928xf32> to vector<8x128xf32>
    %einshape_lo3A_465 = vector.extract_strided_slice %bitcast_convert_type3A_11 {offsets = [0, 58112], sizes = [8, 128], strides = [1, 1]} : vector<8x76928xf32> to vector<8x128xf32>
    %einshape_lo3A_466 = vector.extract_strided_slice %bitcast_convert_type3A_11 {offsets = [0, 58240], sizes = [8, 128], strides = [1, 1]} : vector<8x76928xf32> to vector<8x128xf32>
    %einshape_lo3A_467 = vector.extract_strided_slice %bitcast_convert_type3A_11 {offsets = [0, 58368], sizes = [8, 128], strides = [1, 1]} : vector<8x76928xf32> to vector<8x128xf32>
    %einshape_lo3A_468 = vector.extract_strided_slice %bitcast_convert_type3A_11 {offsets = [0, 58496], sizes = [8, 128], strides = [1, 1]} : vector<8x76928xf32> to vector<8x128xf32>
    %einshape_lo3A_469 = vector.extract_strided_slice %bitcast_convert_type3A_11 {offsets = [0, 58624], sizes = [8, 128], strides = [1, 1]} : vector<8x76928xf32> to vector<8x128xf32>
    %einshape_lo3A_470 = vector.extract_strided_slice %bitcast_convert_type3A_11 {offsets = [0, 58752], sizes = [8, 128], strides = [1, 1]} : vector<8x76928xf32> to vector<8x128xf32>
    %einshape_lo3A_471 = vector.extract_strided_slice %bitcast_convert_type3A_11 {offsets = [0, 58880], sizes = [8, 128], strides = [1, 1]} : vector<8x76928xf32> to vector<8x128xf32>
    %einshape_lo3A_472 = vector.extract_strided_slice %bitcast_convert_type3A_11 {offsets = [0, 59008], sizes = [8, 128], strides = [1, 1]} : vector<8x76928xf32> to vector<8x128xf32>
    %einshape_lo3A_473 = vector.extract_strided_slice %bitcast_convert_type3A_11 {offsets = [0, 59136], sizes = [8, 128], strides = [1, 1]} : vector<8x76928xf32> to vector<8x128xf32>
    %einshape_lo3A_474 = vector.extract_strided_slice %bitcast_convert_type3A_11 {offsets = [0, 59264], sizes = [8, 128], strides = [1, 1]} : vector<8x76928xf32> to vector<8x128xf32>
    %einshape_lo3A_475 = vector.extract_strided_slice %bitcast_convert_type3A_11 {offsets = [0, 59392], sizes = [8, 128], strides = [1, 1]} : vector<8x76928xf32> to vector<8x128xf32>
    %einshape_lo3A_476 = vector.extract_strided_slice %bitcast_convert_type3A_11 {offsets = [0, 59520], sizes = [8, 128], strides = [1, 1]} : vector<8x76928xf32> to vector<8x128xf32>
    %einshape_lo3A_477 = vector.extract_strided_slice %bitcast_convert_type3A_11 {offsets = [0, 59648], sizes = [8, 128], strides = [1, 1]} : vector<8x76928xf32> to vector<8x128xf32>
    %einshape_lo3A_478 = vector.extract_strided_slice %bitcast_convert_type3A_11 {offsets = [0, 59776], sizes = [8, 128], strides = [1, 1]} : vector<8x76928xf32> to vector<8x128xf32>
    %einshape_lo3A_479 = vector.extract_strided_slice %bitcast_convert_type3A_11 {offsets = [0, 59904], sizes = [8, 128], strides = [1, 1]} : vector<8x76928xf32> to vector<8x128xf32>
    %einshape_lo3A_480 = vector.extract_strided_slice %bitcast_convert_type3A_11 {offsets = [0, 60032], sizes = [8, 128], strides = [1, 1]} : vector<8x76928xf32> to vector<8x128xf32>
    %einshape_lo3A_481 = vector.extract_strided_slice %bitcast_convert_type3A_11 {offsets = [0, 60160], sizes = [8, 128], strides = [1, 1]} : vector<8x76928xf32> to vector<8x128xf32>
    %einshape_lo3A_482 = vector.extract_strided_slice %bitcast_convert_type3A_11 {offsets = [0, 60288], sizes = [8, 128], strides = [1, 1]} : vector<8x76928xf32> to vector<8x128xf32>
    %einshape_lo3A_483 = vector.extract_strided_slice %bitcast_convert_type3A_11 {offsets = [0, 60416], sizes = [8, 128], strides = [1, 1]} : vector<8x76928xf32> to vector<8x128xf32>
    %einshape_lo3A_484 = vector.extract_strided_slice %bitcast_convert_type3A_11 {offsets = [0, 60544], sizes = [8, 128], strides = [1, 1]} : vector<8x76928xf32> to vector<8x128xf32>
    %einshape_lo3A_485 = vector.extract_strided_slice %bitcast_convert_type3A_11 {offsets = [0, 60672], sizes = [8, 128], strides = [1, 1]} : vector<8x76928xf32> to vector<8x128xf32>
    %einshape_lo3A_486 = vector.extract_strided_slice %bitcast_convert_type3A_11 {offsets = [0, 60800], sizes = [8, 128], strides = [1, 1]} : vector<8x76928xf32> to vector<8x128xf32>
    %einshape_lo3A_487 = vector.extract_strided_slice %bitcast_convert_type3A_11 {offsets = [0, 60928], sizes = [8, 128], strides = [1, 1]} : vector<8x76928xf32> to vector<8x128xf32>
    %einshape_lo3A_488 = vector.extract_strided_slice %bitcast_convert_type3A_11 {offsets = [0, 61056], sizes = [8, 128], strides = [1, 1]} : vector<8x76928xf32> to vector<8x128xf32>
    %einshape_lo3A_489 = vector.extract_strided_slice %bitcast_convert_type3A_11 {offsets = [0, 61184], sizes = [8, 128], strides = [1, 1]} : vector<8x76928xf32> to vector<8x128xf32>
    %einshape_lo3A_490 = vector.extract_strided_slice %bitcast_convert_type3A_11 {offsets = [0, 61312], sizes = [8, 128], strides = [1, 1]} : vector<8x76928xf32> to vector<8x128xf32>
    %einshape_lo3A_491 = vector.extract_strided_slice %bitcast_convert_type3A_11 {offsets = [0, 61440], sizes = [8, 128], strides = [1, 1]} : vector<8x76928xf32> to vector<8x128xf32>
    %einshape_lo3A_492 = vector.extract_strided_slice %bitcast_convert_type3A_11 {offsets = [0, 61568], sizes = [8, 128], strides = [1, 1]} : vector<8x76928xf32> to vector<8x128xf32>
    %einshape_lo3A_493 = vector.extract_strided_slice %bitcast_convert_type3A_11 {offsets = [0, 61696], sizes = [8, 128], strides = [1, 1]} : vector<8x76928xf32> to vector<8x128xf32>
    %einshape_lo3A_494 = vector.extract_strided_slice %bitcast_convert_type3A_11 {offsets = [0, 61824], sizes = [8, 128], strides = [1, 1]} : vector<8x76928xf32> to vector<8x128xf32>
    %einshape_lo3A_495 = vector.extract_strided_slice %bitcast_convert_type3A_11 {offsets = [0, 61952], sizes = [8, 128], strides = [1, 1]} : vector<8x76928xf32> to vector<8x128xf32>
    %einshape_lo3A_496 = vector.extract_strided_slice %bitcast_convert_type3A_11 {offsets = [0, 62080], sizes = [8, 128], strides = [1, 1]} : vector<8x76928xf32> to vector<8x128xf32>
    %einshape_lo3A_497 = vector.extract_strided_slice %bitcast_convert_type3A_11 {offsets = [0, 62208], sizes = [8, 128], strides = [1, 1]} : vector<8x76928xf32> to vector<8x128xf32>
    %einshape_lo3A_498 = vector.extract_strided_slice %bitcast_convert_type3A_11 {offsets = [0, 62336], sizes = [8, 128], strides = [1, 1]} : vector<8x76928xf32> to vector<8x128xf32>
    %einshape_lo3A_499 = vector.extract_strided_slice %bitcast_convert_type3A_11 {offsets = [0, 62464], sizes = [8, 128], strides = [1, 1]} : vector<8x76928xf32> to vector<8x128xf32>
    %einshape_lo3A_500 = vector.extract_strided_slice %bitcast_convert_type3A_11 {offsets = [0, 62592], sizes = [8, 128], strides = [1, 1]} : vector<8x76928xf32> to vector<8x128xf32>
    %einshape_lo3A_501 = vector.extract_strided_slice %bitcast_convert_type3A_11 {offsets = [0, 62720], sizes = [8, 128], strides = [1, 1]} : vector<8x76928xf32> to vector<8x128xf32>
    %einshape_lo3A_502 = vector.extract_strided_slice %bitcast_convert_type3A_11 {offsets = [0, 62848], sizes = [8, 128], strides = [1, 1]} : vector<8x76928xf32> to vector<8x128xf32>
    %einshape_lo3A_503 = vector.extract_strided_slice %bitcast_convert_type3A_11 {offsets = [0, 62976], sizes = [8, 128], strides = [1, 1]} : vector<8x76928xf32> to vector<8x128xf32>
    %einshape_lo3A_504 = vector.extract_strided_slice %bitcast_convert_type3A_11 {offsets = [0, 63104], sizes = [8, 128], strides = [1, 1]} : vector<8x76928xf32> to vector<8x128xf32>
    %einshape_lo3A_505 = vector.extract_strided_slice %bitcast_convert_type3A_11 {offsets = [0, 63232], sizes = [8, 128], strides = [1, 1]} : vector<8x76928xf32> to vector<8x128xf32>
    %einshape_lo3A_506 = vector.extract_strided_slice %bitcast_convert_type3A_11 {offsets = [0, 63360], sizes = [8, 128], strides = [1, 1]} : vector<8x76928xf32> to vector<8x128xf32>
    %einshape_lo3A_507 = vector.extract_strided_slice %bitcast_convert_type3A_11 {offsets = [0, 63488], sizes = [8, 128], strides = [1, 1]} : vector<8x76928xf32> to vector<8x128xf32>
    %einshape_lo3A_508 = vector.extract_strided_slice %bitcast_convert_type3A_11 {offsets = [0, 63616], sizes = [8, 128], strides = [1, 1]} : vector<8x76928xf32> to vector<8x128xf32>
    %einshape_lo3A_509 = vector.extract_strided_slice %bitcast_convert_type3A_11 {offsets = [0, 63744], sizes = [8, 128], strides = [1, 1]} : vector<8x76928xf32> to vector<8x128xf32>
    %einshape_lo3A_510 = vector.extract_strided_slice %bitcast_convert_type3A_11 {offsets = [0, 63872], sizes = [8, 128], strides = [1, 1]} : vector<8x76928xf32> to vector<8x128xf32>
    %einshape_lo3A_511 = vector.extract_strided_slice %bitcast_convert_type3A_11 {offsets = [0, 64000], sizes = [8, 128], strides = [1, 1]} : vector<8x76928xf32> to vector<8x128xf32>
    %einshape_lo3A_512 = vector.extract_strided_slice %bitcast_convert_type3A_11 {offsets = [0, 64128], sizes = [8, 128], strides = [1, 1]} : vector<8x76928xf32> to vector<8x128xf32>
    %einshape_lo3A_513 = vector.extract_strided_slice %bitcast_convert_type3A_11 {offsets = [0, 64256], sizes = [8, 128], strides = [1, 1]} : vector<8x76928xf32> to vector<8x128xf32>
    %einshape_lo3A_514 = vector.extract_strided_slice %bitcast_convert_type3A_11 {offsets = [0, 64384], sizes = [8, 128], strides = [1, 1]} : vector<8x76928xf32> to vector<8x128xf32>
    %einshape_lo3A_515 = vector.extract_strided_slice %bitcast_convert_type3A_11 {offsets = [0, 64512], sizes = [8, 128], strides = [1, 1]} : vector<8x76928xf32> to vector<8x128xf32>
    %einshape_lo3A_516 = vector.extract_strided_slice %bitcast_convert_type3A_11 {offsets = [0, 64640], sizes = [8, 128], strides = [1, 1]} : vector<8x76928xf32> to vector<8x128xf32>
    %einshape_lo3A_517 = vector.extract_strided_slice %bitcast_convert_type3A_11 {offsets = [0, 64768], sizes = [8, 128], strides = [1, 1]} : vector<8x76928xf32> to vector<8x128xf32>
    %einshape_lo3A_518 = vector.extract_strided_slice %bitcast_convert_type3A_11 {offsets = [0, 64896], sizes = [8, 128], strides = [1, 1]} : vector<8x76928xf32> to vector<8x128xf32>
    %einshape_lo3A_519 = vector.extract_strided_slice %bitcast_convert_type3A_11 {offsets = [0, 65024], sizes = [8, 128], strides = [1, 1]} : vector<8x76928xf32> to vector<8x128xf32>
    %einshape_lo3A_520 = vector.extract_strided_slice %bitcast_convert_type3A_11 {offsets = [0, 65152], sizes = [8, 128], strides = [1, 1]} : vector<8x76928xf32> to vector<8x128xf32>
    %einshape_lo3A_521 = vector.extract_strided_slice %bitcast_convert_type3A_11 {offsets = [0, 65280], sizes = [8, 128], strides = [1, 1]} : vector<8x76928xf32> to vector<8x128xf32>
    %einshape_lo3A_522 = vector.extract_strided_slice %bitcast_convert_type3A_11 {offsets = [0, 65408], sizes = [8, 128], strides = [1, 1]} : vector<8x76928xf32> to vector<8x128xf32>
    %einshape_lo3A_523 = vector.extract_strided_slice %bitcast_convert_type3A_11 {offsets = [0, 65536], sizes = [8, 128], strides = [1, 1]} : vector<8x76928xf32> to vector<8x128xf32>
    %einshape_lo3A_524 = vector.extract_strided_slice %bitcast_convert_type3A_11 {offsets = [0, 65664], sizes = [8, 128], strides = [1, 1]} : vector<8x76928xf32> to vector<8x128xf32>
    %einshape_lo3A_525 = vector.extract_strided_slice %bitcast_convert_type3A_11 {offsets = [0, 65792], sizes = [8, 128], strides = [1, 1]} : vector<8x76928xf32> to vector<8x128xf32>
    %einshape_lo3A_526 = vector.extract_strided_slice %bitcast_convert_type3A_11 {offsets = [0, 65920], sizes = [8, 128], strides = [1, 1]} : vector<8x76928xf32> to vector<8x128xf32>
    %einshape_lo3A_527 = vector.extract_strided_slice %bitcast_convert_type3A_11 {offsets = [0, 66048], sizes = [8, 128], strides = [1, 1]} : vector<8x76928xf32> to vector<8x128xf32>
    %einshape_lo3A_528 = vector.extract_strided_slice %bitcast_convert_type3A_11 {offsets = [0, 66176], sizes = [8, 128], strides = [1, 1]} : vector<8x76928xf32> to vector<8x128xf32>
    %einshape_lo3A_529 = vector.extract_strided_slice %bitcast_convert_type3A_11 {offsets = [0, 66304], sizes = [8, 128], strides = [1, 1]} : vector<8x76928xf32> to vector<8x128xf32>
    %einshape_lo3A_530 = vector.extract_strided_slice %bitcast_convert_type3A_11 {offsets = [0, 66432], sizes = [8, 128], strides = [1, 1]} : vector<8x76928xf32> to vector<8x128xf32>
    %einshape_lo3A_531 = vector.extract_strided_slice %bitcast_convert_type3A_11 {offsets = [0, 66560], sizes = [8, 128], strides = [1, 1]} : vector<8x76928xf32> to vector<8x128xf32>
    %einshape_lo3A_532 = vector.extract_strided_slice %bitcast_convert_type3A_11 {offsets = [0, 66688], sizes = [8, 128], strides = [1, 1]} : vector<8x76928xf32> to vector<8x128xf32>
    %einshape_lo3A_533 = vector.extract_strided_slice %bitcast_convert_type3A_11 {offsets = [0, 66816], sizes = [8, 128], strides = [1, 1]} : vector<8x76928xf32> to vector<8x128xf32>
    %einshape_lo3A_534 = vector.extract_strided_slice %bitcast_convert_type3A_11 {offsets = [0, 66944], sizes = [8, 128], strides = [1, 1]} : vector<8x76928xf32> to vector<8x128xf32>
    %einshape_lo3A_535 = vector.extract_strided_slice %bitcast_convert_type3A_11 {offsets = [0, 67072], sizes = [8, 128], strides = [1, 1]} : vector<8x76928xf32> to vector<8x128xf32>
    %einshape_lo3A_536 = vector.extract_strided_slice %bitcast_convert_type3A_11 {offsets = [0, 67200], sizes = [8, 128], strides = [1, 1]} : vector<8x76928xf32> to vector<8x128xf32>
    %einshape_lo3A_537 = vector.extract_strided_slice %bitcast_convert_type3A_11 {offsets = [0, 67328], sizes = [8, 128], strides = [1, 1]} : vector<8x76928xf32> to vector<8x128xf32>
    %einshape_lo3A_538 = vector.extract_strided_slice %bitcast_convert_type3A_11 {offsets = [0, 67456], sizes = [8, 128], strides = [1, 1]} : vector<8x76928xf32> to vector<8x128xf32>
    %einshape_lo3A_539 = vector.extract_strided_slice %bitcast_convert_type3A_11 {offsets = [0, 67584], sizes = [8, 128], strides = [1, 1]} : vector<8x76928xf32> to vector<8x128xf32>
    %einshape_lo3A_540 = vector.extract_strided_slice %bitcast_convert_type3A_11 {offsets = [0, 67712], sizes = [8, 128], strides = [1, 1]} : vector<8x76928xf32> to vector<8x128xf32>
    %einshape_lo3A_541 = vector.extract_strided_slice %bitcast_convert_type3A_11 {offsets = [0, 67840], sizes = [8, 128], strides = [1, 1]} : vector<8x76928xf32> to vector<8x128xf32>
    %einshape_lo3A_542 = vector.extract_strided_slice %bitcast_convert_type3A_11 {offsets = [0, 67968], sizes = [8, 128], strides = [1, 1]} : vector<8x76928xf32> to vector<8x128xf32>
    %einshape_lo3A_543 = vector.extract_strided_slice %bitcast_convert_type3A_11 {offsets = [0, 68096], sizes = [8, 128], strides = [1, 1]} : vector<8x76928xf32> to vector<8x128xf32>
    %einshape_lo3A_544 = vector.extract_strided_slice %bitcast_convert_type3A_11 {offsets = [0, 68224], sizes = [8, 128], strides = [1, 1]} : vector<8x76928xf32> to vector<8x128xf32>
    %einshape_lo3A_545 = vector.extract_strided_slice %bitcast_convert_type3A_11 {offsets = [0, 68352], sizes = [8, 128], strides = [1, 1]} : vector<8x76928xf32> to vector<8x128xf32>
    %einshape_lo3A_546 = vector.extract_strided_slice %bitcast_convert_type3A_11 {offsets = [0, 68480], sizes = [8, 128], strides = [1, 1]} : vector<8x76928xf32> to vector<8x128xf32>
    %einshape_lo3A_547 = vector.extract_strided_slice %bitcast_convert_type3A_11 {offsets = [0, 68608], sizes = [8, 128], strides = [1, 1]} : vector<8x76928xf32> to vector<8x128xf32>
    %einshape_lo3A_548 = vector.extract_strided_slice %bitcast_convert_type3A_11 {offsets = [0, 68736], sizes = [8, 128], strides = [1, 1]} : vector<8x76928xf32> to vector<8x128xf32>
    %einshape_lo3A_549 = vector.extract_strided_slice %bitcast_convert_type3A_11 {offsets = [0, 68864], sizes = [8, 128], strides = [1, 1]} : vector<8x76928xf32> to vector<8x128xf32>
    %einshape_lo3A_550 = vector.extract_strided_slice %bitcast_convert_type3A_11 {offsets = [0, 68992], sizes = [8, 128], strides = [1, 1]} : vector<8x76928xf32> to vector<8x128xf32>
    %einshape_lo3A_551 = vector.extract_strided_slice %bitcast_convert_type3A_11 {offsets = [0, 69120], sizes = [8, 128], strides = [1, 1]} : vector<8x76928xf32> to vector<8x128xf32>
    %einshape_lo3A_552 = vector.extract_strided_slice %bitcast_convert_type3A_11 {offsets = [0, 69248], sizes = [8, 128], strides = [1, 1]} : vector<8x76928xf32> to vector<8x128xf32>
    %einshape_lo3A_553 = vector.extract_strided_slice %bitcast_convert_type3A_11 {offsets = [0, 69376], sizes = [8, 128], strides = [1, 1]} : vector<8x76928xf32> to vector<8x128xf32>
    %einshape_lo3A_554 = vector.extract_strided_slice %bitcast_convert_type3A_11 {offsets = [0, 69504], sizes = [8, 128], strides = [1, 1]} : vector<8x76928xf32> to vector<8x128xf32>
    %einshape_lo3A_555 = vector.extract_strided_slice %bitcast_convert_type3A_11 {offsets = [0, 69632], sizes = [8, 128], strides = [1, 1]} : vector<8x76928xf32> to vector<8x128xf32>
    %einshape_lo3A_556 = vector.extract_strided_slice %bitcast_convert_type3A_11 {offsets = [0, 69760], sizes = [8, 128], strides = [1, 1]} : vector<8x76928xf32> to vector<8x128xf32>
    %einshape_lo3A_557 = vector.extract_strided_slice %bitcast_convert_type3A_11 {offsets = [0, 69888], sizes = [8, 128], strides = [1, 1]} : vector<8x76928xf32> to vector<8x128xf32>
    %einshape_lo3A_558 = vector.extract_strided_slice %bitcast_convert_type3A_11 {offsets = [0, 70016], sizes = [8, 128], strides = [1, 1]} : vector<8x76928xf32> to vector<8x128xf32>
    %einshape_lo3A_559 = vector.extract_strided_slice %bitcast_convert_type3A_11 {offsets = [0, 70144], sizes = [8, 128], strides = [1, 1]} : vector<8x76928xf32> to vector<8x128xf32>
    %einshape_lo3A_560 = vector.extract_strided_slice %bitcast_convert_type3A_11 {offsets = [0, 70272], sizes = [8, 128], strides = [1, 1]} : vector<8x76928xf32> to vector<8x128xf32>
    %einshape_lo3A_561 = vector.extract_strided_slice %bitcast_convert_type3A_11 {offsets = [0, 70400], sizes = [8, 128], strides = [1, 1]} : vector<8x76928xf32> to vector<8x128xf32>
    %einshape_lo3A_562 = vector.extract_strided_slice %bitcast_convert_type3A_11 {offsets = [0, 70528], sizes = [8, 128], strides = [1, 1]} : vector<8x76928xf32> to vector<8x128xf32>
    %einshape_lo3A_563 = vector.extract_strided_slice %bitcast_convert_type3A_11 {offsets = [0, 70656], sizes = [8, 128], strides = [1, 1]} : vector<8x76928xf32> to vector<8x128xf32>
    %einshape_lo3A_564 = vector.extract_strided_slice %bitcast_convert_type3A_11 {offsets = [0, 70784], sizes = [8, 128], strides = [1, 1]} : vector<8x76928xf32> to vector<8x128xf32>
    %einshape_lo3A_565 = vector.extract_strided_slice %bitcast_convert_type3A_11 {offsets = [0, 70912], sizes = [8, 128], strides = [1, 1]} : vector<8x76928xf32> to vector<8x128xf32>
    %einshape_lo3A_566 = vector.extract_strided_slice %bitcast_convert_type3A_11 {offsets = [0, 71040], sizes = [8, 128], strides = [1, 1]} : vector<8x76928xf32> to vector<8x128xf32>
    %einshape_lo3A_567 = vector.extract_strided_slice %bitcast_convert_type3A_11 {offsets = [0, 71168], sizes = [8, 128], strides = [1, 1]} : vector<8x76928xf32> to vector<8x128xf32>
    %einshape_lo3A_568 = vector.extract_strided_slice %bitcast_convert_type3A_11 {offsets = [0, 71296], sizes = [8, 128], strides = [1, 1]} : vector<8x76928xf32> to vector<8x128xf32>
    %einshape_lo3A_569 = vector.extract_strided_slice %bitcast_convert_type3A_11 {offsets = [0, 71424], sizes = [8, 128], strides = [1, 1]} : vector<8x76928xf32> to vector<8x128xf32>
    %einshape_lo3A_570 = vector.extract_strided_slice %bitcast_convert_type3A_11 {offsets = [0, 71552], sizes = [8, 128], strides = [1, 1]} : vector<8x76928xf32> to vector<8x128xf32>
    %einshape_lo3A_571 = vector.extract_strided_slice %bitcast_convert_type3A_11 {offsets = [0, 71680], sizes = [8, 128], strides = [1, 1]} : vector<8x76928xf32> to vector<8x128xf32>
    %einshape_lo3A_572 = vector.extract_strided_slice %bitcast_convert_type3A_11 {offsets = [0, 71808], sizes = [8, 128], strides = [1, 1]} : vector<8x76928xf32> to vector<8x128xf32>
    %einshape_lo3A_573 = vector.extract_strided_slice %bitcast_convert_type3A_11 {offsets = [0, 71936], sizes = [8, 128], strides = [1, 1]} : vector<8x76928xf32> to vector<8x128xf32>
    %einshape_lo3A_574 = vector.extract_strided_slice %bitcast_convert_type3A_11 {offsets = [0, 72064], sizes = [8, 128], strides = [1, 1]} : vector<8x76928xf32> to vector<8x128xf32>
    %einshape_lo3A_575 = vector.extract_strided_slice %bitcast_convert_type3A_11 {offsets = [0, 72192], sizes = [8, 128], strides = [1, 1]} : vector<8x76928xf32> to vector<8x128xf32>
    %einshape_lo3A_576 = vector.extract_strided_slice %bitcast_convert_type3A_11 {offsets = [0, 72320], sizes = [8, 128], strides = [1, 1]} : vector<8x76928xf32> to vector<8x128xf32>
    %einshape_lo3A_577 = vector.extract_strided_slice %bitcast_convert_type3A_11 {offsets = [0, 72448], sizes = [8, 128], strides = [1, 1]} : vector<8x76928xf32> to vector<8x128xf32>
    %einshape_lo3A_578 = vector.extract_strided_slice %bitcast_convert_type3A_11 {offsets = [0, 72576], sizes = [8, 128], strides = [1, 1]} : vector<8x76928xf32> to vector<8x128xf32>
    %einshape_lo3A_579 = vector.extract_strided_slice %bitcast_convert_type3A_11 {offsets = [0, 72704], sizes = [8, 128], strides = [1, 1]} : vector<8x76928xf32> to vector<8x128xf32>
    %einshape_lo3A_580 = vector.extract_strided_slice %bitcast_convert_type3A_11 {offsets = [0, 72832], sizes = [8, 128], strides = [1, 1]} : vector<8x76928xf32> to vector<8x128xf32>
    %einshape_lo3A_581 = vector.extract_strided_slice %bitcast_convert_type3A_11 {offsets = [0, 72960], sizes = [8, 128], strides = [1, 1]} : vector<8x76928xf32> to vector<8x128xf32>
    %einshape_lo3A_582 = vector.extract_strided_slice %bitcast_convert_type3A_11 {offsets = [0, 73088], sizes = [8, 128], strides = [1, 1]} : vector<8x76928xf32> to vector<8x128xf32>
    %einshape_lo3A_583 = vector.extract_strided_slice %bitcast_convert_type3A_11 {offsets = [0, 73216], sizes = [8, 128], strides = [1, 1]} : vector<8x76928xf32> to vector<8x128xf32>
    %einshape_lo3A_584 = vector.extract_strided_slice %bitcast_convert_type3A_11 {offsets = [0, 73344], sizes = [8, 128], strides = [1, 1]} : vector<8x76928xf32> to vector<8x128xf32>
    %einshape_lo3A_585 = vector.extract_strided_slice %bitcast_convert_type3A_11 {offsets = [0, 73472], sizes = [8, 128], strides = [1, 1]} : vector<8x76928xf32> to vector<8x128xf32>
    %einshape_lo3A_586 = vector.extract_strided_slice %bitcast_convert_type3A_11 {offsets = [0, 73600], sizes = [8, 128], strides = [1, 1]} : vector<8x76928xf32> to vector<8x128xf32>
    %einshape_lo3A_587 = vector.extract_strided_slice %bitcast_convert_type3A_11 {offsets = [0, 73728], sizes = [8, 128], strides = [1, 1]} : vector<8x76928xf32> to vector<8x128xf32>
    %einshape_lo3A_588 = vector.extract_strided_slice %bitcast_convert_type3A_11 {offsets = [0, 73856], sizes = [8, 128], strides = [1, 1]} : vector<8x76928xf32> to vector<8x128xf32>
    %einshape_lo3A_589 = vector.extract_strided_slice %bitcast_convert_type3A_11 {offsets = [0, 73984], sizes = [8, 128], strides = [1, 1]} : vector<8x76928xf32> to vector<8x128xf32>
    %einshape_lo3A_590 = vector.extract_strided_slice %bitcast_convert_type3A_11 {offsets = [0, 74112], sizes = [8, 128], strides = [1, 1]} : vector<8x76928xf32> to vector<8x128xf32>
    %einshape_lo3A_591 = vector.extract_strided_slice %bitcast_convert_type3A_11 {offsets = [0, 74240], sizes = [8, 128], strides = [1, 1]} : vector<8x76928xf32> to vector<8x128xf32>
    %einshape_lo3A_592 = vector.extract_strided_slice %bitcast_convert_type3A_11 {offsets = [0, 74368], sizes = [8, 128], strides = [1, 1]} : vector<8x76928xf32> to vector<8x128xf32>
    %einshape_lo3A_593 = vector.extract_strided_slice %bitcast_convert_type3A_11 {offsets = [0, 74496], sizes = [8, 128], strides = [1, 1]} : vector<8x76928xf32> to vector<8x128xf32>
    %einshape_lo3A_594 = vector.extract_strided_slice %bitcast_convert_type3A_11 {offsets = [0, 74624], sizes = [8, 128], strides = [1, 1]} : vector<8x76928xf32> to vector<8x128xf32>
    %einshape_lo3A_595 = vector.extract_strided_slice %bitcast_convert_type3A_11 {offsets = [0, 74752], sizes = [8, 128], strides = [1, 1]} : vector<8x76928xf32> to vector<8x128xf32>
    %einshape_lo3A_596 = vector.extract_strided_slice %bitcast_convert_type3A_11 {offsets = [0, 74880], sizes = [8, 128], strides = [1, 1]} : vector<8x76928xf32> to vector<8x128xf32>
    %einshape_lo3A_597 = vector.extract_strided_slice %bitcast_convert_type3A_11 {offsets = [0, 75008], sizes = [8, 128], strides = [1, 1]} : vector<8x76928xf32> to vector<8x128xf32>
    %einshape_lo3A_598 = vector.extract_strided_slice %bitcast_convert_type3A_11 {offsets = [0, 75136], sizes = [8, 128], strides = [1, 1]} : vector<8x76928xf32> to vector<8x128xf32>
    %einshape_lo3A_599 = vector.extract_strided_slice %bitcast_convert_type3A_11 {offsets = [0, 75264], sizes = [8, 128], strides = [1, 1]} : vector<8x76928xf32> to vector<8x128xf32>
    %einshape_lo3A_600 = vector.extract_strided_slice %bitcast_convert_type3A_11 {offsets = [0, 75392], sizes = [8, 128], strides = [1, 1]} : vector<8x76928xf32> to vector<8x128xf32>
    %einshape_lo3A_601 = vector.extract_strided_slice %bitcast_convert_type3A_11 {offsets = [0, 75520], sizes = [8, 128], strides = [1, 1]} : vector<8x76928xf32> to vector<8x128xf32>
    %einshape_lo3A_602 = vector.extract_strided_slice %bitcast_convert_type3A_11 {offsets = [0, 75648], sizes = [8, 128], strides = [1, 1]} : vector<8x76928xf32> to vector<8x128xf32>
    %einshape_lo3A_603 = vector.extract_strided_slice %bitcast_convert_type3A_11 {offsets = [0, 75776], sizes = [8, 128], strides = [1, 1]} : vector<8x76928xf32> to vector<8x128xf32>
    %einshape_lo3A_604 = vector.extract_strided_slice %bitcast_convert_type3A_11 {offsets = [0, 75904], sizes = [8, 128], strides = [1, 1]} : vector<8x76928xf32> to vector<8x128xf32>
    %einshape_lo3A_605 = vector.extract_strided_slice %bitcast_convert_type3A_11 {offsets = [0, 76032], sizes = [8, 128], strides = [1, 1]} : vector<8x76928xf32> to vector<8x128xf32>
    %einshape_lo3A_606 = vector.extract_strided_slice %bitcast_convert_type3A_11 {offsets = [0, 76160], sizes = [8, 128], strides = [1, 1]} : vector<8x76928xf32> to vector<8x128xf32>
    %einshape_lo3A_607 = vector.extract_strided_slice %bitcast_convert_type3A_11 {offsets = [0, 76288], sizes = [8, 128], strides = [1, 1]} : vector<8x76928xf32> to vector<8x128xf32>
    %einshape_lo3A_608 = vector.extract_strided_slice %bitcast_convert_type3A_11 {offsets = [0, 76416], sizes = [8, 128], strides = [1, 1]} : vector<8x76928xf32> to vector<8x128xf32>
    %einshape_lo3A_609 = vector.extract_strided_slice %bitcast_convert_type3A_11 {offsets = [0, 76544], sizes = [8, 128], strides = [1, 1]} : vector<8x76928xf32> to vector<8x128xf32>
    %einshape_lo3A_610 = vector.extract_strided_slice %bitcast_convert_type3A_11 {offsets = [0, 76672], sizes = [8, 128], strides = [1, 1]} : vector<8x76928xf32> to vector<8x128xf32>
    %einshape_lo3A_611 = vector.extract_strided_slice %bitcast_convert_type3A_11 {offsets = [0, 76800], sizes = [8, 128], strides = [1, 1]} : vector<8x76928xf32> to vector<8x128xf32>
    %einshape_lo3A_612 = tpu.concatenate %einshape_lo3A, %einshape_lo3A_12, %einshape_lo3A_13, %einshape_lo3A_14, %einshape_lo3A_15, %einshape_lo3A_16, %einshape_lo3A_17, %einshape_lo3A_18, %einshape_lo3A_19, %einshape_lo3A_20, %einshape_lo3A_21, %einshape_lo3A_22, %einshape_lo3A_23, %einshape_lo3A_24, %einshape_lo3A_25, %einshape_lo3A_26, %einshape_lo3A_27, %einshape_lo3A_28, %einshape_lo3A_29, %einshape_lo3A_30, %einshape_lo3A_31, %einshape_lo3A_32, %einshape_lo3A_33, %einshape_lo3A_34, %einshape_lo3A_35, %einshape_lo3A_36, %einshape_lo3A_37, %einshape_lo3A_38, %einshape_lo3A_39, %einshape_lo3A_40, %einshape_lo3A_41, %einshape_lo3A_42, %einshape_lo3A_43, %einshape_lo3A_44, %einshape_lo3A_45, %einshape_lo3A_46, %einshape_lo3A_47, %einshape_lo3A_48, %einshape_lo3A_49, %einshape_lo3A_50, %einshape_lo3A_51, %einshape_lo3A_52, %einshape_lo3A_53, %einshape_lo3A_54, %einshape_lo3A_55, %einshape_lo3A_56, %einshape_lo3A_57, %einshape_lo3A_58, %einshape_lo3A_59, %einshape_lo3A_60, %einshape_lo3A_61, %einshape_lo3A_62, %einshape_lo3A_63, %einshape_lo3A_64, %einshape_lo3A_65, %einshape_lo3A_66, %einshape_lo3A_67, %einshape_lo3A_68, %einshape_lo3A_69, %einshape_lo3A_70, %einshape_lo3A_71, %einshape_lo3A_72, %einshape_lo3A_73, %einshape_lo3A_74, %einshape_lo3A_75, %einshape_lo3A_76, %einshape_lo3A_77, %einshape_lo3A_78, %einshape_lo3A_79, %einshape_lo3A_80, %einshape_lo3A_81, %einshape_lo3A_82, %einshape_lo3A_83, %einshape_lo3A_84, %einshape_lo3A_85, %einshape_lo3A_86, %einshape_lo3A_87, %einshape_lo3A_88, %einshape_lo3A_89, %einshape_lo3A_90, %einshape_lo3A_91, %einshape_lo3A_92, %einshape_lo3A_93, %einshape_lo3A_94, %einshape_lo3A_95, %einshape_lo3A_96, %einshape_lo3A_97, %einshape_lo3A_98, %einshape_lo3A_99, %einshape_lo3A_100, %einshape_lo3A_101, %einshape_lo3A_102, %einshape_lo3A_103, %einshape_lo3A_104, %einshape_lo3A_105, %einshape_lo3A_106, %einshape_lo3A_107, %einshape_lo3A_108, %einshape_lo3A_109, %einshape_lo3A_110, %einshape_lo3A_111, %einshape_lo3A_112, %einshape_lo3A_113, %einshape_lo3A_114, %einshape_lo3A_115, %einshape_lo3A_116, %einshape_lo3A_117, %einshape_lo3A_118, %einshape_lo3A_119, %einshape_lo3A_120, %einshape_lo3A_121, %einshape_lo3A_122, %einshape_lo3A_123, %einshape_lo3A_124, %einshape_lo3A_125, %einshape_lo3A_126, %einshape_lo3A_127, %einshape_lo3A_128, %einshape_lo3A_129, %einshape_lo3A_130, %einshape_lo3A_131, %einshape_lo3A_132, %einshape_lo3A_133, %einshape_lo3A_134, %einshape_lo3A_135, %einshape_lo3A_136, %einshape_lo3A_137, %einshape_lo3A_138, %einshape_lo3A_139, %einshape_lo3A_140, %einshape_lo3A_141, %einshape_lo3A_142, %einshape_lo3A_143, %einshape_lo3A_144, %einshape_lo3A_145, %einshape_lo3A_146, %einshape_lo3A_147, %einshape_lo3A_148, %einshape_lo3A_149, %einshape_lo3A_150, %einshape_lo3A_151, %einshape_lo3A_152, %einshape_lo3A_153, %einshape_lo3A_154, %einshape_lo3A_155, %einshape_lo3A_156, %einshape_lo3A_157, %einshape_lo3A_158, %einshape_lo3A_159, %einshape_lo3A_160, %einshape_lo3A_161, %einshape_lo3A_162, %einshape_lo3A_163, %einshape_lo3A_164, %einshape_lo3A_165, %einshape_lo3A_166, %einshape_lo3A_167, %einshape_lo3A_168, %einshape_lo3A_169, %einshape_lo3A_170, %einshape_lo3A_171, %einshape_lo3A_172, %einshape_lo3A_173, %einshape_lo3A_174, %einshape_lo3A_175, %einshape_lo3A_176, %einshape_lo3A_177, %einshape_lo3A_178, %einshape_lo3A_179, %einshape_lo3A_180, %einshape_lo3A_181, %einshape_lo3A_182, %einshape_lo3A_183, %einshape_lo3A_184, %einshape_lo3A_185, %einshape_lo3A_186, %einshape_lo3A_187, %einshape_lo3A_188, %einshape_lo3A_189, %einshape_lo3A_190, %einshape_lo3A_191, %einshape_lo3A_192, %einshape_lo3A_193, %einshape_lo3A_194, %einshape_lo3A_195, %einshape_lo3A_196, %einshape_lo3A_197, %einshape_lo3A_198, %einshape_lo3A_199, %einshape_lo3A_200, %einshape_lo3A_201, %einshape_lo3A_202, %einshape_lo3A_203, %einshape_lo3A_204, %einshape_lo3A_205, %einshape_lo3A_206, %einshape_lo3A_207, %einshape_lo3A_208, %einshape_lo3A_209, %einshape_lo3A_210, %einshape_lo3A_211, %einshape_lo3A_212, %einshape_lo3A_213, %einshape_lo3A_214, %einshape_lo3A_215, %einshape_lo3A_216, %einshape_lo3A_217, %einshape_lo3A_218, %einshape_lo3A_219, %einshape_lo3A_220, %einshape_lo3A_221, %einshape_lo3A_222, %einshape_lo3A_223, %einshape_lo3A_224, %einshape_lo3A_225, %einshape_lo3A_226, %einshape_lo3A_227, %einshape_lo3A_228, %einshape_lo3A_229, %einshape_lo3A_230, %einshape_lo3A_231, %einshape_lo3A_232, %einshape_lo3A_233, %einshape_lo3A_234, %einshape_lo3A_235, %einshape_lo3A_236, %einshape_lo3A_237, %einshape_lo3A_238, %einshape_lo3A_239, %einshape_lo3A_240, %einshape_lo3A_241, %einshape_lo3A_242, %einshape_lo3A_243, %einshape_lo3A_244, %einshape_lo3A_245, %einshape_lo3A_246, %einshape_lo3A_247, %einshape_lo3A_248, %einshape_lo3A_249, %einshape_lo3A_250, %einshape_lo3A_251, %einshape_lo3A_252, %einshape_lo3A_253, %einshape_lo3A_254, %einshape_lo3A_255, %einshape_lo3A_256, %einshape_lo3A_257, %einshape_lo3A_258, %einshape_lo3A_259, %einshape_lo3A_260, %einshape_lo3A_261, %einshape_lo3A_262, %einshape_lo3A_263, %einshape_lo3A_264, %einshape_lo3A_265, %einshape_lo3A_266, %einshape_lo3A_267, %einshape_lo3A_268, %einshape_lo3A_269, %einshape_lo3A_270, %einshape_lo3A_271, %einshape_lo3A_272, %einshape_lo3A_273, %einshape_lo3A_274, %einshape_lo3A_275, %einshape_lo3A_276, %einshape_lo3A_277, %einshape_lo3A_278, %einshape_lo3A_279, %einshape_lo3A_280, %einshape_lo3A_281, %einshape_lo3A_282, %einshape_lo3A_283, %einshape_lo3A_284, %einshape_lo3A_285, %einshape_lo3A_286, %einshape_lo3A_287, %einshape_lo3A_288, %einshape_lo3A_289, %einshape_lo3A_290, %einshape_lo3A_291, %einshape_lo3A_292, %einshape_lo3A_293, %einshape_lo3A_294, %einshape_lo3A_295, %einshape_lo3A_296, %einshape_lo3A_297, %einshape_lo3A_298, %einshape_lo3A_299, %einshape_lo3A_300, %einshape_lo3A_301, %einshape_lo3A_302, %einshape_lo3A_303, %einshape_lo3A_304, %einshape_lo3A_305, %einshape_lo3A_306, %einshape_lo3A_307, %einshape_lo3A_308, %einshape_lo3A_309, %einshape_lo3A_310, %einshape_lo3A_311, %einshape_lo3A_312, %einshape_lo3A_313, %einshape_lo3A_314, %einshape_lo3A_315, %einshape_lo3A_316, %einshape_lo3A_317, %einshape_lo3A_318, %einshape_lo3A_319, %einshape_lo3A_320, %einshape_lo3A_321, %einshape_lo3A_322, %einshape_lo3A_323, %einshape_lo3A_324, %einshape_lo3A_325, %einshape_lo3A_326, %einshape_lo3A_327, %einshape_lo3A_328, %einshape_lo3A_329, %einshape_lo3A_330, %einshape_lo3A_331, %einshape_lo3A_332, %einshape_lo3A_333, %einshape_lo3A_334, %einshape_lo3A_335, %einshape_lo3A_336, %einshape_lo3A_337, %einshape_lo3A_338, %einshape_lo3A_339, %einshape_lo3A_340, %einshape_lo3A_341, %einshape_lo3A_342, %einshape_lo3A_343, %einshape_lo3A_344, %einshape_lo3A_345, %einshape_lo3A_346, %einshape_lo3A_347, %einshape_lo3A_348, %einshape_lo3A_349, %einshape_lo3A_350, %einshape_lo3A_351, %einshape_lo3A_352, %einshape_lo3A_353, %einshape_lo3A_354, %einshape_lo3A_355, %einshape_lo3A_356, %einshape_lo3A_357, %einshape_lo3A_358, %einshape_lo3A_359, %einshape_lo3A_360, %einshape_lo3A_361, %einshape_lo3A_362, %einshape_lo3A_363, %einshape_lo3A_364, %einshape_lo3A_365, %einshape_lo3A_366, %einshape_lo3A_367, %einshape_lo3A_368, %einshape_lo3A_369, %einshape_lo3A_370, %einshape_lo3A_371, %einshape_lo3A_372, %einshape_lo3A_373, %einshape_lo3A_374, %einshape_lo3A_375, %einshape_lo3A_376, %einshape_lo3A_377, %einshape_lo3A_378, %einshape_lo3A_379, %einshape_lo3A_380, %einshape_lo3A_381, %einshape_lo3A_382, %einshape_lo3A_383, %einshape_lo3A_384, %einshape_lo3A_385, %einshape_lo3A_386, %einshape_lo3A_387, %einshape_lo3A_388, %einshape_lo3A_389, %einshape_lo3A_390, %einshape_lo3A_391, %einshape_lo3A_392, %einshape_lo3A_393, %einshape_lo3A_394, %einshape_lo3A_395, %einshape_lo3A_396, %einshape_lo3A_397, %einshape_lo3A_398, %einshape_lo3A_399, %einshape_lo3A_400, %einshape_lo3A_401, %einshape_lo3A_402, %einshape_lo3A_403, %einshape_lo3A_404, %einshape_lo3A_405, %einshape_lo3A_406, %einshape_lo3A_407, %einshape_lo3A_408, %einshape_lo3A_409, %einshape_lo3A_410, %einshape_lo3A_411, %einshape_lo3A_412, %einshape_lo3A_413, %einshape_lo3A_414, %einshape_lo3A_415, %einshape_lo3A_416, %einshape_lo3A_417, %einshape_lo3A_418, %einshape_lo3A_419, %einshape_lo3A_420, %einshape_lo3A_421, %einshape_lo3A_422, %einshape_lo3A_423, %einshape_lo3A_424, %einshape_lo3A_425, %einshape_lo3A_426, %einshape_lo3A_427, %einshape_lo3A_428, %einshape_lo3A_429, %einshape_lo3A_430, %einshape_lo3A_431, %einshape_lo3A_432, %einshape_lo3A_433, %einshape_lo3A_434, %einshape_lo3A_435, %einshape_lo3A_436, %einshape_lo3A_437, %einshape_lo3A_438, %einshape_lo3A_439, %einshape_lo3A_440, %einshape_lo3A_441, %einshape_lo3A_442, %einshape_lo3A_443, %einshape_lo3A_444, %einshape_lo3A_445, %einshape_lo3A_446, %einshape_lo3A_447, %einshape_lo3A_448, %einshape_lo3A_449, %einshape_lo3A_450, %einshape_lo3A_451, %einshape_lo3A_452, %einshape_lo3A_453, %einshape_lo3A_454, %einshape_lo3A_455, %einshape_lo3A_456, %einshape_lo3A_457, %einshape_lo3A_458, %einshape_lo3A_459, %einshape_lo3A_460, %einshape_lo3A_461, %einshape_lo3A_462, %einshape_lo3A_463, %einshape_lo3A_464, %einshape_lo3A_465, %einshape_lo3A_466, %einshape_lo3A_467, %einshape_lo3A_468, %einshape_lo3A_469, %einshape_lo3A_470, %einshape_lo3A_471, %einshape_lo3A_472, %einshape_lo3A_473, %einshape_lo3A_474, %einshape_lo3A_475, %einshape_lo3A_476, %einshape_lo3A_477, %einshape_lo3A_478, %einshape_lo3A_479, %einshape_lo3A_480, %einshape_lo3A_481, %einshape_lo3A_482, %einshape_lo3A_483, %einshape_lo3A_484, %einshape_lo3A_485, %einshape_lo3A_486, %einshape_lo3A_487, %einshape_lo3A_488, %einshape_lo3A_489, %einshape_lo3A_490, %einshape_lo3A_491, %einshape_lo3A_492, %einshape_lo3A_493, %einshape_lo3A_494, %einshape_lo3A_495, %einshape_lo3A_496, %einshape_lo3A_497, %einshape_lo3A_498, %einshape_lo3A_499, %einshape_lo3A_500, %einshape_lo3A_501, %einshape_lo3A_502, %einshape_lo3A_503, %einshape_lo3A_504, %einshape_lo3A_505, %einshape_lo3A_506, %einshape_lo3A_507, %einshape_lo3A_508, %einshape_lo3A_509, %einshape_lo3A_510, %einshape_lo3A_511, %einshape_lo3A_512, %einshape_lo3A_513, %einshape_lo3A_514, %einshape_lo3A_515, %einshape_lo3A_516, %einshape_lo3A_517, %einshape_lo3A_518, %einshape_lo3A_519, %einshape_lo3A_520, %einshape_lo3A_521, %einshape_lo3A_522, %einshape_lo3A_523, %einshape_lo3A_524, %einshape_lo3A_525, %einshape_lo3A_526, %einshape_lo3A_527, %einshape_lo3A_528, %einshape_lo3A_529, %einshape_lo3A_530, %einshape_lo3A_531, %einshape_lo3A_532, %einshape_lo3A_533, %einshape_lo3A_534, %einshape_lo3A_535, %einshape_lo3A_536, %einshape_lo3A_537, %einshape_lo3A_538, %einshape_lo3A_539, %einshape_lo3A_540, %einshape_lo3A_541, %einshape_lo3A_542, %einshape_lo3A_543, %einshape_lo3A_544, %einshape_lo3A_545, %einshape_lo3A_546, %einshape_lo3A_547, %einshape_lo3A_548, %einshape_lo3A_549, %einshape_lo3A_550, %einshape_lo3A_551, %einshape_lo3A_552, %einshape_lo3A_553, %einshape_lo3A_554, %einshape_lo3A_555, %einshape_lo3A_556, %einshape_lo3A_557, %einshape_lo3A_558, %einshape_lo3A_559, %einshape_lo3A_560, %einshape_lo3A_561, %einshape_lo3A_562, %einshape_lo3A_563, %einshape_lo3A_564, %einshape_lo3A_565, %einshape_lo3A_566, %einshape_lo3A_567, %einshape_lo3A_568, %einshape_lo3A_569, %einshape_lo3A_570, %einshape_lo3A_571, %einshape_lo3A_572, %einshape_lo3A_573, %einshape_lo3A_574, %einshape_lo3A_575, %einshape_lo3A_576, %einshape_lo3A_577, %einshape_lo3A_578, %einshape_lo3A_579, %einshape_lo3A_580, %einshape_lo3A_581, %einshape_lo3A_582, %einshape_lo3A_583, %einshape_lo3A_584, %einshape_lo3A_585, %einshape_lo3A_586, %einshape_lo3A_587, %einshape_lo3A_588, %einshape_lo3A_589, %einshape_lo3A_590, %einshape_lo3A_591, %einshape_lo3A_592, %einshape_lo3A_593, %einshape_lo3A_594, %einshape_lo3A_595, %einshape_lo3A_596, %einshape_lo3A_597, %einshape_lo3A_598, %einshape_lo3A_599, %einshape_lo3A_600, %einshape_lo3A_601, %einshape_lo3A_602, %einshape_lo3A_603, %einshape_lo3A_604, %einshape_lo3A_605, %einshape_lo3A_606, %einshape_lo3A_607, %einshape_lo3A_608, %einshape_lo3A_609, %einshape_lo3A_610, %einshape_lo3A_611 in 0 : vector<8x128xf32>, vector<8x128xf32>, vector<8x128xf32>, vector<8x128xf32>, vector<8x128xf32>, vector<8x128xf32>, vector<8x128xf32>, vector<8x128xf32>, vector<8x128xf32>, vector<8x128xf32>, vector<8x128xf32>, vector<8x128xf32>, vector<8x128xf32>, vector<8x128xf32>, vector<8x128xf32>, vector<8x128xf32>, vector<8x128xf32>, vector<8x128xf32>, vector<8x128xf32>, vector<8x128xf32>, vector<8x128xf32>, vector<8x128xf32>, vector<8x128xf32>, vector<8x128xf32>, vector<8x128xf32>, vector<8x128xf32>, vector<8x128xf32>, vector<8x128xf32>, vector<8x128xf32>, vector<8x128xf32>, vector<8x128xf32>, vector<8x128xf32>, vector<8x128xf32>, vector<8x128xf32>, vector<8x128xf32>, vector<8x128xf32>, vector<8x128xf32>, vector<8x128xf32>, vector<8x128xf32>, vector<8x128xf32>, vector<8x128xf32>, vector<8x128xf32>, vector<8x128xf32>, vector<8x128xf32>, vector<8x128xf32>, vector<8x128xf32>, vector<8x128xf32>, vector<8x128xf32>, vector<8x128xf32>, vector<8x128xf32>, vector<8x128xf32>, vector<8x128xf32>, vector<8x128xf32>, vector<8x128xf32>, vector<8x128xf32>, vector<8x128xf32>, vector<8x128xf32>, vector<8x128xf32>, vector<8x128xf32>, vector<8x128xf32>, vector<8x128xf32>, vector<8x128xf32>, vector<8x128xf32>, vector<8x128xf32>, vector<8x128xf32>, vector<8x128xf32>, vector<8x128xf32>, vector<8x128xf32>, vector<8x128xf32>, vector<8x128xf32>, vector<8x128xf32>, vector<8x128xf32>, vector<8x128xf32>, vector<8x128xf32>, vector<8x128xf32>, vector<8x128xf32>, vector<8x128xf32>, vector<8x128xf32>, vector<8x128xf32>, vector<8x128xf32>, vector<8x128xf32>, vector<8x128xf32>, vector<8x128xf32>, vector<8x128xf32>, vector<8x128xf32>, vector<8x128xf32>, vector<8x128xf32>, vector<8x128xf32>, vector<8x128xf32>, vector<8x128xf32>, vector<8x128xf32>, vector<8x128xf32>, vector<8x128xf32>, vector<8x128xf32>, vector<8x128xf32>, vector<8x128xf32>, vector<8x128xf32>, vector<8x128xf32>, vector<8x128xf32>, vector<8x128xf32>, vector<8x128xf32>, vector<8x128xf32>, vector<8x128xf32>, vector<8x128xf32>, vector<8x128xf32>, vector<8x128xf32>, vector<8x128xf32>, vector<8x128xf32>, vector<8x128xf32>, vector<8x128xf32>, vector<8x128xf32>, vector<8x128xf32>, vector<8x128xf32>, vector<8x128xf32>, vector<8x128xf32>, vector<8x128xf32>, vector<8x128xf32>, vector<8x128xf32>, vector<8x128xf32>, vector<8x128xf32>, vector<8x128xf32>, vector<8x128xf32>, vector<8x128xf32>, vector<8x128xf32>, vector<8x128xf32>, vector<8x128xf32>, vector<8x128xf32>, vector<8x128xf32>, vector<8x128xf32>, vector<8x128xf32>, vector<8x128xf32>, vector<8x128xf32>, vector<8x128xf32>, vector<8x128xf32>, vector<8x128xf32>, vector<8x128xf32>, vector<8x128xf32>, vector<8x128xf32>, vector<8x128xf32>, vector<8x128xf32>, vector<8x128xf32>, vector<8x128xf32>, vector<8x128xf32>, vector<8x128xf32>, vector<8x128xf32>, vector<8x128xf32>, vector<8x128xf32>, vector<8x128xf32>, vector<8x128xf32>, vector<8x128xf32>, vector<8x128xf32>, vector<8x128xf32>, vector<8x128xf32>, vector<8x128xf32>, vector<8x128xf32>, vector<8x128xf32>, vector<8x128xf32>, vector<8x128xf32>, vector<8x128xf32>, vector<8x128xf32>, vector<8x128xf32>, vector<8x128xf32>, vector<8x128xf32>, vector<8x128xf32>, vector<8x128xf32>, vector<8x128xf32>, vector<8x128xf32>, vector<8x128xf32>, vector<8x128xf32>, vector<8x128xf32>, vector<8x128xf32>, vector<8x128xf32>, vector<8x128xf32>, vector<8x128xf32>, vector<8x128xf32>, vector<8x128xf32>, vector<8x128xf32>, vector<8x128xf32>, vector<8x128xf32>, vector<8x128xf32>, vector<8x128xf32>, vector<8x128xf32>, vector<8x128xf32>, vector<8x128xf32>, vector<8x128xf32>, vector<8x128xf32>, vector<8x128xf32>, vector<8x128xf32>, vector<8x128xf32>, vector<8x128xf32>, vector<8x128xf32>, vector<8x128xf32>, vector<8x128xf32>, vector<8x128xf32>, vector<8x128xf32>, vector<8x128xf32>, vector<8x128xf32>, vector<8x128xf32>, vector<8x128xf32>, vector<8x128xf32>, vector<8x128xf32>, vector<8x128xf32>, vector<8x128xf32>, vector<8x128xf32>, vector<8x128xf32>, vector<8x128xf32>, vector<8x128xf32>, vector<8x128xf32>, vector<8x128xf32>, vector<8x128xf32>, vector<8x128xf32>, vector<8x128xf32>, vector<8x128xf32>, vector<8x128xf32>, vector<8x128xf32>, vector<8x128xf32>, vector<8x128xf32>, vector<8x128xf32>, vector<8x128xf32>, vector<8x128xf32>, vector<8x128xf32>, vector<8x128xf32>, vector<8x128xf32>, vector<8x128xf32>, vector<8x128xf32>, vector<8x128xf32>, vector<8x128xf32>, vector<8x128xf32>, vector<8x128xf32>, vector<8x128xf32>, vector<8x128xf32>, vector<8x128xf32>, vector<8x128xf32>, vector<8x128xf32>, vector<8x128xf32>, vector<8x128xf32>, vector<8x128xf32>, vector<8x128xf32>, vector<8x128xf32>, vector<8x128xf32>, vector<8x128xf32>, vector<8x128xf32>, vector<8x128xf32>, vector<8x128xf32>, vector<8x128xf32>, vector<8x128xf32>, vector<8x128xf32>, vector<8x128xf32>, vector<8x128xf32>, vector<8x128xf32>, vector<8x128xf32>, vector<8x128xf32>, vector<8x128xf32>, vector<8x128xf32>, vector<8x128xf32>, vector<8x128xf32>, vector<8x128xf32>, vector<8x128xf32>, vector<8x128xf32>, vector<8x128xf32>, vector<8x128xf32>, vector<8x128xf32>, vector<8x128xf32>, vector<8x128xf32>, vector<8x128xf32>, vector<8x128xf32>, vector<8x128xf32>, vector<8x128xf32>, vector<8x128xf32>, vector<8x128xf32>, vector<8x128xf32>, vector<8x128xf32>, vector<8x128xf32>, vector<8x128xf32>, vector<8x128xf32>, vector<8x128xf32>, vector<8x128xf32>, vector<8x128xf32>, vector<8x128xf32>, vector<8x128xf32>, vector<8x128xf32>, vector<8x128xf32>, vector<8x128xf32>, vector<8x128xf32>, vector<8x128xf32>, vector<8x128xf32>, vector<8x128xf32>, vector<8x128xf32>, vector<8x128xf32>, vector<8x128xf32>, vector<8x128xf32>, vector<8x128xf32>, vector<8x128xf32>, vector<8x128xf32>, vector<8x128xf32>, vector<8x128xf32>, vector<8x128xf32>, vector<8x128xf32>, vector<8x128xf32>, vector<8x128xf32>, vector<8x128xf32>, vector<8x128xf32>, vector<8x128xf32>, vector<8x128xf32>, vector<8x128xf32>, vector<8x128xf32>, vector<8x128xf32>, vector<8x128xf32>, vector<8x128xf32>, vector<8x128xf32>, vector<8x128xf32>, vector<8x128xf32>, vector<8x128xf32>, vector<8x128xf32>, vector<8x128xf32>, vector<8x128xf32>, vector<8x128xf32>, vector<8x128xf32>, vector<8x128xf32>, vector<8x128xf32>, vector<8x128xf32>, vector<8x128xf32>, vector<8x128xf32>, vector<8x128xf32>, vector<8x128xf32>, vector<8x128xf32>, vector<8x128xf32>, vector<8x128xf32>, vector<8x128xf32>, vector<8x128xf32>, vector<8x128xf32>, vector<8x128xf32>, vector<8x128xf32>, vector<8x128xf32>, vector<8x128xf32>, vector<8x128xf32>, vector<8x128xf32>, vector<8x128xf32>, vector<8x128xf32>, vector<8x128xf32>, vector<8x128xf32>, vector<8x128xf32>, vector<8x128xf32>, vector<8x128xf32>, vector<8x128xf32>, vector<8x128xf32>, vector<8x128xf32>, vector<8x128xf32>, vector<8x128xf32>, vector<8x128xf32>, vector<8x128xf32>, vector<8x128xf32>, vector<8x128xf32>, vector<8x128xf32>, vector<8x128xf32>, vector<8x128xf32>, vector<8x128xf32>, vector<8x128xf32>, vector<8x128xf32>, vector<8x128xf32>, vector<8x128xf32>, vector<8x128xf32>, vector<8x128xf32>, vector<8x128xf32>, vector<8x128xf32>, vector<8x128xf32>, vector<8x128xf32>, vector<8x128xf32>, vector<8x128xf32>, vector<8x128xf32>, vector<8x128xf32>, vector<8x128xf32>, vector<8x128xf32>, vector<8x128xf32>, vector<8x128xf32>, vector<8x128xf32>, vector<8x128xf32>, vector<8x128xf32>, vector<8x128xf32>, vector<8x128xf32>, vector<8x128xf32>, vector<8x128xf32>, vector<8x128xf32>, vector<8x128xf32>, vector<8x128xf32>, vector<8x128xf32>, vector<8x128xf32>, vector<8x128xf32>, vector<8x128xf32>, vector<8x128xf32>, vector<8x128xf32>, vector<8x128xf32>, vector<8x128xf32>, vector<8x128xf32>, vector<8x128xf32>, vector<8x128xf32>, vector<8x128xf32>, vector<8x128xf32>, vector<8x128xf32>, vector<8x128xf32>, vector<8x128xf32>, vector<8x128xf32>, vector<8x128xf32>, vector<8x128xf32>, vector<8x128xf32>, vector<8x128xf32>, vector<8x128xf32>, vector<8x128xf32>, vector<8x128xf32>, vector<8x128xf32>, vector<8x128xf32>, vector<8x128xf32>, vector<8x128xf32>, vector<8x128xf32>, vector<8x128xf32>, vector<8x128xf32>, vector<8x128xf32>, vector<8x128xf32>, vector<8x128xf32>, vector<8x128xf32>, vector<8x128xf32>, vector<8x128xf32>, vector<8x128xf32>, vector<8x128xf32>, vector<8x128xf32>, vector<8x128xf32>, vector<8x128xf32>, vector<8x128xf32>, vector<8x128xf32>, vector<8x128xf32>, vector<8x128xf32>, vector<8x128xf32>, vector<8x128xf32>, vector<8x128xf32>, vector<8x128xf32>, vector<8x128xf32>, vector<8x128xf32>, vector<8x128xf32>, vector<8x128xf32>, vector<8x128xf32>, vector<8x128xf32>, vector<8x128xf32>, vector<8x128xf32>, vector<8x128xf32>, vector<8x128xf32>, vector<8x128xf32>, vector<8x128xf32>, vector<8x128xf32>, vector<8x128xf32>, vector<8x128xf32>, vector<8x128xf32>, vector<8x128xf32>, vector<8x128xf32>, vector<8x128xf32>, vector<8x128xf32>, vector<8x128xf32>, vector<8x128xf32>, vector<8x128xf32>, vector<8x128xf32>, vector<8x128xf32>, vector<8x128xf32>, vector<8x128xf32>, vector<8x128xf32>, vector<8x128xf32>, vector<8x128xf32>, vector<8x128xf32>, vector<8x128xf32>, vector<8x128xf32>, vector<8x128xf32>, vector<8x128xf32>, vector<8x128xf32>, vector<8x128xf32>, vector<8x128xf32>, vector<8x128xf32>, vector<8x128xf32>, vector<8x128xf32>, vector<8x128xf32>, vector<8x128xf32>, vector<8x128xf32>, vector<8x128xf32>, vector<8x128xf32>, vector<8x128xf32>, vector<8x128xf32>, vector<8x128xf32>, vector<8x128xf32>, vector<8x128xf32>, vector<8x128xf32>, vector<8x128xf32>, vector<8x128xf32>, vector<8x128xf32>, vector<8x128xf32>, vector<8x128xf32>, vector<8x128xf32>, vector<8x128xf32>, vector<8x128xf32>, vector<8x128xf32>, vector<8x128xf32>, vector<8x128xf32>, vector<8x128xf32>, vector<8x128xf32>, vector<8x128xf32>, vector<8x128xf32>, vector<8x128xf32>, vector<8x128xf32>, vector<8x128xf32>, vector<8x128xf32>, vector<8x128xf32>, vector<8x128xf32>, vector<8x128xf32>, vector<8x128xf32>, vector<8x128xf32>, vector<8x128xf32>, vector<8x128xf32>, vector<8x128xf32>, vector<8x128xf32>, vector<8x128xf32>, vector<8x128xf32>, vector<8x128xf32>, vector<8x128xf32>, vector<8x128xf32>, vector<8x128xf32>, vector<8x128xf32>, vector<8x128xf32>, vector<8x128xf32>, vector<8x128xf32>, vector<8x128xf32>, vector<8x128xf32>, vector<8x128xf32>, vector<8x128xf32>, vector<8x128xf32>, vector<8x128xf32>, vector<8x128xf32>, vector<8x128xf32>, vector<8x128xf32>, vector<8x128xf32>, vector<8x128xf32>, vector<8x128xf32>, vector<8x128xf32>, vector<8x128xf32>, vector<8x128xf32>, vector<8x128xf32>, vector<8x128xf32>, vector<8x128xf32>, vector<8x128xf32>, vector<8x128xf32>, vector<8x128xf32>, vector<8x128xf32>, vector<8x128xf32>, vector<8x128xf32>, vector<8x128xf32>, vector<8x128xf32>, vector<8x128xf32>, vector<8x128xf32>, vector<8x128xf32>, vector<8x128xf32>, vector<8x128xf32>, vector<8x128xf32>, vector<8x128xf32>, vector<8x128xf32>, vector<8x128xf32>, vector<8x128xf32>, vector<8x128xf32>, vector<8x128xf32>, vector<8x128xf32>, vector<8x128xf32>, vector<8x128xf32>, vector<8x128xf32>, vector<8x128xf32>, vector<8x128xf32>, vector<8x128xf32>, vector<8x128xf32>, vector<8x128xf32>, vector<8x128xf32>, vector<8x128xf32>, vector<8x128xf32>, vector<8x128xf32>, vector<8x128xf32>, vector<8x128xf32>, vector<8x128xf32>, vector<8x128xf32>, vector<8x128xf32>, vector<8x128xf32>, vector<8x128xf32>, vector<8x128xf32>, vector<8x128xf32>, vector<8x128xf32>, vector<8x128xf32>, vector<8x128xf32>, vector<8x128xf32>, vector<8x128xf32>, vector<8x128xf32>, vector<8x128xf32>, vector<8x128xf32>, vector<8x128xf32>, vector<8x128xf32>, vector<8x128xf32>, vector<8x128xf32>, vector<8x128xf32>, vector<8x128xf32>, vector<8x128xf32>, vector<8x128xf32> -> vector<4808x128xf32>
    %swap3A = arith.constant 0 : index
    %swap3A_613 = arith.constant 0 : index
    %swap3A_614 = vector.load %arg3[%swap3A, %swap3A_613] : memref<4808x128xf32, #tpu.memory_space<vmem>>, vector<4808x128xf32>
    tpu.vector_store %arg3[%swap3A, %swap3A_613], %einshape_lo3A_612 {strides = array<i32>} : memref<4808x128xf32, #tpu.memory_space<vmem>>, vector<4808x128xf32>,
    return
  }
  func.func @transform_0(%arg0: i32, %arg1: i32) -> (i32, i32) {
    %c0_i32 = arith.constant 0 : i32
    return %arg0, %arg1 : i32, i32
  }
  func.func @transform_1(%arg0: i32, %arg1: i32) -> (i32, i32) {
    %mul3A = arith.constant 13 : i32
    %mul3A_0 = arith.muli %arg0, %mul3A : i32
    %add3A = arith.addi %mul3A_0, %arg1 : i32
    %c0_i32 = arith.constant 0 : i32
    %c0_i32_1 = arith.constant 0 : i32
    return %add3A, %c0_i32 : i32, i32
  }
}

module attributes {stable_mosaic.version = 14 : i64} {
  func.func @_flatten_pack_body(%arg0: i32, %arg1: i32, %arg2: memref<16x50048xf32, #tpu.memory_space<vmem>>, %arg3: memref<3128x128xf32, #tpu.memory_space<vmem>>) attributes {dimension_semantics = [#tpu.dimension_semantics<parallel>, #tpu.dimension_semantics<arbitrary>], iteration_bounds = array<i64: 2, 2>, scalar_prefetch = 0 : i64, scratch_operands = 0 : i64, tpu.core_type = #tpu.core_type<tc>, window_params = [{transform_indices = @transform_0, window_bounds = array<i64: 16, 50048>}, {transform_indices = @transform_1, window_bounds = array<i64: 3128, 128>}]} {
    %get3A = arith.constant 0 : index
    %get3A_0 = arith.constant 0 : index
    %get3A_1 = vector.load %arg2[%get3A, %get3A_0] : memref<16x50048xf32, #tpu.memory_space<vmem>>, vector<8x50048xf32>
    %convert_element_type3A = arith.truncf %get3A_1 : vector<8x50048xf32> to vector<8x50048xbf16>
    %get3A_2 = arith.constant 8 : index
    %get3A_3 = arith.constant 0 : index
    %get3A_4 = vector.load %arg2[%get3A_2, %get3A_3] : memref<16x50048xf32, #tpu.memory_space<vmem>>, vector<8x50048xf32>
    %convert_element_type3A_5 = arith.truncf %get3A_4 : vector<8x50048xf32> to vector<8x50048xbf16>
    %bitcast_convert_type3A = tpu.bitcast %convert_element_type3A : vector<8x50048xbf16> -> vector<8x50048xi16>
    %convert_element_type3A_6 = arith.extui %bitcast_convert_type3A : vector<8x50048xi16> to vector<8x50048xi32>
    %bitcast_convert_type3A_7 = tpu.bitcast %convert_element_type3A_5 : vector<8x50048xbf16> -> vector<8x50048xi16>
    %convert_element_type3A_8 = arith.extui %bitcast_convert_type3A_7 : vector<8x50048xi16> to vector<8x50048xi32>
    %shift_left3A = arith.constant 16 : i32
    %shift_left3A_9 = vector.broadcast %shift_left3A : i32 to vector<8x50048xi32>
    %shift_left3A_10 = arith.shli %convert_element_type3A_8, %shift_left3A_9 : vector<8x50048xi32>
    %or3A = arith.ori %convert_element_type3A_6, %shift_left3A_10 : vector<8x50048xi32>
    %bitcast_convert_type3A_11 = tpu.bitcast %or3A : vector<8x50048xi32> -> vector<8x50048xf32>
    %einshape_lo3A = vector.extract_strided_slice %bitcast_convert_type3A_11 {offsets = [0, 0], sizes = [8, 128], strides = [1, 1]} : vector<8x50048xf32> to vector<8x128xf32>
    %einshape_lo3A_12 = vector.extract_strided_slice %bitcast_convert_type3A_11 {offsets = [0, 128], sizes = [8, 128], strides = [1, 1]} : vector<8x50048xf32> to vector<8x128xf32>
    %einshape_lo3A_13 = vector.extract_strided_slice %bitcast_convert_type3A_11 {offsets = [0, 256], sizes = [8, 128], strides = [1, 1]} : vector<8x50048xf32> to vector<8x128xf32>
    %einshape_lo3A_14 = vector.extract_strided_slice %bitcast_convert_type3A_11 {offsets = [0, 384], sizes = [8, 128], strides = [1, 1]} : vector<8x50048xf32> to vector<8x128xf32>
    %einshape_lo3A_15 = vector.extract_strided_slice %bitcast_convert_type3A_11 {offsets = [0, 512], sizes = [8, 128], strides = [1, 1]} : vector<8x50048xf32> to vector<8x128xf32>
    %einshape_lo3A_16 = vector.extract_strided_slice %bitcast_convert_type3A_11 {offsets = [0, 640], sizes = [8, 128], strides = [1, 1]} : vector<8x50048xf32> to vector<8x128xf32>
    %einshape_lo3A_17 = vector.extract_strided_slice %bitcast_convert_type3A_11 {offsets = [0, 768], sizes = [8, 128], strides = [1, 1]} : vector<8x50048xf32> to vector<8x128xf32>
    %einshape_lo3A_18 = vector.extract_strided_slice %bitcast_convert_type3A_11 {offsets = [0, 896], sizes = [8, 128], strides = [1, 1]} : vector<8x50048xf32> to vector<8x128xf32>
    %einshape_lo3A_19 = vector.extract_strided_slice %bitcast_convert_type3A_11 {offsets = [0, 1024], sizes = [8, 128], strides = [1, 1]} : vector<8x50048xf32> to vector<8x128xf32>
    %einshape_lo3A_20 = vector.extract_strided_slice %bitcast_convert_type3A_11 {offsets = [0, 1152], sizes = [8, 128], strides = [1, 1]} : vector<8x50048xf32> to vector<8x128xf32>
    %einshape_lo3A_21 = vector.extract_strided_slice %bitcast_convert_type3A_11 {offsets = [0, 1280], sizes = [8, 128], strides = [1, 1]} : vector<8x50048xf32> to vector<8x128xf32>
    %einshape_lo3A_22 = vector.extract_strided_slice %bitcast_convert_type3A_11 {offsets = [0, 1408], sizes = [8, 128], strides = [1, 1]} : vector<8x50048xf32> to vector<8x128xf32>
    %einshape_lo3A_23 = vector.extract_strided_slice %bitcast_convert_type3A_11 {offsets = [0, 1536], sizes = [8, 128], strides = [1, 1]} : vector<8x50048xf32> to vector<8x128xf32>
    %einshape_lo3A_24 = vector.extract_strided_slice %bitcast_convert_type3A_11 {offsets = [0, 1664], sizes = [8, 128], strides = [1, 1]} : vector<8x50048xf32> to vector<8x128xf32>
    %einshape_lo3A_25 = vector.extract_strided_slice %bitcast_convert_type3A_11 {offsets = [0, 1792], sizes = [8, 128], strides = [1, 1]} : vector<8x50048xf32> to vector<8x128xf32>
    %einshape_lo3A_26 = vector.extract_strided_slice %bitcast_convert_type3A_11 {offsets = [0, 1920], sizes = [8, 128], strides = [1, 1]} : vector<8x50048xf32> to vector<8x128xf32>
    %einshape_lo3A_27 = vector.extract_strided_slice %bitcast_convert_type3A_11 {offsets = [0, 2048], sizes = [8, 128], strides = [1, 1]} : vector<8x50048xf32> to vector<8x128xf32>
    %einshape_lo3A_28 = vector.extract_strided_slice %bitcast_convert_type3A_11 {offsets = [0, 2176], sizes = [8, 128], strides = [1, 1]} : vector<8x50048xf32> to vector<8x128xf32>
    %einshape_lo3A_29 = vector.extract_strided_slice %bitcast_convert_type3A_11 {offsets = [0, 2304], sizes = [8, 128], strides = [1, 1]} : vector<8x50048xf32> to vector<8x128xf32>
    %einshape_lo3A_30 = vector.extract_strided_slice %bitcast_convert_type3A_11 {offsets = [0, 2432], sizes = [8, 128], strides = [1, 1]} : vector<8x50048xf32> to vector<8x128xf32>
    %einshape_lo3A_31 = vector.extract_strided_slice %bitcast_convert_type3A_11 {offsets = [0, 2560], sizes = [8, 128], strides = [1, 1]} : vector<8x50048xf32> to vector<8x128xf32>
    %einshape_lo3A_32 = vector.extract_strided_slice %bitcast_convert_type3A_11 {offsets = [0, 2688], sizes = [8, 128], strides = [1, 1]} : vector<8x50048xf32> to vector<8x128xf32>
    %einshape_lo3A_33 = vector.extract_strided_slice %bitcast_convert_type3A_11 {offsets = [0, 2816], sizes = [8, 128], strides = [1, 1]} : vector<8x50048xf32> to vector<8x128xf32>
    %einshape_lo3A_34 = vector.extract_strided_slice %bitcast_convert_type3A_11 {offsets = [0, 2944], sizes = [8, 128], strides = [1, 1]} : vector<8x50048xf32> to vector<8x128xf32>
    %einshape_lo3A_35 = vector.extract_strided_slice %bitcast_convert_type3A_11 {offsets = [0, 3072], sizes = [8, 128], strides = [1, 1]} : vector<8x50048xf32> to vector<8x128xf32>
    %einshape_lo3A_36 = vector.extract_strided_slice %bitcast_convert_type3A_11 {offsets = [0, 3200], sizes = [8, 128], strides = [1, 1]} : vector<8x50048xf32> to vector<8x128xf32>
    %einshape_lo3A_37 = vector.extract_strided_slice %bitcast_convert_type3A_11 {offsets = [0, 3328], sizes = [8, 128], strides = [1, 1]} : vector<8x50048xf32> to vector<8x128xf32>
    %einshape_lo3A_38 = vector.extract_strided_slice %bitcast_convert_type3A_11 {offsets = [0, 3456], sizes = [8, 128], strides = [1, 1]} : vector<8x50048xf32> to vector<8x128xf32>
    %einshape_lo3A_39 = vector.extract_strided_slice %bitcast_convert_type3A_11 {offsets = [0, 3584], sizes = [8, 128], strides = [1, 1]} : vector<8x50048xf32> to vector<8x128xf32>
    %einshape_lo3A_40 = vector.extract_strided_slice %bitcast_convert_type3A_11 {offsets = [0, 3712], sizes = [8, 128], strides = [1, 1]} : vector<8x50048xf32> to vector<8x128xf32>
    %einshape_lo3A_41 = vector.extract_strided_slice %bitcast_convert_type3A_11 {offsets = [0, 3840], sizes = [8, 128], strides = [1, 1]} : vector<8x50048xf32> to vector<8x128xf32>
    %einshape_lo3A_42 = vector.extract_strided_slice %bitcast_convert_type3A_11 {offsets = [0, 3968], sizes = [8, 128], strides = [1, 1]} : vector<8x50048xf32> to vector<8x128xf32>
    %einshape_lo3A_43 = vector.extract_strided_slice %bitcast_convert_type3A_11 {offsets = [0, 4096], sizes = [8, 128], strides = [1, 1]} : vector<8x50048xf32> to vector<8x128xf32>
    %einshape_lo3A_44 = vector.extract_strided_slice %bitcast_convert_type3A_11 {offsets = [0, 4224], sizes = [8, 128], strides = [1, 1]} : vector<8x50048xf32> to vector<8x128xf32>
    %einshape_lo3A_45 = vector.extract_strided_slice %bitcast_convert_type3A_11 {offsets = [0, 4352], sizes = [8, 128], strides = [1, 1]} : vector<8x50048xf32> to vector<8x128xf32>
    %einshape_lo3A_46 = vector.extract_strided_slice %bitcast_convert_type3A_11 {offsets = [0, 4480], sizes = [8, 128], strides = [1, 1]} : vector<8x50048xf32> to vector<8x128xf32>
    %einshape_lo3A_47 = vector.extract_strided_slice %bitcast_convert_type3A_11 {offsets = [0, 4608], sizes = [8, 128], strides = [1, 1]} : vector<8x50048xf32> to vector<8x128xf32>
    %einshape_lo3A_48 = vector.extract_strided_slice %bitcast_convert_type3A_11 {offsets = [0, 4736], sizes = [8, 128], strides = [1, 1]} : vector<8x50048xf32> to vector<8x128xf32>
    %einshape_lo3A_49 = vector.extract_strided_slice %bitcast_convert_type3A_11 {offsets = [0, 4864], sizes = [8, 128], strides = [1, 1]} : vector<8x50048xf32> to vector<8x128xf32>
    %einshape_lo3A_50 = vector.extract_strided_slice %bitcast_convert_type3A_11 {offsets = [0, 4992], sizes = [8, 128], strides = [1, 1]} : vector<8x50048xf32> to vector<8x128xf32>
    %einshape_lo3A_51 = vector.extract_strided_slice %bitcast_convert_type3A_11 {offsets = [0, 5120], sizes = [8, 128], strides = [1, 1]} : vector<8x50048xf32> to vector<8x128xf32>
    %einshape_lo3A_52 = vector.extract_strided_slice %bitcast_convert_type3A_11 {offsets = [0, 5248], sizes = [8, 128], strides = [1, 1]} : vector<8x50048xf32> to vector<8x128xf32>
    %einshape_lo3A_53 = vector.extract_strided_slice %bitcast_convert_type3A_11 {offsets = [0, 5376], sizes = [8, 128], strides = [1, 1]} : vector<8x50048xf32> to vector<8x128xf32>
    %einshape_lo3A_54 = vector.extract_strided_slice %bitcast_convert_type3A_11 {offsets = [0, 5504], sizes = [8, 128], strides = [1, 1]} : vector<8x50048xf32> to vector<8x128xf32>
    %einshape_lo3A_55 = vector.extract_strided_slice %bitcast_convert_type3A_11 {offsets = [0, 5632], sizes = [8, 128], strides = [1, 1]} : vector<8x50048xf32> to vector<8x128xf32>
    %einshape_lo3A_56 = vector.extract_strided_slice %bitcast_convert_type3A_11 {offsets = [0, 5760], sizes = [8, 128], strides = [1, 1]} : vector<8x50048xf32> to vector<8x128xf32>
    %einshape_lo3A_57 = vector.extract_strided_slice %bitcast_convert_type3A_11 {offsets = [0, 5888], sizes = [8, 128], strides = [1, 1]} : vector<8x50048xf32> to vector<8x128xf32>
    %einshape_lo3A_58 = vector.extract_strided_slice %bitcast_convert_type3A_11 {offsets = [0, 6016], sizes = [8, 128], strides = [1, 1]} : vector<8x50048xf32> to vector<8x128xf32>
    %einshape_lo3A_59 = vector.extract_strided_slice %bitcast_convert_type3A_11 {offsets = [0, 6144], sizes = [8, 128], strides = [1, 1]} : vector<8x50048xf32> to vector<8x128xf32>
    %einshape_lo3A_60 = vector.extract_strided_slice %bitcast_convert_type3A_11 {offsets = [0, 6272], sizes = [8, 128], strides = [1, 1]} : vector<8x50048xf32> to vector<8x128xf32>
    %einshape_lo3A_61 = vector.extract_strided_slice %bitcast_convert_type3A_11 {offsets = [0, 6400], sizes = [8, 128], strides = [1, 1]} : vector<8x50048xf32> to vector<8x128xf32>
    %einshape_lo3A_62 = vector.extract_strided_slice %bitcast_convert_type3A_11 {offsets = [0, 6528], sizes = [8, 128], strides = [1, 1]} : vector<8x50048xf32> to vector<8x128xf32>
    %einshape_lo3A_63 = vector.extract_strided_slice %bitcast_convert_type3A_11 {offsets = [0, 6656], sizes = [8, 128], strides = [1, 1]} : vector<8x50048xf32> to vector<8x128xf32>
    %einshape_lo3A_64 = vector.extract_strided_slice %bitcast_convert_type3A_11 {offsets = [0, 6784], sizes = [8, 128], strides = [1, 1]} : vector<8x50048xf32> to vector<8x128xf32>
    %einshape_lo3A_65 = vector.extract_strided_slice %bitcast_convert_type3A_11 {offsets = [0, 6912], sizes = [8, 128], strides = [1, 1]} : vector<8x50048xf32> to vector<8x128xf32>
    %einshape_lo3A_66 = vector.extract_strided_slice %bitcast_convert_type3A_11 {offsets = [0, 7040], sizes = [8, 128], strides = [1, 1]} : vector<8x50048xf32> to vector<8x128xf32>
    %einshape_lo3A_67 = vector.extract_strided_slice %bitcast_convert_type3A_11 {offsets = [0, 7168], sizes = [8, 128], strides = [1, 1]} : vector<8x50048xf32> to vector<8x128xf32>
    %einshape_lo3A_68 = vector.extract_strided_slice %bitcast_convert_type3A_11 {offsets = [0, 7296], sizes = [8, 128], strides = [1, 1]} : vector<8x50048xf32> to vector<8x128xf32>
    %einshape_lo3A_69 = vector.extract_strided_slice %bitcast_convert_type3A_11 {offsets = [0, 7424], sizes = [8, 128], strides = [1, 1]} : vector<8x50048xf32> to vector<8x128xf32>
    %einshape_lo3A_70 = vector.extract_strided_slice %bitcast_convert_type3A_11 {offsets = [0, 7552], sizes = [8, 128], strides = [1, 1]} : vector<8x50048xf32> to vector<8x128xf32>
    %einshape_lo3A_71 = vector.extract_strided_slice %bitcast_convert_type3A_11 {offsets = [0, 7680], sizes = [8, 128], strides = [1, 1]} : vector<8x50048xf32> to vector<8x128xf32>
    %einshape_lo3A_72 = vector.extract_strided_slice %bitcast_convert_type3A_11 {offsets = [0, 7808], sizes = [8, 128], strides = [1, 1]} : vector<8x50048xf32> to vector<8x128xf32>
    %einshape_lo3A_73 = vector.extract_strided_slice %bitcast_convert_type3A_11 {offsets = [0, 7936], sizes = [8, 128], strides = [1, 1]} : vector<8x50048xf32> to vector<8x128xf32>
    %einshape_lo3A_74 = vector.extract_strided_slice %bitcast_convert_type3A_11 {offsets = [0, 8064], sizes = [8, 128], strides = [1, 1]} : vector<8x50048xf32> to vector<8x128xf32>
    %einshape_lo3A_75 = vector.extract_strided_slice %bitcast_convert_type3A_11 {offsets = [0, 8192], sizes = [8, 128], strides = [1, 1]} : vector<8x50048xf32> to vector<8x128xf32>
    %einshape_lo3A_76 = vector.extract_strided_slice %bitcast_convert_type3A_11 {offsets = [0, 8320], sizes = [8, 128], strides = [1, 1]} : vector<8x50048xf32> to vector<8x128xf32>
    %einshape_lo3A_77 = vector.extract_strided_slice %bitcast_convert_type3A_11 {offsets = [0, 8448], sizes = [8, 128], strides = [1, 1]} : vector<8x50048xf32> to vector<8x128xf32>
    %einshape_lo3A_78 = vector.extract_strided_slice %bitcast_convert_type3A_11 {offsets = [0, 8576], sizes = [8, 128], strides = [1, 1]} : vector<8x50048xf32> to vector<8x128xf32>
    %einshape_lo3A_79 = vector.extract_strided_slice %bitcast_convert_type3A_11 {offsets = [0, 8704], sizes = [8, 128], strides = [1, 1]} : vector<8x50048xf32> to vector<8x128xf32>
    %einshape_lo3A_80 = vector.extract_strided_slice %bitcast_convert_type3A_11 {offsets = [0, 8832], sizes = [8, 128], strides = [1, 1]} : vector<8x50048xf32> to vector<8x128xf32>
    %einshape_lo3A_81 = vector.extract_strided_slice %bitcast_convert_type3A_11 {offsets = [0, 8960], sizes = [8, 128], strides = [1, 1]} : vector<8x50048xf32> to vector<8x128xf32>
    %einshape_lo3A_82 = vector.extract_strided_slice %bitcast_convert_type3A_11 {offsets = [0, 9088], sizes = [8, 128], strides = [1, 1]} : vector<8x50048xf32> to vector<8x128xf32>
    %einshape_lo3A_83 = vector.extract_strided_slice %bitcast_convert_type3A_11 {offsets = [0, 9216], sizes = [8, 128], strides = [1, 1]} : vector<8x50048xf32> to vector<8x128xf32>
    %einshape_lo3A_84 = vector.extract_strided_slice %bitcast_convert_type3A_11 {offsets = [0, 9344], sizes = [8, 128], strides = [1, 1]} : vector<8x50048xf32> to vector<8x128xf32>
    %einshape_lo3A_85 = vector.extract_strided_slice %bitcast_convert_type3A_11 {offsets = [0, 9472], sizes = [8, 128], strides = [1, 1]} : vector<8x50048xf32> to vector<8x128xf32>
    %einshape_lo3A_86 = vector.extract_strided_slice %bitcast_convert_type3A_11 {offsets = [0, 9600], sizes = [8, 128], strides = [1, 1]} : vector<8x50048xf32> to vector<8x128xf32>
    %einshape_lo3A_87 = vector.extract_strided_slice %bitcast_convert_type3A_11 {offsets = [0, 9728], sizes = [8, 128], strides = [1, 1]} : vector<8x50048xf32> to vector<8x128xf32>
    %einshape_lo3A_88 = vector.extract_strided_slice %bitcast_convert_type3A_11 {offsets = [0, 9856], sizes = [8, 128], strides = [1, 1]} : vector<8x50048xf32> to vector<8x128xf32>
    %einshape_lo3A_89 = vector.extract_strided_slice %bitcast_convert_type3A_11 {offsets = [0, 9984], sizes = [8, 128], strides = [1, 1]} : vector<8x50048xf32> to vector<8x128xf32>
    %einshape_lo3A_90 = vector.extract_strided_slice %bitcast_convert_type3A_11 {offsets = [0, 10112], sizes = [8, 128], strides = [1, 1]} : vector<8x50048xf32> to vector<8x128xf32>
    %einshape_lo3A_91 = vector.extract_strided_slice %bitcast_convert_type3A_11 {offsets = [0, 10240], sizes = [8, 128], strides = [1, 1]} : vector<8x50048xf32> to vector<8x128xf32>
    %einshape_lo3A_92 = vector.extract_strided_slice %bitcast_convert_type3A_11 {offsets = [0, 10368], sizes = [8, 128], strides = [1, 1]} : vector<8x50048xf32> to vector<8x128xf32>
    %einshape_lo3A_93 = vector.extract_strided_slice %bitcast_convert_type3A_11 {offsets = [0, 10496], sizes = [8, 128], strides = [1, 1]} : vector<8x50048xf32> to vector<8x128xf32>
    %einshape_lo3A_94 = vector.extract_strided_slice %bitcast_convert_type3A_11 {offsets = [0, 10624], sizes = [8, 128], strides = [1, 1]} : vector<8x50048xf32> to vector<8x128xf32>
    %einshape_lo3A_95 = vector.extract_strided_slice %bitcast_convert_type3A_11 {offsets = [0, 10752], sizes = [8, 128], strides = [1, 1]} : vector<8x50048xf32> to vector<8x128xf32>
    %einshape_lo3A_96 = vector.extract_strided_slice %bitcast_convert_type3A_11 {offsets = [0, 10880], sizes = [8, 128], strides = [1, 1]} : vector<8x50048xf32> to vector<8x128xf32>
    %einshape_lo3A_97 = vector.extract_strided_slice %bitcast_convert_type3A_11 {offsets = [0, 11008], sizes = [8, 128], strides = [1, 1]} : vector<8x50048xf32> to vector<8x128xf32>
    %einshape_lo3A_98 = vector.extract_strided_slice %bitcast_convert_type3A_11 {offsets = [0, 11136], sizes = [8, 128], strides = [1, 1]} : vector<8x50048xf32> to vector<8x128xf32>
    %einshape_lo3A_99 = vector.extract_strided_slice %bitcast_convert_type3A_11 {offsets = [0, 11264], sizes = [8, 128], strides = [1, 1]} : vector<8x50048xf32> to vector<8x128xf32>
    %einshape_lo3A_100 = vector.extract_strided_slice %bitcast_convert_type3A_11 {offsets = [0, 11392], sizes = [8, 128], strides = [1, 1]} : vector<8x50048xf32> to vector<8x128xf32>
    %einshape_lo3A_101 = vector.extract_strided_slice %bitcast_convert_type3A_11 {offsets = [0, 11520], sizes = [8, 128], strides = [1, 1]} : vector<8x50048xf32> to vector<8x128xf32>
    %einshape_lo3A_102 = vector.extract_strided_slice %bitcast_convert_type3A_11 {offsets = [0, 11648], sizes = [8, 128], strides = [1, 1]} : vector<8x50048xf32> to vector<8x128xf32>
    %einshape_lo3A_103 = vector.extract_strided_slice %bitcast_convert_type3A_11 {offsets = [0, 11776], sizes = [8, 128], strides = [1, 1]} : vector<8x50048xf32> to vector<8x128xf32>
    %einshape_lo3A_104 = vector.extract_strided_slice %bitcast_convert_type3A_11 {offsets = [0, 11904], sizes = [8, 128], strides = [1, 1]} : vector<8x50048xf32> to vector<8x128xf32>
    %einshape_lo3A_105 = vector.extract_strided_slice %bitcast_convert_type3A_11 {offsets = [0, 12032], sizes = [8, 128], strides = [1, 1]} : vector<8x50048xf32> to vector<8x128xf32>
    %einshape_lo3A_106 = vector.extract_strided_slice %bitcast_convert_type3A_11 {offsets = [0, 12160], sizes = [8, 128], strides = [1, 1]} : vector<8x50048xf32> to vector<8x128xf32>
    %einshape_lo3A_107 = vector.extract_strided_slice %bitcast_convert_type3A_11 {offsets = [0, 12288], sizes = [8, 128], strides = [1, 1]} : vector<8x50048xf32> to vector<8x128xf32>
    %einshape_lo3A_108 = vector.extract_strided_slice %bitcast_convert_type3A_11 {offsets = [0, 12416], sizes = [8, 128], strides = [1, 1]} : vector<8x50048xf32> to vector<8x128xf32>
    %einshape_lo3A_109 = vector.extract_strided_slice %bitcast_convert_type3A_11 {offsets = [0, 12544], sizes = [8, 128], strides = [1, 1]} : vector<8x50048xf32> to vector<8x128xf32>
    %einshape_lo3A_110 = vector.extract_strided_slice %bitcast_convert_type3A_11 {offsets = [0, 12672], sizes = [8, 128], strides = [1, 1]} : vector<8x50048xf32> to vector<8x128xf32>
    %einshape_lo3A_111 = vector.extract_strided_slice %bitcast_convert_type3A_11 {offsets = [0, 12800], sizes = [8, 128], strides = [1, 1]} : vector<8x50048xf32> to vector<8x128xf32>
    %einshape_lo3A_112 = vector.extract_strided_slice %bitcast_convert_type3A_11 {offsets = [0, 12928], sizes = [8, 128], strides = [1, 1]} : vector<8x50048xf32> to vector<8x128xf32>
    %einshape_lo3A_113 = vector.extract_strided_slice %bitcast_convert_type3A_11 {offsets = [0, 13056], sizes = [8, 128], strides = [1, 1]} : vector<8x50048xf32> to vector<8x128xf32>
    %einshape_lo3A_114 = vector.extract_strided_slice %bitcast_convert_type3A_11 {offsets = [0, 13184], sizes = [8, 128], strides = [1, 1]} : vector<8x50048xf32> to vector<8x128xf32>
    %einshape_lo3A_115 = vector.extract_strided_slice %bitcast_convert_type3A_11 {offsets = [0, 13312], sizes = [8, 128], strides = [1, 1]} : vector<8x50048xf32> to vector<8x128xf32>
    %einshape_lo3A_116 = vector.extract_strided_slice %bitcast_convert_type3A_11 {offsets = [0, 13440], sizes = [8, 128], strides = [1, 1]} : vector<8x50048xf32> to vector<8x128xf32>
    %einshape_lo3A_117 = vector.extract_strided_slice %bitcast_convert_type3A_11 {offsets = [0, 13568], sizes = [8, 128], strides = [1, 1]} : vector<8x50048xf32> to vector<8x128xf32>
    %einshape_lo3A_118 = vector.extract_strided_slice %bitcast_convert_type3A_11 {offsets = [0, 13696], sizes = [8, 128], strides = [1, 1]} : vector<8x50048xf32> to vector<8x128xf32>
    %einshape_lo3A_119 = vector.extract_strided_slice %bitcast_convert_type3A_11 {offsets = [0, 13824], sizes = [8, 128], strides = [1, 1]} : vector<8x50048xf32> to vector<8x128xf32>
    %einshape_lo3A_120 = vector.extract_strided_slice %bitcast_convert_type3A_11 {offsets = [0, 13952], sizes = [8, 128], strides = [1, 1]} : vector<8x50048xf32> to vector<8x128xf32>
    %einshape_lo3A_121 = vector.extract_strided_slice %bitcast_convert_type3A_11 {offsets = [0, 14080], sizes = [8, 128], strides = [1, 1]} : vector<8x50048xf32> to vector<8x128xf32>
    %einshape_lo3A_122 = vector.extract_strided_slice %bitcast_convert_type3A_11 {offsets = [0, 14208], sizes = [8, 128], strides = [1, 1]} : vector<8x50048xf32> to vector<8x128xf32>
    %einshape_lo3A_123 = vector.extract_strided_slice %bitcast_convert_type3A_11 {offsets = [0, 14336], sizes = [8, 128], strides = [1, 1]} : vector<8x50048xf32> to vector<8x128xf32>
    %einshape_lo3A_124 = vector.extract_strided_slice %bitcast_convert_type3A_11 {offsets = [0, 14464], sizes = [8, 128], strides = [1, 1]} : vector<8x50048xf32> to vector<8x128xf32>
    %einshape_lo3A_125 = vector.extract_strided_slice %bitcast_convert_type3A_11 {offsets = [0, 14592], sizes = [8, 128], strides = [1, 1]} : vector<8x50048xf32> to vector<8x128xf32>
    %einshape_lo3A_126 = vector.extract_strided_slice %bitcast_convert_type3A_11 {offsets = [0, 14720], sizes = [8, 128], strides = [1, 1]} : vector<8x50048xf32> to vector<8x128xf32>
    %einshape_lo3A_127 = vector.extract_strided_slice %bitcast_convert_type3A_11 {offsets = [0, 14848], sizes = [8, 128], strides = [1, 1]} : vector<8x50048xf32> to vector<8x128xf32>
    %einshape_lo3A_128 = vector.extract_strided_slice %bitcast_convert_type3A_11 {offsets = [0, 14976], sizes = [8, 128], strides = [1, 1]} : vector<8x50048xf32> to vector<8x128xf32>
    %einshape_lo3A_129 = vector.extract_strided_slice %bitcast_convert_type3A_11 {offsets = [0, 15104], sizes = [8, 128], strides = [1, 1]} : vector<8x50048xf32> to vector<8x128xf32>
    %einshape_lo3A_130 = vector.extract_strided_slice %bitcast_convert_type3A_11 {offsets = [0, 15232], sizes = [8, 128], strides = [1, 1]} : vector<8x50048xf32> to vector<8x128xf32>
    %einshape_lo3A_131 = vector.extract_strided_slice %bitcast_convert_type3A_11 {offsets = [0, 15360], sizes = [8, 128], strides = [1, 1]} : vector<8x50048xf32> to vector<8x128xf32>
    %einshape_lo3A_132 = vector.extract_strided_slice %bitcast_convert_type3A_11 {offsets = [0, 15488], sizes = [8, 128], strides = [1, 1]} : vector<8x50048xf32> to vector<8x128xf32>
    %einshape_lo3A_133 = vector.extract_strided_slice %bitcast_convert_type3A_11 {offsets = [0, 15616], sizes = [8, 128], strides = [1, 1]} : vector<8x50048xf32> to vector<8x128xf32>
    %einshape_lo3A_134 = vector.extract_strided_slice %bitcast_convert_type3A_11 {offsets = [0, 15744], sizes = [8, 128], strides = [1, 1]} : vector<8x50048xf32> to vector<8x128xf32>
    %einshape_lo3A_135 = vector.extract_strided_slice %bitcast_convert_type3A_11 {offsets = [0, 15872], sizes = [8, 128], strides = [1, 1]} : vector<8x50048xf32> to vector<8x128xf32>
    %einshape_lo3A_136 = vector.extract_strided_slice %bitcast_convert_type3A_11 {offsets = [0, 16000], sizes = [8, 128], strides = [1, 1]} : vector<8x50048xf32> to vector<8x128xf32>
    %einshape_lo3A_137 = vector.extract_strided_slice %bitcast_convert_type3A_11 {offsets = [0, 16128], sizes = [8, 128], strides = [1, 1]} : vector<8x50048xf32> to vector<8x128xf32>
    %einshape_lo3A_138 = vector.extract_strided_slice %bitcast_convert_type3A_11 {offsets = [0, 16256], sizes = [8, 128], strides = [1, 1]} : vector<8x50048xf32> to vector<8x128xf32>
    %einshape_lo3A_139 = vector.extract_strided_slice %bitcast_convert_type3A_11 {offsets = [0, 16384], sizes = [8, 128], strides = [1, 1]} : vector<8x50048xf32> to vector<8x128xf32>
    %einshape_lo3A_140 = vector.extract_strided_slice %bitcast_convert_type3A_11 {offsets = [0, 16512], sizes = [8, 128], strides = [1, 1]} : vector<8x50048xf32> to vector<8x128xf32>
    %einshape_lo3A_141 = vector.extract_strided_slice %bitcast_convert_type3A_11 {offsets = [0, 16640], sizes = [8, 128], strides = [1, 1]} : vector<8x50048xf32> to vector<8x128xf32>
    %einshape_lo3A_142 = vector.extract_strided_slice %bitcast_convert_type3A_11 {offsets = [0, 16768], sizes = [8, 128], strides = [1, 1]} : vector<8x50048xf32> to vector<8x128xf32>
    %einshape_lo3A_143 = vector.extract_strided_slice %bitcast_convert_type3A_11 {offsets = [0, 16896], sizes = [8, 128], strides = [1, 1]} : vector<8x50048xf32> to vector<8x128xf32>
    %einshape_lo3A_144 = vector.extract_strided_slice %bitcast_convert_type3A_11 {offsets = [0, 17024], sizes = [8, 128], strides = [1, 1]} : vector<8x50048xf32> to vector<8x128xf32>
    %einshape_lo3A_145 = vector.extract_strided_slice %bitcast_convert_type3A_11 {offsets = [0, 17152], sizes = [8, 128], strides = [1, 1]} : vector<8x50048xf32> to vector<8x128xf32>
    %einshape_lo3A_146 = vector.extract_strided_slice %bitcast_convert_type3A_11 {offsets = [0, 17280], sizes = [8, 128], strides = [1, 1]} : vector<8x50048xf32> to vector<8x128xf32>
    %einshape_lo3A_147 = vector.extract_strided_slice %bitcast_convert_type3A_11 {offsets = [0, 17408], sizes = [8, 128], strides = [1, 1]} : vector<8x50048xf32> to vector<8x128xf32>
    %einshape_lo3A_148 = vector.extract_strided_slice %bitcast_convert_type3A_11 {offsets = [0, 17536], sizes = [8, 128], strides = [1, 1]} : vector<8x50048xf32> to vector<8x128xf32>
    %einshape_lo3A_149 = vector.extract_strided_slice %bitcast_convert_type3A_11 {offsets = [0, 17664], sizes = [8, 128], strides = [1, 1]} : vector<8x50048xf32> to vector<8x128xf32>
    %einshape_lo3A_150 = vector.extract_strided_slice %bitcast_convert_type3A_11 {offsets = [0, 17792], sizes = [8, 128], strides = [1, 1]} : vector<8x50048xf32> to vector<8x128xf32>
    %einshape_lo3A_151 = vector.extract_strided_slice %bitcast_convert_type3A_11 {offsets = [0, 17920], sizes = [8, 128], strides = [1, 1]} : vector<8x50048xf32> to vector<8x128xf32>
    %einshape_lo3A_152 = vector.extract_strided_slice %bitcast_convert_type3A_11 {offsets = [0, 18048], sizes = [8, 128], strides = [1, 1]} : vector<8x50048xf32> to vector<8x128xf32>
    %einshape_lo3A_153 = vector.extract_strided_slice %bitcast_convert_type3A_11 {offsets = [0, 18176], sizes = [8, 128], strides = [1, 1]} : vector<8x50048xf32> to vector<8x128xf32>
    %einshape_lo3A_154 = vector.extract_strided_slice %bitcast_convert_type3A_11 {offsets = [0, 18304], sizes = [8, 128], strides = [1, 1]} : vector<8x50048xf32> to vector<8x128xf32>
    %einshape_lo3A_155 = vector.extract_strided_slice %bitcast_convert_type3A_11 {offsets = [0, 18432], sizes = [8, 128], strides = [1, 1]} : vector<8x50048xf32> to vector<8x128xf32>
    %einshape_lo3A_156 = vector.extract_strided_slice %bitcast_convert_type3A_11 {offsets = [0, 18560], sizes = [8, 128], strides = [1, 1]} : vector<8x50048xf32> to vector<8x128xf32>
    %einshape_lo3A_157 = vector.extract_strided_slice %bitcast_convert_type3A_11 {offsets = [0, 18688], sizes = [8, 128], strides = [1, 1]} : vector<8x50048xf32> to vector<8x128xf32>
    %einshape_lo3A_158 = vector.extract_strided_slice %bitcast_convert_type3A_11 {offsets = [0, 18816], sizes = [8, 128], strides = [1, 1]} : vector<8x50048xf32> to vector<8x128xf32>
    %einshape_lo3A_159 = vector.extract_strided_slice %bitcast_convert_type3A_11 {offsets = [0, 18944], sizes = [8, 128], strides = [1, 1]} : vector<8x50048xf32> to vector<8x128xf32>
    %einshape_lo3A_160 = vector.extract_strided_slice %bitcast_convert_type3A_11 {offsets = [0, 19072], sizes = [8, 128], strides = [1, 1]} : vector<8x50048xf32> to vector<8x128xf32>
    %einshape_lo3A_161 = vector.extract_strided_slice %bitcast_convert_type3A_11 {offsets = [0, 19200], sizes = [8, 128], strides = [1, 1]} : vector<8x50048xf32> to vector<8x128xf32>
    %einshape_lo3A_162 = vector.extract_strided_slice %bitcast_convert_type3A_11 {offsets = [0, 19328], sizes = [8, 128], strides = [1, 1]} : vector<8x50048xf32> to vector<8x128xf32>
    %einshape_lo3A_163 = vector.extract_strided_slice %bitcast_convert_type3A_11 {offsets = [0, 19456], sizes = [8, 128], strides = [1, 1]} : vector<8x50048xf32> to vector<8x128xf32>
    %einshape_lo3A_164 = vector.extract_strided_slice %bitcast_convert_type3A_11 {offsets = [0, 19584], sizes = [8, 128], strides = [1, 1]} : vector<8x50048xf32> to vector<8x128xf32>
    %einshape_lo3A_165 = vector.extract_strided_slice %bitcast_convert_type3A_11 {offsets = [0, 19712], sizes = [8, 128], strides = [1, 1]} : vector<8x50048xf32> to vector<8x128xf32>
    %einshape_lo3A_166 = vector.extract_strided_slice %bitcast_convert_type3A_11 {offsets = [0, 19840], sizes = [8, 128], strides = [1, 1]} : vector<8x50048xf32> to vector<8x128xf32>
    %einshape_lo3A_167 = vector.extract_strided_slice %bitcast_convert_type3A_11 {offsets = [0, 19968], sizes = [8, 128], strides = [1, 1]} : vector<8x50048xf32> to vector<8x128xf32>
    %einshape_lo3A_168 = vector.extract_strided_slice %bitcast_convert_type3A_11 {offsets = [0, 20096], sizes = [8, 128], strides = [1, 1]} : vector<8x50048xf32> to vector<8x128xf32>
    %einshape_lo3A_169 = vector.extract_strided_slice %bitcast_convert_type3A_11 {offsets = [0, 20224], sizes = [8, 128], strides = [1, 1]} : vector<8x50048xf32> to vector<8x128xf32>
    %einshape_lo3A_170 = vector.extract_strided_slice %bitcast_convert_type3A_11 {offsets = [0, 20352], sizes = [8, 128], strides = [1, 1]} : vector<8x50048xf32> to vector<8x128xf32>
    %einshape_lo3A_171 = vector.extract_strided_slice %bitcast_convert_type3A_11 {offsets = [0, 20480], sizes = [8, 128], strides = [1, 1]} : vector<8x50048xf32> to vector<8x128xf32>
    %einshape_lo3A_172 = vector.extract_strided_slice %bitcast_convert_type3A_11 {offsets = [0, 20608], sizes = [8, 128], strides = [1, 1]} : vector<8x50048xf32> to vector<8x128xf32>
    %einshape_lo3A_173 = vector.extract_strided_slice %bitcast_convert_type3A_11 {offsets = [0, 20736], sizes = [8, 128], strides = [1, 1]} : vector<8x50048xf32> to vector<8x128xf32>
    %einshape_lo3A_174 = vector.extract_strided_slice %bitcast_convert_type3A_11 {offsets = [0, 20864], sizes = [8, 128], strides = [1, 1]} : vector<8x50048xf32> to vector<8x128xf32>
    %einshape_lo3A_175 = vector.extract_strided_slice %bitcast_convert_type3A_11 {offsets = [0, 20992], sizes = [8, 128], strides = [1, 1]} : vector<8x50048xf32> to vector<8x128xf32>
    %einshape_lo3A_176 = vector.extract_strided_slice %bitcast_convert_type3A_11 {offsets = [0, 21120], sizes = [8, 128], strides = [1, 1]} : vector<8x50048xf32> to vector<8x128xf32>
    %einshape_lo3A_177 = vector.extract_strided_slice %bitcast_convert_type3A_11 {offsets = [0, 21248], sizes = [8, 128], strides = [1, 1]} : vector<8x50048xf32> to vector<8x128xf32>
    %einshape_lo3A_178 = vector.extract_strided_slice %bitcast_convert_type3A_11 {offsets = [0, 21376], sizes = [8, 128], strides = [1, 1]} : vector<8x50048xf32> to vector<8x128xf32>
    %einshape_lo3A_179 = vector.extract_strided_slice %bitcast_convert_type3A_11 {offsets = [0, 21504], sizes = [8, 128], strides = [1, 1]} : vector<8x50048xf32> to vector<8x128xf32>
    %einshape_lo3A_180 = vector.extract_strided_slice %bitcast_convert_type3A_11 {offsets = [0, 21632], sizes = [8, 128], strides = [1, 1]} : vector<8x50048xf32> to vector<8x128xf32>
    %einshape_lo3A_181 = vector.extract_strided_slice %bitcast_convert_type3A_11 {offsets = [0, 21760], sizes = [8, 128], strides = [1, 1]} : vector<8x50048xf32> to vector<8x128xf32>
    %einshape_lo3A_182 = vector.extract_strided_slice %bitcast_convert_type3A_11 {offsets = [0, 21888], sizes = [8, 128], strides = [1, 1]} : vector<8x50048xf32> to vector<8x128xf32>
    %einshape_lo3A_183 = vector.extract_strided_slice %bitcast_convert_type3A_11 {offsets = [0, 22016], sizes = [8, 128], strides = [1, 1]} : vector<8x50048xf32> to vector<8x128xf32>
    %einshape_lo3A_184 = vector.extract_strided_slice %bitcast_convert_type3A_11 {offsets = [0, 22144], sizes = [8, 128], strides = [1, 1]} : vector<8x50048xf32> to vector<8x128xf32>
    %einshape_lo3A_185 = vector.extract_strided_slice %bitcast_convert_type3A_11 {offsets = [0, 22272], sizes = [8, 128], strides = [1, 1]} : vector<8x50048xf32> to vector<8x128xf32>
    %einshape_lo3A_186 = vector.extract_strided_slice %bitcast_convert_type3A_11 {offsets = [0, 22400], sizes = [8, 128], strides = [1, 1]} : vector<8x50048xf32> to vector<8x128xf32>
    %einshape_lo3A_187 = vector.extract_strided_slice %bitcast_convert_type3A_11 {offsets = [0, 22528], sizes = [8, 128], strides = [1, 1]} : vector<8x50048xf32> to vector<8x128xf32>
    %einshape_lo3A_188 = vector.extract_strided_slice %bitcast_convert_type3A_11 {offsets = [0, 22656], sizes = [8, 128], strides = [1, 1]} : vector<8x50048xf32> to vector<8x128xf32>
    %einshape_lo3A_189 = vector.extract_strided_slice %bitcast_convert_type3A_11 {offsets = [0, 22784], sizes = [8, 128], strides = [1, 1]} : vector<8x50048xf32> to vector<8x128xf32>
    %einshape_lo3A_190 = vector.extract_strided_slice %bitcast_convert_type3A_11 {offsets = [0, 22912], sizes = [8, 128], strides = [1, 1]} : vector<8x50048xf32> to vector<8x128xf32>
    %einshape_lo3A_191 = vector.extract_strided_slice %bitcast_convert_type3A_11 {offsets = [0, 23040], sizes = [8, 128], strides = [1, 1]} : vector<8x50048xf32> to vector<8x128xf32>
    %einshape_lo3A_192 = vector.extract_strided_slice %bitcast_convert_type3A_11 {offsets = [0, 23168], sizes = [8, 128], strides = [1, 1]} : vector<8x50048xf32> to vector<8x128xf32>
    %einshape_lo3A_193 = vector.extract_strided_slice %bitcast_convert_type3A_11 {offsets = [0, 23296], sizes = [8, 128], strides = [1, 1]} : vector<8x50048xf32> to vector<8x128xf32>
    %einshape_lo3A_194 = vector.extract_strided_slice %bitcast_convert_type3A_11 {offsets = [0, 23424], sizes = [8, 128], strides = [1, 1]} : vector<8x50048xf32> to vector<8x128xf32>
    %einshape_lo3A_195 = vector.extract_strided_slice %bitcast_convert_type3A_11 {offsets = [0, 23552], sizes = [8, 128], strides = [1, 1]} : vector<8x50048xf32> to vector<8x128xf32>
    %einshape_lo3A_196 = vector.extract_strided_slice %bitcast_convert_type3A_11 {offsets = [0, 23680], sizes = [8, 128], strides = [1, 1]} : vector<8x50048xf32> to vector<8x128xf32>
    %einshape_lo3A_197 = vector.extract_strided_slice %bitcast_convert_type3A_11 {offsets = [0, 23808], sizes = [8, 128], strides = [1, 1]} : vector<8x50048xf32> to vector<8x128xf32>
    %einshape_lo3A_198 = vector.extract_strided_slice %bitcast_convert_type3A_11 {offsets = [0, 23936], sizes = [8, 128], strides = [1, 1]} : vector<8x50048xf32> to vector<8x128xf32>
    %einshape_lo3A_199 = vector.extract_strided_slice %bitcast_convert_type3A_11 {offsets = [0, 24064], sizes = [8, 128], strides = [1, 1]} : vector<8x50048xf32> to vector<8x128xf32>
    %einshape_lo3A_200 = vector.extract_strided_slice %bitcast_convert_type3A_11 {offsets = [0, 24192], sizes = [8, 128], strides = [1, 1]} : vector<8x50048xf32> to vector<8x128xf32>
    %einshape_lo3A_201 = vector.extract_strided_slice %bitcast_convert_type3A_11 {offsets = [0, 24320], sizes = [8, 128], strides = [1, 1]} : vector<8x50048xf32> to vector<8x128xf32>
    %einshape_lo3A_202 = vector.extract_strided_slice %bitcast_convert_type3A_11 {offsets = [0, 24448], sizes = [8, 128], strides = [1, 1]} : vector<8x50048xf32> to vector<8x128xf32>
    %einshape_lo3A_203 = vector.extract_strided_slice %bitcast_convert_type3A_11 {offsets = [0, 24576], sizes = [8, 128], strides = [1, 1]} : vector<8x50048xf32> to vector<8x128xf32>
    %einshape_lo3A_204 = vector.extract_strided_slice %bitcast_convert_type3A_11 {offsets = [0, 24704], sizes = [8, 128], strides = [1, 1]} : vector<8x50048xf32> to vector<8x128xf32>
    %einshape_lo3A_205 = vector.extract_strided_slice %bitcast_convert_type3A_11 {offsets = [0, 24832], sizes = [8, 128], strides = [1, 1]} : vector<8x50048xf32> to vector<8x128xf32>
    %einshape_lo3A_206 = vector.extract_strided_slice %bitcast_convert_type3A_11 {offsets = [0, 24960], sizes = [8, 128], strides = [1, 1]} : vector<8x50048xf32> to vector<8x128xf32>
    %einshape_lo3A_207 = vector.extract_strided_slice %bitcast_convert_type3A_11 {offsets = [0, 25088], sizes = [8, 128], strides = [1, 1]} : vector<8x50048xf32> to vector<8x128xf32>
    %einshape_lo3A_208 = vector.extract_strided_slice %bitcast_convert_type3A_11 {offsets = [0, 25216], sizes = [8, 128], strides = [1, 1]} : vector<8x50048xf32> to vector<8x128xf32>
    %einshape_lo3A_209 = vector.extract_strided_slice %bitcast_convert_type3A_11 {offsets = [0, 25344], sizes = [8, 128], strides = [1, 1]} : vector<8x50048xf32> to vector<8x128xf32>
    %einshape_lo3A_210 = vector.extract_strided_slice %bitcast_convert_type3A_11 {offsets = [0, 25472], sizes = [8, 128], strides = [1, 1]} : vector<8x50048xf32> to vector<8x128xf32>
    %einshape_lo3A_211 = vector.extract_strided_slice %bitcast_convert_type3A_11 {offsets = [0, 25600], sizes = [8, 128], strides = [1, 1]} : vector<8x50048xf32> to vector<8x128xf32>
    %einshape_lo3A_212 = vector.extract_strided_slice %bitcast_convert_type3A_11 {offsets = [0, 25728], sizes = [8, 128], strides = [1, 1]} : vector<8x50048xf32> to vector<8x128xf32>
    %einshape_lo3A_213 = vector.extract_strided_slice %bitcast_convert_type3A_11 {offsets = [0, 25856], sizes = [8, 128], strides = [1, 1]} : vector<8x50048xf32> to vector<8x128xf32>
    %einshape_lo3A_214 = vector.extract_strided_slice %bitcast_convert_type3A_11 {offsets = [0, 25984], sizes = [8, 128], strides = [1, 1]} : vector<8x50048xf32> to vector<8x128xf32>
    %einshape_lo3A_215 = vector.extract_strided_slice %bitcast_convert_type3A_11 {offsets = [0, 26112], sizes = [8, 128], strides = [1, 1]} : vector<8x50048xf32> to vector<8x128xf32>
    %einshape_lo3A_216 = vector.extract_strided_slice %bitcast_convert_type3A_11 {offsets = [0, 26240], sizes = [8, 128], strides = [1, 1]} : vector<8x50048xf32> to vector<8x128xf32>
    %einshape_lo3A_217 = vector.extract_strided_slice %bitcast_convert_type3A_11 {offsets = [0, 26368], sizes = [8, 128], strides = [1, 1]} : vector<8x50048xf32> to vector<8x128xf32>
    %einshape_lo3A_218 = vector.extract_strided_slice %bitcast_convert_type3A_11 {offsets = [0, 26496], sizes = [8, 128], strides = [1, 1]} : vector<8x50048xf32> to vector<8x128xf32>
    %einshape_lo3A_219 = vector.extract_strided_slice %bitcast_convert_type3A_11 {offsets = [0, 26624], sizes = [8, 128], strides = [1, 1]} : vector<8x50048xf32> to vector<8x128xf32>
    %einshape_lo3A_220 = vector.extract_strided_slice %bitcast_convert_type3A_11 {offsets = [0, 26752], sizes = [8, 128], strides = [1, 1]} : vector<8x50048xf32> to vector<8x128xf32>
    %einshape_lo3A_221 = vector.extract_strided_slice %bitcast_convert_type3A_11 {offsets = [0, 26880], sizes = [8, 128], strides = [1, 1]} : vector<8x50048xf32> to vector<8x128xf32>
    %einshape_lo3A_222 = vector.extract_strided_slice %bitcast_convert_type3A_11 {offsets = [0, 27008], sizes = [8, 128], strides = [1, 1]} : vector<8x50048xf32> to vector<8x128xf32>
    %einshape_lo3A_223 = vector.extract_strided_slice %bitcast_convert_type3A_11 {offsets = [0, 27136], sizes = [8, 128], strides = [1, 1]} : vector<8x50048xf32> to vector<8x128xf32>
    %einshape_lo3A_224 = vector.extract_strided_slice %bitcast_convert_type3A_11 {offsets = [0, 27264], sizes = [8, 128], strides = [1, 1]} : vector<8x50048xf32> to vector<8x128xf32>
    %einshape_lo3A_225 = vector.extract_strided_slice %bitcast_convert_type3A_11 {offsets = [0, 27392], sizes = [8, 128], strides = [1, 1]} : vector<8x50048xf32> to vector<8x128xf32>
    %einshape_lo3A_226 = vector.extract_strided_slice %bitcast_convert_type3A_11 {offsets = [0, 27520], sizes = [8, 128], strides = [1, 1]} : vector<8x50048xf32> to vector<8x128xf32>
    %einshape_lo3A_227 = vector.extract_strided_slice %bitcast_convert_type3A_11 {offsets = [0, 27648], sizes = [8, 128], strides = [1, 1]} : vector<8x50048xf32> to vector<8x128xf32>
    %einshape_lo3A_228 = vector.extract_strided_slice %bitcast_convert_type3A_11 {offsets = [0, 27776], sizes = [8, 128], strides = [1, 1]} : vector<8x50048xf32> to vector<8x128xf32>
    %einshape_lo3A_229 = vector.extract_strided_slice %bitcast_convert_type3A_11 {offsets = [0, 27904], sizes = [8, 128], strides = [1, 1]} : vector<8x50048xf32> to vector<8x128xf32>
    %einshape_lo3A_230 = vector.extract_strided_slice %bitcast_convert_type3A_11 {offsets = [0, 28032], sizes = [8, 128], strides = [1, 1]} : vector<8x50048xf32> to vector<8x128xf32>
    %einshape_lo3A_231 = vector.extract_strided_slice %bitcast_convert_type3A_11 {offsets = [0, 28160], sizes = [8, 128], strides = [1, 1]} : vector<8x50048xf32> to vector<8x128xf32>
    %einshape_lo3A_232 = vector.extract_strided_slice %bitcast_convert_type3A_11 {offsets = [0, 28288], sizes = [8, 128], strides = [1, 1]} : vector<8x50048xf32> to vector<8x128xf32>
    %einshape_lo3A_233 = vector.extract_strided_slice %bitcast_convert_type3A_11 {offsets = [0, 28416], sizes = [8, 128], strides = [1, 1]} : vector<8x50048xf32> to vector<8x128xf32>
    %einshape_lo3A_234 = vector.extract_strided_slice %bitcast_convert_type3A_11 {offsets = [0, 28544], sizes = [8, 128], strides = [1, 1]} : vector<8x50048xf32> to vector<8x128xf32>
    %einshape_lo3A_235 = vector.extract_strided_slice %bitcast_convert_type3A_11 {offsets = [0, 28672], sizes = [8, 128], strides = [1, 1]} : vector<8x50048xf32> to vector<8x128xf32>
    %einshape_lo3A_236 = vector.extract_strided_slice %bitcast_convert_type3A_11 {offsets = [0, 28800], sizes = [8, 128], strides = [1, 1]} : vector<8x50048xf32> to vector<8x128xf32>
    %einshape_lo3A_237 = vector.extract_strided_slice %bitcast_convert_type3A_11 {offsets = [0, 28928], sizes = [8, 128], strides = [1, 1]} : vector<8x50048xf32> to vector<8x128xf32>
    %einshape_lo3A_238 = vector.extract_strided_slice %bitcast_convert_type3A_11 {offsets = [0, 29056], sizes = [8, 128], strides = [1, 1]} : vector<8x50048xf32> to vector<8x128xf32>
    %einshape_lo3A_239 = vector.extract_strided_slice %bitcast_convert_type3A_11 {offsets = [0, 29184], sizes = [8, 128], strides = [1, 1]} : vector<8x50048xf32> to vector<8x128xf32>
    %einshape_lo3A_240 = vector.extract_strided_slice %bitcast_convert_type3A_11 {offsets = [0, 29312], sizes = [8, 128], strides = [1, 1]} : vector<8x50048xf32> to vector<8x128xf32>
    %einshape_lo3A_241 = vector.extract_strided_slice %bitcast_convert_type3A_11 {offsets = [0, 29440], sizes = [8, 128], strides = [1, 1]} : vector<8x50048xf32> to vector<8x128xf32>
    %einshape_lo3A_242 = vector.extract_strided_slice %bitcast_convert_type3A_11 {offsets = [0, 29568], sizes = [8, 128], strides = [1, 1]} : vector<8x50048xf32> to vector<8x128xf32>
    %einshape_lo3A_243 = vector.extract_strided_slice %bitcast_convert_type3A_11 {offsets = [0, 29696], sizes = [8, 128], strides = [1, 1]} : vector<8x50048xf32> to vector<8x128xf32>
    %einshape_lo3A_244 = vector.extract_strided_slice %bitcast_convert_type3A_11 {offsets = [0, 29824], sizes = [8, 128], strides = [1, 1]} : vector<8x50048xf32> to vector<8x128xf32>
    %einshape_lo3A_245 = vector.extract_strided_slice %bitcast_convert_type3A_11 {offsets = [0, 29952], sizes = [8, 128], strides = [1, 1]} : vector<8x50048xf32> to vector<8x128xf32>
    %einshape_lo3A_246 = vector.extract_strided_slice %bitcast_convert_type3A_11 {offsets = [0, 30080], sizes = [8, 128], strides = [1, 1]} : vector<8x50048xf32> to vector<8x128xf32>
    %einshape_lo3A_247 = vector.extract_strided_slice %bitcast_convert_type3A_11 {offsets = [0, 30208], sizes = [8, 128], strides = [1, 1]} : vector<8x50048xf32> to vector<8x128xf32>
    %einshape_lo3A_248 = vector.extract_strided_slice %bitcast_convert_type3A_11 {offsets = [0, 30336], sizes = [8, 128], strides = [1, 1]} : vector<8x50048xf32> to vector<8x128xf32>
    %einshape_lo3A_249 = vector.extract_strided_slice %bitcast_convert_type3A_11 {offsets = [0, 30464], sizes = [8, 128], strides = [1, 1]} : vector<8x50048xf32> to vector<8x128xf32>
    %einshape_lo3A_250 = vector.extract_strided_slice %bitcast_convert_type3A_11 {offsets = [0, 30592], sizes = [8, 128], strides = [1, 1]} : vector<8x50048xf32> to vector<8x128xf32>
    %einshape_lo3A_251 = vector.extract_strided_slice %bitcast_convert_type3A_11 {offsets = [0, 30720], sizes = [8, 128], strides = [1, 1]} : vector<8x50048xf32> to vector<8x128xf32>
    %einshape_lo3A_252 = vector.extract_strided_slice %bitcast_convert_type3A_11 {offsets = [0, 30848], sizes = [8, 128], strides = [1, 1]} : vector<8x50048xf32> to vector<8x128xf32>
    %einshape_lo3A_253 = vector.extract_strided_slice %bitcast_convert_type3A_11 {offsets = [0, 30976], sizes = [8, 128], strides = [1, 1]} : vector<8x50048xf32> to vector<8x128xf32>
    %einshape_lo3A_254 = vector.extract_strided_slice %bitcast_convert_type3A_11 {offsets = [0, 31104], sizes = [8, 128], strides = [1, 1]} : vector<8x50048xf32> to vector<8x128xf32>
    %einshape_lo3A_255 = vector.extract_strided_slice %bitcast_convert_type3A_11 {offsets = [0, 31232], sizes = [8, 128], strides = [1, 1]} : vector<8x50048xf32> to vector<8x128xf32>
    %einshape_lo3A_256 = vector.extract_strided_slice %bitcast_convert_type3A_11 {offsets = [0, 31360], sizes = [8, 128], strides = [1, 1]} : vector<8x50048xf32> to vector<8x128xf32>
    %einshape_lo3A_257 = vector.extract_strided_slice %bitcast_convert_type3A_11 {offsets = [0, 31488], sizes = [8, 128], strides = [1, 1]} : vector<8x50048xf32> to vector<8x128xf32>
    %einshape_lo3A_258 = vector.extract_strided_slice %bitcast_convert_type3A_11 {offsets = [0, 31616], sizes = [8, 128], strides = [1, 1]} : vector<8x50048xf32> to vector<8x128xf32>
    %einshape_lo3A_259 = vector.extract_strided_slice %bitcast_convert_type3A_11 {offsets = [0, 31744], sizes = [8, 128], strides = [1, 1]} : vector<8x50048xf32> to vector<8x128xf32>
    %einshape_lo3A_260 = vector.extract_strided_slice %bitcast_convert_type3A_11 {offsets = [0, 31872], sizes = [8, 128], strides = [1, 1]} : vector<8x50048xf32> to vector<8x128xf32>
    %einshape_lo3A_261 = vector.extract_strided_slice %bitcast_convert_type3A_11 {offsets = [0, 32000], sizes = [8, 128], strides = [1, 1]} : vector<8x50048xf32> to vector<8x128xf32>
    %einshape_lo3A_262 = vector.extract_strided_slice %bitcast_convert_type3A_11 {offsets = [0, 32128], sizes = [8, 128], strides = [1, 1]} : vector<8x50048xf32> to vector<8x128xf32>
    %einshape_lo3A_263 = vector.extract_strided_slice %bitcast_convert_type3A_11 {offsets = [0, 32256], sizes = [8, 128], strides = [1, 1]} : vector<8x50048xf32> to vector<8x128xf32>
    %einshape_lo3A_264 = vector.extract_strided_slice %bitcast_convert_type3A_11 {offsets = [0, 32384], sizes = [8, 128], strides = [1, 1]} : vector<8x50048xf32> to vector<8x128xf32>
    %einshape_lo3A_265 = vector.extract_strided_slice %bitcast_convert_type3A_11 {offsets = [0, 32512], sizes = [8, 128], strides = [1, 1]} : vector<8x50048xf32> to vector<8x128xf32>
    %einshape_lo3A_266 = vector.extract_strided_slice %bitcast_convert_type3A_11 {offsets = [0, 32640], sizes = [8, 128], strides = [1, 1]} : vector<8x50048xf32> to vector<8x128xf32>
    %einshape_lo3A_267 = vector.extract_strided_slice %bitcast_convert_type3A_11 {offsets = [0, 32768], sizes = [8, 128], strides = [1, 1]} : vector<8x50048xf32> to vector<8x128xf32>
    %einshape_lo3A_268 = vector.extract_strided_slice %bitcast_convert_type3A_11 {offsets = [0, 32896], sizes = [8, 128], strides = [1, 1]} : vector<8x50048xf32> to vector<8x128xf32>
    %einshape_lo3A_269 = vector.extract_strided_slice %bitcast_convert_type3A_11 {offsets = [0, 33024], sizes = [8, 128], strides = [1, 1]} : vector<8x50048xf32> to vector<8x128xf32>
    %einshape_lo3A_270 = vector.extract_strided_slice %bitcast_convert_type3A_11 {offsets = [0, 33152], sizes = [8, 128], strides = [1, 1]} : vector<8x50048xf32> to vector<8x128xf32>
    %einshape_lo3A_271 = vector.extract_strided_slice %bitcast_convert_type3A_11 {offsets = [0, 33280], sizes = [8, 128], strides = [1, 1]} : vector<8x50048xf32> to vector<8x128xf32>
    %einshape_lo3A_272 = vector.extract_strided_slice %bitcast_convert_type3A_11 {offsets = [0, 33408], sizes = [8, 128], strides = [1, 1]} : vector<8x50048xf32> to vector<8x128xf32>
    %einshape_lo3A_273 = vector.extract_strided_slice %bitcast_convert_type3A_11 {offsets = [0, 33536], sizes = [8, 128], strides = [1, 1]} : vector<8x50048xf32> to vector<8x128xf32>
    %einshape_lo3A_274 = vector.extract_strided_slice %bitcast_convert_type3A_11 {offsets = [0, 33664], sizes = [8, 128], strides = [1, 1]} : vector<8x50048xf32> to vector<8x128xf32>
    %einshape_lo3A_275 = vector.extract_strided_slice %bitcast_convert_type3A_11 {offsets = [0, 33792], sizes = [8, 128], strides = [1, 1]} : vector<8x50048xf32> to vector<8x128xf32>
    %einshape_lo3A_276 = vector.extract_strided_slice %bitcast_convert_type3A_11 {offsets = [0, 33920], sizes = [8, 128], strides = [1, 1]} : vector<8x50048xf32> to vector<8x128xf32>
    %einshape_lo3A_277 = vector.extract_strided_slice %bitcast_convert_type3A_11 {offsets = [0, 34048], sizes = [8, 128], strides = [1, 1]} : vector<8x50048xf32> to vector<8x128xf32>
    %einshape_lo3A_278 = vector.extract_strided_slice %bitcast_convert_type3A_11 {offsets = [0, 34176], sizes = [8, 128], strides = [1, 1]} : vector<8x50048xf32> to vector<8x128xf32>
    %einshape_lo3A_279 = vector.extract_strided_slice %bitcast_convert_type3A_11 {offsets = [0, 34304], sizes = [8, 128], strides = [1, 1]} : vector<8x50048xf32> to vector<8x128xf32>
    %einshape_lo3A_280 = vector.extract_strided_slice %bitcast_convert_type3A_11 {offsets = [0, 34432], sizes = [8, 128], strides = [1, 1]} : vector<8x50048xf32> to vector<8x128xf32>
    %einshape_lo3A_281 = vector.extract_strided_slice %bitcast_convert_type3A_11 {offsets = [0, 34560], sizes = [8, 128], strides = [1, 1]} : vector<8x50048xf32> to vector<8x128xf32>
    %einshape_lo3A_282 = vector.extract_strided_slice %bitcast_convert_type3A_11 {offsets = [0, 34688], sizes = [8, 128], strides = [1, 1]} : vector<8x50048xf32> to vector<8x128xf32>
    %einshape_lo3A_283 = vector.extract_strided_slice %bitcast_convert_type3A_11 {offsets = [0, 34816], sizes = [8, 128], strides = [1, 1]} : vector<8x50048xf32> to vector<8x128xf32>
    %einshape_lo3A_284 = vector.extract_strided_slice %bitcast_convert_type3A_11 {offsets = [0, 34944], sizes = [8, 128], strides = [1, 1]} : vector<8x50048xf32> to vector<8x128xf32>
    %einshape_lo3A_285 = vector.extract_strided_slice %bitcast_convert_type3A_11 {offsets = [0, 35072], sizes = [8, 128], strides = [1, 1]} : vector<8x50048xf32> to vector<8x128xf32>
    %einshape_lo3A_286 = vector.extract_strided_slice %bitcast_convert_type3A_11 {offsets = [0, 35200], sizes = [8, 128], strides = [1, 1]} : vector<8x50048xf32> to vector<8x128xf32>
    %einshape_lo3A_287 = vector.extract_strided_slice %bitcast_convert_type3A_11 {offsets = [0, 35328], sizes = [8, 128], strides = [1, 1]} : vector<8x50048xf32> to vector<8x128xf32>
    %einshape_lo3A_288 = vector.extract_strided_slice %bitcast_convert_type3A_11 {offsets = [0, 35456], sizes = [8, 128], strides = [1, 1]} : vector<8x50048xf32> to vector<8x128xf32>
    %einshape_lo3A_289 = vector.extract_strided_slice %bitcast_convert_type3A_11 {offsets = [0, 35584], sizes = [8, 128], strides = [1, 1]} : vector<8x50048xf32> to vector<8x128xf32>
    %einshape_lo3A_290 = vector.extract_strided_slice %bitcast_convert_type3A_11 {offsets = [0, 35712], sizes = [8, 128], strides = [1, 1]} : vector<8x50048xf32> to vector<8x128xf32>
    %einshape_lo3A_291 = vector.extract_strided_slice %bitcast_convert_type3A_11 {offsets = [0, 35840], sizes = [8, 128], strides = [1, 1]} : vector<8x50048xf32> to vector<8x128xf32>
    %einshape_lo3A_292 = vector.extract_strided_slice %bitcast_convert_type3A_11 {offsets = [0, 35968], sizes = [8, 128], strides = [1, 1]} : vector<8x50048xf32> to vector<8x128xf32>
    %einshape_lo3A_293 = vector.extract_strided_slice %bitcast_convert_type3A_11 {offsets = [0, 36096], sizes = [8, 128], strides = [1, 1]} : vector<8x50048xf32> to vector<8x128xf32>
    %einshape_lo3A_294 = vector.extract_strided_slice %bitcast_convert_type3A_11 {offsets = [0, 36224], sizes = [8, 128], strides = [1, 1]} : vector<8x50048xf32> to vector<8x128xf32>
    %einshape_lo3A_295 = vector.extract_strided_slice %bitcast_convert_type3A_11 {offsets = [0, 36352], sizes = [8, 128], strides = [1, 1]} : vector<8x50048xf32> to vector<8x128xf32>
    %einshape_lo3A_296 = vector.extract_strided_slice %bitcast_convert_type3A_11 {offsets = [0, 36480], sizes = [8, 128], strides = [1, 1]} : vector<8x50048xf32> to vector<8x128xf32>
    %einshape_lo3A_297 = vector.extract_strided_slice %bitcast_convert_type3A_11 {offsets = [0, 36608], sizes = [8, 128], strides = [1, 1]} : vector<8x50048xf32> to vector<8x128xf32>
    %einshape_lo3A_298 = vector.extract_strided_slice %bitcast_convert_type3A_11 {offsets = [0, 36736], sizes = [8, 128], strides = [1, 1]} : vector<8x50048xf32> to vector<8x128xf32>
    %einshape_lo3A_299 = vector.extract_strided_slice %bitcast_convert_type3A_11 {offsets = [0, 36864], sizes = [8, 128], strides = [1, 1]} : vector<8x50048xf32> to vector<8x128xf32>
    %einshape_lo3A_300 = vector.extract_strided_slice %bitcast_convert_type3A_11 {offsets = [0, 36992], sizes = [8, 128], strides = [1, 1]} : vector<8x50048xf32> to vector<8x128xf32>
    %einshape_lo3A_301 = vector.extract_strided_slice %bitcast_convert_type3A_11 {offsets = [0, 37120], sizes = [8, 128], strides = [1, 1]} : vector<8x50048xf32> to vector<8x128xf32>
    %einshape_lo3A_302 = vector.extract_strided_slice %bitcast_convert_type3A_11 {offsets = [0, 37248], sizes = [8, 128], strides = [1, 1]} : vector<8x50048xf32> to vector<8x128xf32>
    %einshape_lo3A_303 = vector.extract_strided_slice %bitcast_convert_type3A_11 {offsets = [0, 37376], sizes = [8, 128], strides = [1, 1]} : vector<8x50048xf32> to vector<8x128xf32>
    %einshape_lo3A_304 = vector.extract_strided_slice %bitcast_convert_type3A_11 {offsets = [0, 37504], sizes = [8, 128], strides = [1, 1]} : vector<8x50048xf32> to vector<8x128xf32>
    %einshape_lo3A_305 = vector.extract_strided_slice %bitcast_convert_type3A_11 {offsets = [0, 37632], sizes = [8, 128], strides = [1, 1]} : vector<8x50048xf32> to vector<8x128xf32>
    %einshape_lo3A_306 = vector.extract_strided_slice %bitcast_convert_type3A_11 {offsets = [0, 37760], sizes = [8, 128], strides = [1, 1]} : vector<8x50048xf32> to vector<8x128xf32>
    %einshape_lo3A_307 = vector.extract_strided_slice %bitcast_convert_type3A_11 {offsets = [0, 37888], sizes = [8, 128], strides = [1, 1]} : vector<8x50048xf32> to vector<8x128xf32>
    %einshape_lo3A_308 = vector.extract_strided_slice %bitcast_convert_type3A_11 {offsets = [0, 38016], sizes = [8, 128], strides = [1, 1]} : vector<8x50048xf32> to vector<8x128xf32>
    %einshape_lo3A_309 = vector.extract_strided_slice %bitcast_convert_type3A_11 {offsets = [0, 38144], sizes = [8, 128], strides = [1, 1]} : vector<8x50048xf32> to vector<8x128xf32>
    %einshape_lo3A_310 = vector.extract_strided_slice %bitcast_convert_type3A_11 {offsets = [0, 38272], sizes = [8, 128], strides = [1, 1]} : vector<8x50048xf32> to vector<8x128xf32>
    %einshape_lo3A_311 = vector.extract_strided_slice %bitcast_convert_type3A_11 {offsets = [0, 38400], sizes = [8, 128], strides = [1, 1]} : vector<8x50048xf32> to vector<8x128xf32>
    %einshape_lo3A_312 = vector.extract_strided_slice %bitcast_convert_type3A_11 {offsets = [0, 38528], sizes = [8, 128], strides = [1, 1]} : vector<8x50048xf32> to vector<8x128xf32>
    %einshape_lo3A_313 = vector.extract_strided_slice %bitcast_convert_type3A_11 {offsets = [0, 38656], sizes = [8, 128], strides = [1, 1]} : vector<8x50048xf32> to vector<8x128xf32>
    %einshape_lo3A_314 = vector.extract_strided_slice %bitcast_convert_type3A_11 {offsets = [0, 38784], sizes = [8, 128], strides = [1, 1]} : vector<8x50048xf32> to vector<8x128xf32>
    %einshape_lo3A_315 = vector.extract_strided_slice %bitcast_convert_type3A_11 {offsets = [0, 38912], sizes = [8, 128], strides = [1, 1]} : vector<8x50048xf32> to vector<8x128xf32>
    %einshape_lo3A_316 = vector.extract_strided_slice %bitcast_convert_type3A_11 {offsets = [0, 39040], sizes = [8, 128], strides = [1, 1]} : vector<8x50048xf32> to vector<8x128xf32>
    %einshape_lo3A_317 = vector.extract_strided_slice %bitcast_convert_type3A_11 {offsets = [0, 39168], sizes = [8, 128], strides = [1, 1]} : vector<8x50048xf32> to vector<8x128xf32>
    %einshape_lo3A_318 = vector.extract_strided_slice %bitcast_convert_type3A_11 {offsets = [0, 39296], sizes = [8, 128], strides = [1, 1]} : vector<8x50048xf32> to vector<8x128xf32>
    %einshape_lo3A_319 = vector.extract_strided_slice %bitcast_convert_type3A_11 {offsets = [0, 39424], sizes = [8, 128], strides = [1, 1]} : vector<8x50048xf32> to vector<8x128xf32>
    %einshape_lo3A_320 = vector.extract_strided_slice %bitcast_convert_type3A_11 {offsets = [0, 39552], sizes = [8, 128], strides = [1, 1]} : vector<8x50048xf32> to vector<8x128xf32>
    %einshape_lo3A_321 = vector.extract_strided_slice %bitcast_convert_type3A_11 {offsets = [0, 39680], sizes = [8, 128], strides = [1, 1]} : vector<8x50048xf32> to vector<8x128xf32>
    %einshape_lo3A_322 = vector.extract_strided_slice %bitcast_convert_type3A_11 {offsets = [0, 39808], sizes = [8, 128], strides = [1, 1]} : vector<8x50048xf32> to vector<8x128xf32>
    %einshape_lo3A_323 = vector.extract_strided_slice %bitcast_convert_type3A_11 {offsets = [0, 39936], sizes = [8, 128], strides = [1, 1]} : vector<8x50048xf32> to vector<8x128xf32>
    %einshape_lo3A_324 = vector.extract_strided_slice %bitcast_convert_type3A_11 {offsets = [0, 40064], sizes = [8, 128], strides = [1, 1]} : vector<8x50048xf32> to vector<8x128xf32>
    %einshape_lo3A_325 = vector.extract_strided_slice %bitcast_convert_type3A_11 {offsets = [0, 40192], sizes = [8, 128], strides = [1, 1]} : vector<8x50048xf32> to vector<8x128xf32>
    %einshape_lo3A_326 = vector.extract_strided_slice %bitcast_convert_type3A_11 {offsets = [0, 40320], sizes = [8, 128], strides = [1, 1]} : vector<8x50048xf32> to vector<8x128xf32>
    %einshape_lo3A_327 = vector.extract_strided_slice %bitcast_convert_type3A_11 {offsets = [0, 40448], sizes = [8, 128], strides = [1, 1]} : vector<8x50048xf32> to vector<8x128xf32>
    %einshape_lo3A_328 = vector.extract_strided_slice %bitcast_convert_type3A_11 {offsets = [0, 40576], sizes = [8, 128], strides = [1, 1]} : vector<8x50048xf32> to vector<8x128xf32>
    %einshape_lo3A_329 = vector.extract_strided_slice %bitcast_convert_type3A_11 {offsets = [0, 40704], sizes = [8, 128], strides = [1, 1]} : vector<8x50048xf32> to vector<8x128xf32>
    %einshape_lo3A_330 = vector.extract_strided_slice %bitcast_convert_type3A_11 {offsets = [0, 40832], sizes = [8, 128], strides = [1, 1]} : vector<8x50048xf32> to vector<8x128xf32>
    %einshape_lo3A_331 = vector.extract_strided_slice %bitcast_convert_type3A_11 {offsets = [0, 40960], sizes = [8, 128], strides = [1, 1]} : vector<8x50048xf32> to vector<8x128xf32>
    %einshape_lo3A_332 = vector.extract_strided_slice %bitcast_convert_type3A_11 {offsets = [0, 41088], sizes = [8, 128], strides = [1, 1]} : vector<8x50048xf32> to vector<8x128xf32>
    %einshape_lo3A_333 = vector.extract_strided_slice %bitcast_convert_type3A_11 {offsets = [0, 41216], sizes = [8, 128], strides = [1, 1]} : vector<8x50048xf32> to vector<8x128xf32>
    %einshape_lo3A_334 = vector.extract_strided_slice %bitcast_convert_type3A_11 {offsets = [0, 41344], sizes = [8, 128], strides = [1, 1]} : vector<8x50048xf32> to vector<8x128xf32>
    %einshape_lo3A_335 = vector.extract_strided_slice %bitcast_convert_type3A_11 {offsets = [0, 41472], sizes = [8, 128], strides = [1, 1]} : vector<8x50048xf32> to vector<8x128xf32>
    %einshape_lo3A_336 = vector.extract_strided_slice %bitcast_convert_type3A_11 {offsets = [0, 41600], sizes = [8, 128], strides = [1, 1]} : vector<8x50048xf32> to vector<8x128xf32>
    %einshape_lo3A_337 = vector.extract_strided_slice %bitcast_convert_type3A_11 {offsets = [0, 41728], sizes = [8, 128], strides = [1, 1]} : vector<8x50048xf32> to vector<8x128xf32>
    %einshape_lo3A_338 = vector.extract_strided_slice %bitcast_convert_type3A_11 {offsets = [0, 41856], sizes = [8, 128], strides = [1, 1]} : vector<8x50048xf32> to vector<8x128xf32>
    %einshape_lo3A_339 = vector.extract_strided_slice %bitcast_convert_type3A_11 {offsets = [0, 41984], sizes = [8, 128], strides = [1, 1]} : vector<8x50048xf32> to vector<8x128xf32>
    %einshape_lo3A_340 = vector.extract_strided_slice %bitcast_convert_type3A_11 {offsets = [0, 42112], sizes = [8, 128], strides = [1, 1]} : vector<8x50048xf32> to vector<8x128xf32>
    %einshape_lo3A_341 = vector.extract_strided_slice %bitcast_convert_type3A_11 {offsets = [0, 42240], sizes = [8, 128], strides = [1, 1]} : vector<8x50048xf32> to vector<8x128xf32>
    %einshape_lo3A_342 = vector.extract_strided_slice %bitcast_convert_type3A_11 {offsets = [0, 42368], sizes = [8, 128], strides = [1, 1]} : vector<8x50048xf32> to vector<8x128xf32>
    %einshape_lo3A_343 = vector.extract_strided_slice %bitcast_convert_type3A_11 {offsets = [0, 42496], sizes = [8, 128], strides = [1, 1]} : vector<8x50048xf32> to vector<8x128xf32>
    %einshape_lo3A_344 = vector.extract_strided_slice %bitcast_convert_type3A_11 {offsets = [0, 42624], sizes = [8, 128], strides = [1, 1]} : vector<8x50048xf32> to vector<8x128xf32>
    %einshape_lo3A_345 = vector.extract_strided_slice %bitcast_convert_type3A_11 {offsets = [0, 42752], sizes = [8, 128], strides = [1, 1]} : vector<8x50048xf32> to vector<8x128xf32>
    %einshape_lo3A_346 = vector.extract_strided_slice %bitcast_convert_type3A_11 {offsets = [0, 42880], sizes = [8, 128], strides = [1, 1]} : vector<8x50048xf32> to vector<8x128xf32>
    %einshape_lo3A_347 = vector.extract_strided_slice %bitcast_convert_type3A_11 {offsets = [0, 43008], sizes = [8, 128], strides = [1, 1]} : vector<8x50048xf32> to vector<8x128xf32>
    %einshape_lo3A_348 = vector.extract_strided_slice %bitcast_convert_type3A_11 {offsets = [0, 43136], sizes = [8, 128], strides = [1, 1]} : vector<8x50048xf32> to vector<8x128xf32>
    %einshape_lo3A_349 = vector.extract_strided_slice %bitcast_convert_type3A_11 {offsets = [0, 43264], sizes = [8, 128], strides = [1, 1]} : vector<8x50048xf32> to vector<8x128xf32>
    %einshape_lo3A_350 = vector.extract_strided_slice %bitcast_convert_type3A_11 {offsets = [0, 43392], sizes = [8, 128], strides = [1, 1]} : vector<8x50048xf32> to vector<8x128xf32>
    %einshape_lo3A_351 = vector.extract_strided_slice %bitcast_convert_type3A_11 {offsets = [0, 43520], sizes = [8, 128], strides = [1, 1]} : vector<8x50048xf32> to vector<8x128xf32>
    %einshape_lo3A_352 = vector.extract_strided_slice %bitcast_convert_type3A_11 {offsets = [0, 43648], sizes = [8, 128], strides = [1, 1]} : vector<8x50048xf32> to vector<8x128xf32>
    %einshape_lo3A_353 = vector.extract_strided_slice %bitcast_convert_type3A_11 {offsets = [0, 43776], sizes = [8, 128], strides = [1, 1]} : vector<8x50048xf32> to vector<8x128xf32>
    %einshape_lo3A_354 = vector.extract_strided_slice %bitcast_convert_type3A_11 {offsets = [0, 43904], sizes = [8, 128], strides = [1, 1]} : vector<8x50048xf32> to vector<8x128xf32>
    %einshape_lo3A_355 = vector.extract_strided_slice %bitcast_convert_type3A_11 {offsets = [0, 44032], sizes = [8, 128], strides = [1, 1]} : vector<8x50048xf32> to vector<8x128xf32>
    %einshape_lo3A_356 = vector.extract_strided_slice %bitcast_convert_type3A_11 {offsets = [0, 44160], sizes = [8, 128], strides = [1, 1]} : vector<8x50048xf32> to vector<8x128xf32>
    %einshape_lo3A_357 = vector.extract_strided_slice %bitcast_convert_type3A_11 {offsets = [0, 44288], sizes = [8, 128], strides = [1, 1]} : vector<8x50048xf32> to vector<8x128xf32>
    %einshape_lo3A_358 = vector.extract_strided_slice %bitcast_convert_type3A_11 {offsets = [0, 44416], sizes = [8, 128], strides = [1, 1]} : vector<8x50048xf32> to vector<8x128xf32>
    %einshape_lo3A_359 = vector.extract_strided_slice %bitcast_convert_type3A_11 {offsets = [0, 44544], sizes = [8, 128], strides = [1, 1]} : vector<8x50048xf32> to vector<8x128xf32>
    %einshape_lo3A_360 = vector.extract_strided_slice %bitcast_convert_type3A_11 {offsets = [0, 44672], sizes = [8, 128], strides = [1, 1]} : vector<8x50048xf32> to vector<8x128xf32>
    %einshape_lo3A_361 = vector.extract_strided_slice %bitcast_convert_type3A_11 {offsets = [0, 44800], sizes = [8, 128], strides = [1, 1]} : vector<8x50048xf32> to vector<8x128xf32>
    %einshape_lo3A_362 = vector.extract_strided_slice %bitcast_convert_type3A_11 {offsets = [0, 44928], sizes = [8, 128], strides = [1, 1]} : vector<8x50048xf32> to vector<8x128xf32>
    %einshape_lo3A_363 = vector.extract_strided_slice %bitcast_convert_type3A_11 {offsets = [0, 45056], sizes = [8, 128], strides = [1, 1]} : vector<8x50048xf32> to vector<8x128xf32>
    %einshape_lo3A_364 = vector.extract_strided_slice %bitcast_convert_type3A_11 {offsets = [0, 45184], sizes = [8, 128], strides = [1, 1]} : vector<8x50048xf32> to vector<8x128xf32>
    %einshape_lo3A_365 = vector.extract_strided_slice %bitcast_convert_type3A_11 {offsets = [0, 45312], sizes = [8, 128], strides = [1, 1]} : vector<8x50048xf32> to vector<8x128xf32>
    %einshape_lo3A_366 = vector.extract_strided_slice %bitcast_convert_type3A_11 {offsets = [0, 45440], sizes = [8, 128], strides = [1, 1]} : vector<8x50048xf32> to vector<8x128xf32>
    %einshape_lo3A_367 = vector.extract_strided_slice %bitcast_convert_type3A_11 {offsets = [0, 45568], sizes = [8, 128], strides = [1, 1]} : vector<8x50048xf32> to vector<8x128xf32>
    %einshape_lo3A_368 = vector.extract_strided_slice %bitcast_convert_type3A_11 {offsets = [0, 45696], sizes = [8, 128], strides = [1, 1]} : vector<8x50048xf32> to vector<8x128xf32>
    %einshape_lo3A_369 = vector.extract_strided_slice %bitcast_convert_type3A_11 {offsets = [0, 45824], sizes = [8, 128], strides = [1, 1]} : vector<8x50048xf32> to vector<8x128xf32>
    %einshape_lo3A_370 = vector.extract_strided_slice %bitcast_convert_type3A_11 {offsets = [0, 45952], sizes = [8, 128], strides = [1, 1]} : vector<8x50048xf32> to vector<8x128xf32>
    %einshape_lo3A_371 = vector.extract_strided_slice %bitcast_convert_type3A_11 {offsets = [0, 46080], sizes = [8, 128], strides = [1, 1]} : vector<8x50048xf32> to vector<8x128xf32>
    %einshape_lo3A_372 = vector.extract_strided_slice %bitcast_convert_type3A_11 {offsets = [0, 46208], sizes = [8, 128], strides = [1, 1]} : vector<8x50048xf32> to vector<8x128xf32>
    %einshape_lo3A_373 = vector.extract_strided_slice %bitcast_convert_type3A_11 {offsets = [0, 46336], sizes = [8, 128], strides = [1, 1]} : vector<8x50048xf32> to vector<8x128xf32>
    %einshape_lo3A_374 = vector.extract_strided_slice %bitcast_convert_type3A_11 {offsets = [0, 46464], sizes = [8, 128], strides = [1, 1]} : vector<8x50048xf32> to vector<8x128xf32>
    %einshape_lo3A_375 = vector.extract_strided_slice %bitcast_convert_type3A_11 {offsets = [0, 46592], sizes = [8, 128], strides = [1, 1]} : vector<8x50048xf32> to vector<8x128xf32>
    %einshape_lo3A_376 = vector.extract_strided_slice %bitcast_convert_type3A_11 {offsets = [0, 46720], sizes = [8, 128], strides = [1, 1]} : vector<8x50048xf32> to vector<8x128xf32>
    %einshape_lo3A_377 = vector.extract_strided_slice %bitcast_convert_type3A_11 {offsets = [0, 46848], sizes = [8, 128], strides = [1, 1]} : vector<8x50048xf32> to vector<8x128xf32>
    %einshape_lo3A_378 = vector.extract_strided_slice %bitcast_convert_type3A_11 {offsets = [0, 46976], sizes = [8, 128], strides = [1, 1]} : vector<8x50048xf32> to vector<8x128xf32>
    %einshape_lo3A_379 = vector.extract_strided_slice %bitcast_convert_type3A_11 {offsets = [0, 47104], sizes = [8, 128], strides = [1, 1]} : vector<8x50048xf32> to vector<8x128xf32>
    %einshape_lo3A_380 = vector.extract_strided_slice %bitcast_convert_type3A_11 {offsets = [0, 47232], sizes = [8, 128], strides = [1, 1]} : vector<8x50048xf32> to vector<8x128xf32>
    %einshape_lo3A_381 = vector.extract_strided_slice %bitcast_convert_type3A_11 {offsets = [0, 47360], sizes = [8, 128], strides = [1, 1]} : vector<8x50048xf32> to vector<8x128xf32>
    %einshape_lo3A_382 = vector.extract_strided_slice %bitcast_convert_type3A_11 {offsets = [0, 47488], sizes = [8, 128], strides = [1, 1]} : vector<8x50048xf32> to vector<8x128xf32>
    %einshape_lo3A_383 = vector.extract_strided_slice %bitcast_convert_type3A_11 {offsets = [0, 47616], sizes = [8, 128], strides = [1, 1]} : vector<8x50048xf32> to vector<8x128xf32>
    %einshape_lo3A_384 = vector.extract_strided_slice %bitcast_convert_type3A_11 {offsets = [0, 47744], sizes = [8, 128], strides = [1, 1]} : vector<8x50048xf32> to vector<8x128xf32>
    %einshape_lo3A_385 = vector.extract_strided_slice %bitcast_convert_type3A_11 {offsets = [0, 47872], sizes = [8, 128], strides = [1, 1]} : vector<8x50048xf32> to vector<8x128xf32>
    %einshape_lo3A_386 = vector.extract_strided_slice %bitcast_convert_type3A_11 {offsets = [0, 48000], sizes = [8, 128], strides = [1, 1]} : vector<8x50048xf32> to vector<8x128xf32>
    %einshape_lo3A_387 = vector.extract_strided_slice %bitcast_convert_type3A_11 {offsets = [0, 48128], sizes = [8, 128], strides = [1, 1]} : vector<8x50048xf32> to vector<8x128xf32>
    %einshape_lo3A_388 = vector.extract_strided_slice %bitcast_convert_type3A_11 {offsets = [0, 48256], sizes = [8, 128], strides = [1, 1]} : vector<8x50048xf32> to vector<8x128xf32>
    %einshape_lo3A_389 = vector.extract_strided_slice %bitcast_convert_type3A_11 {offsets = [0, 48384], sizes = [8, 128], strides = [1, 1]} : vector<8x50048xf32> to vector<8x128xf32>
    %einshape_lo3A_390 = vector.extract_strided_slice %bitcast_convert_type3A_11 {offsets = [0, 48512], sizes = [8, 128], strides = [1, 1]} : vector<8x50048xf32> to vector<8x128xf32>
    %einshape_lo3A_391 = vector.extract_strided_slice %bitcast_convert_type3A_11 {offsets = [0, 48640], sizes = [8, 128], strides = [1, 1]} : vector<8x50048xf32> to vector<8x128xf32>
    %einshape_lo3A_392 = vector.extract_strided_slice %bitcast_convert_type3A_11 {offsets = [0, 48768], sizes = [8, 128], strides = [1, 1]} : vector<8x50048xf32> to vector<8x128xf32>
    %einshape_lo3A_393 = vector.extract_strided_slice %bitcast_convert_type3A_11 {offsets = [0, 48896], sizes = [8, 128], strides = [1, 1]} : vector<8x50048xf32> to vector<8x128xf32>
    %einshape_lo3A_394 = vector.extract_strided_slice %bitcast_convert_type3A_11 {offsets = [0, 49024], sizes = [8, 128], strides = [1, 1]} : vector<8x50048xf32> to vector<8x128xf32>
    %einshape_lo3A_395 = vector.extract_strided_slice %bitcast_convert_type3A_11 {offsets = [0, 49152], sizes = [8, 128], strides = [1, 1]} : vector<8x50048xf32> to vector<8x128xf32>
    %einshape_lo3A_396 = vector.extract_strided_slice %bitcast_convert_type3A_11 {offsets = [0, 49280], sizes = [8, 128], strides = [1, 1]} : vector<8x50048xf32> to vector<8x128xf32>
    %einshape_lo3A_397 = vector.extract_strided_slice %bitcast_convert_type3A_11 {offsets = [0, 49408], sizes = [8, 128], strides = [1, 1]} : vector<8x50048xf32> to vector<8x128xf32>
    %einshape_lo3A_398 = vector.extract_strided_slice %bitcast_convert_type3A_11 {offsets = [0, 49536], sizes = [8, 128], strides = [1, 1]} : vector<8x50048xf32> to vector<8x128xf32>
    %einshape_lo3A_399 = vector.extract_strided_slice %bitcast_convert_type3A_11 {offsets = [0, 49664], sizes = [8, 128], strides = [1, 1]} : vector<8x50048xf32> to vector<8x128xf32>
    %einshape_lo3A_400 = vector.extract_strided_slice %bitcast_convert_type3A_11 {offsets = [0, 49792], sizes = [8, 128], strides = [1, 1]} : vector<8x50048xf32> to vector<8x128xf32>
    %einshape_lo3A_401 = vector.extract_strided_slice %bitcast_convert_type3A_11 {offsets = [0, 49920], sizes = [8, 128], strides = [1, 1]} : vector<8x50048xf32> to vector<8x128xf32>
    %einshape_lo3A_402 = tpu.concatenate %einshape_lo3A, %einshape_lo3A_12, %einshape_lo3A_13, %einshape_lo3A_14, %einshape_lo3A_15, %einshape_lo3A_16, %einshape_lo3A_17, %einshape_lo3A_18, %einshape_lo3A_19, %einshape_lo3A_20, %einshape_lo3A_21, %einshape_lo3A_22, %einshape_lo3A_23, %einshape_lo3A_24, %einshape_lo3A_25, %einshape_lo3A_26, %einshape_lo3A_27, %einshape_lo3A_28, %einshape_lo3A_29, %einshape_lo3A_30, %einshape_lo3A_31, %einshape_lo3A_32, %einshape_lo3A_33, %einshape_lo3A_34, %einshape_lo3A_35, %einshape_lo3A_36, %einshape_lo3A_37, %einshape_lo3A_38, %einshape_lo3A_39, %einshape_lo3A_40, %einshape_lo3A_41, %einshape_lo3A_42, %einshape_lo3A_43, %einshape_lo3A_44, %einshape_lo3A_45, %einshape_lo3A_46, %einshape_lo3A_47, %einshape_lo3A_48, %einshape_lo3A_49, %einshape_lo3A_50, %einshape_lo3A_51, %einshape_lo3A_52, %einshape_lo3A_53, %einshape_lo3A_54, %einshape_lo3A_55, %einshape_lo3A_56, %einshape_lo3A_57, %einshape_lo3A_58, %einshape_lo3A_59, %einshape_lo3A_60, %einshape_lo3A_61, %einshape_lo3A_62, %einshape_lo3A_63, %einshape_lo3A_64, %einshape_lo3A_65, %einshape_lo3A_66, %einshape_lo3A_67, %einshape_lo3A_68, %einshape_lo3A_69, %einshape_lo3A_70, %einshape_lo3A_71, %einshape_lo3A_72, %einshape_lo3A_73, %einshape_lo3A_74, %einshape_lo3A_75, %einshape_lo3A_76, %einshape_lo3A_77, %einshape_lo3A_78, %einshape_lo3A_79, %einshape_lo3A_80, %einshape_lo3A_81, %einshape_lo3A_82, %einshape_lo3A_83, %einshape_lo3A_84, %einshape_lo3A_85, %einshape_lo3A_86, %einshape_lo3A_87, %einshape_lo3A_88, %einshape_lo3A_89, %einshape_lo3A_90, %einshape_lo3A_91, %einshape_lo3A_92, %einshape_lo3A_93, %einshape_lo3A_94, %einshape_lo3A_95, %einshape_lo3A_96, %einshape_lo3A_97, %einshape_lo3A_98, %einshape_lo3A_99, %einshape_lo3A_100, %einshape_lo3A_101, %einshape_lo3A_102, %einshape_lo3A_103, %einshape_lo3A_104, %einshape_lo3A_105, %einshape_lo3A_106, %einshape_lo3A_107, %einshape_lo3A_108, %einshape_lo3A_109, %einshape_lo3A_110, %einshape_lo3A_111, %einshape_lo3A_112, %einshape_lo3A_113, %einshape_lo3A_114, %einshape_lo3A_115, %einshape_lo3A_116, %einshape_lo3A_117, %einshape_lo3A_118, %einshape_lo3A_119, %einshape_lo3A_120, %einshape_lo3A_121, %einshape_lo3A_122, %einshape_lo3A_123, %einshape_lo3A_124, %einshape_lo3A_125, %einshape_lo3A_126, %einshape_lo3A_127, %einshape_lo3A_128, %einshape_lo3A_129, %einshape_lo3A_130, %einshape_lo3A_131, %einshape_lo3A_132, %einshape_lo3A_133, %einshape_lo3A_134, %einshape_lo3A_135, %einshape_lo3A_136, %einshape_lo3A_137, %einshape_lo3A_138, %einshape_lo3A_139, %einshape_lo3A_140, %einshape_lo3A_141, %einshape_lo3A_142, %einshape_lo3A_143, %einshape_lo3A_144, %einshape_lo3A_145, %einshape_lo3A_146, %einshape_lo3A_147, %einshape_lo3A_148, %einshape_lo3A_149, %einshape_lo3A_150, %einshape_lo3A_151, %einshape_lo3A_152, %einshape_lo3A_153, %einshape_lo3A_154, %einshape_lo3A_155, %einshape_lo3A_156, %einshape_lo3A_157, %einshape_lo3A_158, %einshape_lo3A_159, %einshape_lo3A_160, %einshape_lo3A_161, %einshape_lo3A_162, %einshape_lo3A_163, %einshape_lo3A_164, %einshape_lo3A_165, %einshape_lo3A_166, %einshape_lo3A_167, %einshape_lo3A_168, %einshape_lo3A_169, %einshape_lo3A_170, %einshape_lo3A_171, %einshape_lo3A_172, %einshape_lo3A_173, %einshape_lo3A_174, %einshape_lo3A_175, %einshape_lo3A_176, %einshape_lo3A_177, %einshape_lo3A_178, %einshape_lo3A_179, %einshape_lo3A_180, %einshape_lo3A_181, %einshape_lo3A_182, %einshape_lo3A_183, %einshape_lo3A_184, %einshape_lo3A_185, %einshape_lo3A_186, %einshape_lo3A_187, %einshape_lo3A_188, %einshape_lo3A_189, %einshape_lo3A_190, %einshape_lo3A_191, %einshape_lo3A_192, %einshape_lo3A_193, %einshape_lo3A_194, %einshape_lo3A_195, %einshape_lo3A_196, %einshape_lo3A_197, %einshape_lo3A_198, %einshape_lo3A_199, %einshape_lo3A_200, %einshape_lo3A_201, %einshape_lo3A_202, %einshape_lo3A_203, %einshape_lo3A_204, %einshape_lo3A_205, %einshape_lo3A_206, %einshape_lo3A_207, %einshape_lo3A_208, %einshape_lo3A_209, %einshape_lo3A_210, %einshape_lo3A_211, %einshape_lo3A_212, %einshape_lo3A_213, %einshape_lo3A_214, %einshape_lo3A_215, %einshape_lo3A_216, %einshape_lo3A_217, %einshape_lo3A_218, %einshape_lo3A_219, %einshape_lo3A_220, %einshape_lo3A_221, %einshape_lo3A_222, %einshape_lo3A_223, %einshape_lo3A_224, %einshape_lo3A_225, %einshape_lo3A_226, %einshape_lo3A_227, %einshape_lo3A_228, %einshape_lo3A_229, %einshape_lo3A_230, %einshape_lo3A_231, %einshape_lo3A_232, %einshape_lo3A_233, %einshape_lo3A_234, %einshape_lo3A_235, %einshape_lo3A_236, %einshape_lo3A_237, %einshape_lo3A_238, %einshape_lo3A_239, %einshape_lo3A_240, %einshape_lo3A_241, %einshape_lo3A_242, %einshape_lo3A_243, %einshape_lo3A_244, %einshape_lo3A_245, %einshape_lo3A_246, %einshape_lo3A_247, %einshape_lo3A_248, %einshape_lo3A_249, %einshape_lo3A_250, %einshape_lo3A_251, %einshape_lo3A_252, %einshape_lo3A_253, %einshape_lo3A_254, %einshape_lo3A_255, %einshape_lo3A_256, %einshape_lo3A_257, %einshape_lo3A_258, %einshape_lo3A_259, %einshape_lo3A_260, %einshape_lo3A_261, %einshape_lo3A_262, %einshape_lo3A_263, %einshape_lo3A_264, %einshape_lo3A_265, %einshape_lo3A_266, %einshape_lo3A_267, %einshape_lo3A_268, %einshape_lo3A_269, %einshape_lo3A_270, %einshape_lo3A_271, %einshape_lo3A_272, %einshape_lo3A_273, %einshape_lo3A_274, %einshape_lo3A_275, %einshape_lo3A_276, %einshape_lo3A_277, %einshape_lo3A_278, %einshape_lo3A_279, %einshape_lo3A_280, %einshape_lo3A_281, %einshape_lo3A_282, %einshape_lo3A_283, %einshape_lo3A_284, %einshape_lo3A_285, %einshape_lo3A_286, %einshape_lo3A_287, %einshape_lo3A_288, %einshape_lo3A_289, %einshape_lo3A_290, %einshape_lo3A_291, %einshape_lo3A_292, %einshape_lo3A_293, %einshape_lo3A_294, %einshape_lo3A_295, %einshape_lo3A_296, %einshape_lo3A_297, %einshape_lo3A_298, %einshape_lo3A_299, %einshape_lo3A_300, %einshape_lo3A_301, %einshape_lo3A_302, %einshape_lo3A_303, %einshape_lo3A_304, %einshape_lo3A_305, %einshape_lo3A_306, %einshape_lo3A_307, %einshape_lo3A_308, %einshape_lo3A_309, %einshape_lo3A_310, %einshape_lo3A_311, %einshape_lo3A_312, %einshape_lo3A_313, %einshape_lo3A_314, %einshape_lo3A_315, %einshape_lo3A_316, %einshape_lo3A_317, %einshape_lo3A_318, %einshape_lo3A_319, %einshape_lo3A_320, %einshape_lo3A_321, %einshape_lo3A_322, %einshape_lo3A_323, %einshape_lo3A_324, %einshape_lo3A_325, %einshape_lo3A_326, %einshape_lo3A_327, %einshape_lo3A_328, %einshape_lo3A_329, %einshape_lo3A_330, %einshape_lo3A_331, %einshape_lo3A_332, %einshape_lo3A_333, %einshape_lo3A_334, %einshape_lo3A_335, %einshape_lo3A_336, %einshape_lo3A_337, %einshape_lo3A_338, %einshape_lo3A_339, %einshape_lo3A_340, %einshape_lo3A_341, %einshape_lo3A_342, %einshape_lo3A_343, %einshape_lo3A_344, %einshape_lo3A_345, %einshape_lo3A_346, %einshape_lo3A_347, %einshape_lo3A_348, %einshape_lo3A_349, %einshape_lo3A_350, %einshape_lo3A_351, %einshape_lo3A_352, %einshape_lo3A_353, %einshape_lo3A_354, %einshape_lo3A_355, %einshape_lo3A_356, %einshape_lo3A_357, %einshape_lo3A_358, %einshape_lo3A_359, %einshape_lo3A_360, %einshape_lo3A_361, %einshape_lo3A_362, %einshape_lo3A_363, %einshape_lo3A_364, %einshape_lo3A_365, %einshape_lo3A_366, %einshape_lo3A_367, %einshape_lo3A_368, %einshape_lo3A_369, %einshape_lo3A_370, %einshape_lo3A_371, %einshape_lo3A_372, %einshape_lo3A_373, %einshape_lo3A_374, %einshape_lo3A_375, %einshape_lo3A_376, %einshape_lo3A_377, %einshape_lo3A_378, %einshape_lo3A_379, %einshape_lo3A_380, %einshape_lo3A_381, %einshape_lo3A_382, %einshape_lo3A_383, %einshape_lo3A_384, %einshape_lo3A_385, %einshape_lo3A_386, %einshape_lo3A_387, %einshape_lo3A_388, %einshape_lo3A_389, %einshape_lo3A_390, %einshape_lo3A_391, %einshape_lo3A_392, %einshape_lo3A_393, %einshape_lo3A_394, %einshape_lo3A_395, %einshape_lo3A_396, %einshape_lo3A_397, %einshape_lo3A_398, %einshape_lo3A_399, %einshape_lo3A_400, %einshape_lo3A_401 in 0 : vector<8x128xf32>, vector<8x128xf32>, vector<8x128xf32>, vector<8x128xf32>, vector<8x128xf32>, vector<8x128xf32>, vector<8x128xf32>, vector<8x128xf32>, vector<8x128xf32>, vector<8x128xf32>, vector<8x128xf32>, vector<8x128xf32>, vector<8x128xf32>, vector<8x128xf32>, vector<8x128xf32>, vector<8x128xf32>, vector<8x128xf32>, vector<8x128xf32>, vector<8x128xf32>, vector<8x128xf32>, vector<8x128xf32>, vector<8x128xf32>, vector<8x128xf32>, vector<8x128xf32>, vector<8x128xf32>, vector<8x128xf32>, vector<8x128xf32>, vector<8x128xf32>, vector<8x128xf32>, vector<8x128xf32>, vector<8x128xf32>, vector<8x128xf32>, vector<8x128xf32>, vector<8x128xf32>, vector<8x128xf32>, vector<8x128xf32>, vector<8x128xf32>, vector<8x128xf32>, vector<8x128xf32>, vector<8x128xf32>, vector<8x128xf32>, vector<8x128xf32>, vector<8x128xf32>, vector<8x128xf32>, vector<8x128xf32>, vector<8x128xf32>, vector<8x128xf32>, vector<8x128xf32>, vector<8x128xf32>, vector<8x128xf32>, vector<8x128xf32>, vector<8x128xf32>, vector<8x128xf32>, vector<8x128xf32>, vector<8x128xf32>, vector<8x128xf32>, vector<8x128xf32>, vector<8x128xf32>, vector<8x128xf32>, vector<8x128xf32>, vector<8x128xf32>, vector<8x128xf32>, vector<8x128xf32>, vector<8x128xf32>, vector<8x128xf32>, vector<8x128xf32>, vector<8x128xf32>, vector<8x128xf32>, vector<8x128xf32>, vector<8x128xf32>, vector<8x128xf32>, vector<8x128xf32>, vector<8x128xf32>, vector<8x128xf32>, vector<8x128xf32>, vector<8x128xf32>, vector<8x128xf32>, vector<8x128xf32>, vector<8x128xf32>, vector<8x128xf32>, vector<8x128xf32>, vector<8x128xf32>, vector<8x128xf32>, vector<8x128xf32>, vector<8x128xf32>, vector<8x128xf32>, vector<8x128xf32>, vector<8x128xf32>, vector<8x128xf32>, vector<8x128xf32>, vector<8x128xf32>, vector<8x128xf32>, vector<8x128xf32>, vector<8x128xf32>, vector<8x128xf32>, vector<8x128xf32>, vector<8x128xf32>, vector<8x128xf32>, vector<8x128xf32>, vector<8x128xf32>, vector<8x128xf32>, vector<8x128xf32>, vector<8x128xf32>, vector<8x128xf32>, vector<8x128xf32>, vector<8x128xf32>, vector<8x128xf32>, vector<8x128xf32>, vector<8x128xf32>, vector<8x128xf32>, vector<8x128xf32>, vector<8x128xf32>, vector<8x128xf32>, vector<8x128xf32>, vector<8x128xf32>, vector<8x128xf32>, vector<8x128xf32>, vector<8x128xf32>, vector<8x128xf32>, vector<8x128xf32>, vector<8x128xf32>, vector<8x128xf32>, vector<8x128xf32>, vector<8x128xf32>, vector<8x128xf32>, vector<8x128xf32>, vector<8x128xf32>, vector<8x128xf32>, vector<8x128xf32>, vector<8x128xf32>, vector<8x128xf32>, vector<8x128xf32>, vector<8x128xf32>, vector<8x128xf32>, vector<8x128xf32>, vector<8x128xf32>, vector<8x128xf32>, vector<8x128xf32>, vector<8x128xf32>, vector<8x128xf32>, vector<8x128xf32>, vector<8x128xf32>, vector<8x128xf32>, vector<8x128xf32>, vector<8x128xf32>, vector<8x128xf32>, vector<8x128xf32>, vector<8x128xf32>, vector<8x128xf32>, vector<8x128xf32>, vector<8x128xf32>, vector<8x128xf32>, vector<8x128xf32>, vector<8x128xf32>, vector<8x128xf32>, vector<8x128xf32>, vector<8x128xf32>, vector<8x128xf32>, vector<8x128xf32>, vector<8x128xf32>, vector<8x128xf32>, vector<8x128xf32>, vector<8x128xf32>, vector<8x128xf32>, vector<8x128xf32>, vector<8x128xf32>, vector<8x128xf32>, vector<8x128xf32>, vector<8x128xf32>, vector<8x128xf32>, vector<8x128xf32>, vector<8x128xf32>, vector<8x128xf32>, vector<8x128xf32>, vector<8x128xf32>, vector<8x128xf32>, vector<8x128xf32>, vector<8x128xf32>, vector<8x128xf32>, vector<8x128xf32>, vector<8x128xf32>, vector<8x128xf32>, vector<8x128xf32>, vector<8x128xf32>, vector<8x128xf32>, vector<8x128xf32>, vector<8x128xf32>, vector<8x128xf32>, vector<8x128xf32>, vector<8x128xf32>, vector<8x128xf32>, vector<8x128xf32>, vector<8x128xf32>, vector<8x128xf32>, vector<8x128xf32>, vector<8x128xf32>, vector<8x128xf32>, vector<8x128xf32>, vector<8x128xf32>, vector<8x128xf32>, vector<8x128xf32>, vector<8x128xf32>, vector<8x128xf32>, vector<8x128xf32>, vector<8x128xf32>, vector<8x128xf32>, vector<8x128xf32>, vector<8x128xf32>, vector<8x128xf32>, vector<8x128xf32>, vector<8x128xf32>, vector<8x128xf32>, vector<8x128xf32>, vector<8x128xf32>, vector<8x128xf32>, vector<8x128xf32>, vector<8x128xf32>, vector<8x128xf32>, vector<8x128xf32>, vector<8x128xf32>, vector<8x128xf32>, vector<8x128xf32>, vector<8x128xf32>, vector<8x128xf32>, vector<8x128xf32>, vector<8x128xf32>, vector<8x128xf32>, vector<8x128xf32>, vector<8x128xf32>, vector<8x128xf32>, vector<8x128xf32>, vector<8x128xf32>, vector<8x128xf32>, vector<8x128xf32>, vector<8x128xf32>, vector<8x128xf32>, vector<8x128xf32>, vector<8x128xf32>, vector<8x128xf32>, vector<8x128xf32>, vector<8x128xf32>, vector<8x128xf32>, vector<8x128xf32>, vector<8x128xf32>, vector<8x128xf32>, vector<8x128xf32>, vector<8x128xf32>, vector<8x128xf32>, vector<8x128xf32>, vector<8x128xf32>, vector<8x128xf32>, vector<8x128xf32>, vector<8x128xf32>, vector<8x128xf32>, vector<8x128xf32>, vector<8x128xf32>, vector<8x128xf32>, vector<8x128xf32>, vector<8x128xf32>, vector<8x128xf32>, vector<8x128xf32>, vector<8x128xf32>, vector<8x128xf32>, vector<8x128xf32>, vector<8x128xf32>, vector<8x128xf32>, vector<8x128xf32>, vector<8x128xf32>, vector<8x128xf32>, vector<8x128xf32>, vector<8x128xf32>, vector<8x128xf32>, vector<8x128xf32>, vector<8x128xf32>, vector<8x128xf32>, vector<8x128xf32>, vector<8x128xf32>, vector<8x128xf32>, vector<8x128xf32>, vector<8x128xf32>, vector<8x128xf32>, vector<8x128xf32>, vector<8x128xf32>, vector<8x128xf32>, vector<8x128xf32>, vector<8x128xf32>, vector<8x128xf32>, vector<8x128xf32>, vector<8x128xf32>, vector<8x128xf32>, vector<8x128xf32>, vector<8x128xf32>, vector<8x128xf32>, vector<8x128xf32>, vector<8x128xf32>, vector<8x128xf32>, vector<8x128xf32>, vector<8x128xf32>, vector<8x128xf32>, vector<8x128xf32>, vector<8x128xf32>, vector<8x128xf32>, vector<8x128xf32>, vector<8x128xf32>, vector<8x128xf32>, vector<8x128xf32>, vector<8x128xf32>, vector<8x128xf32>, vector<8x128xf32>, vector<8x128xf32>, vector<8x128xf32>, vector<8x128xf32>, vector<8x128xf32>, vector<8x128xf32>, vector<8x128xf32>, vector<8x128xf32>, vector<8x128xf32>, vector<8x128xf32>, vector<8x128xf32>, vector<8x128xf32>, vector<8x128xf32>, vector<8x128xf32>, vector<8x128xf32>, vector<8x128xf32>, vector<8x128xf32>, vector<8x128xf32>, vector<8x128xf32>, vector<8x128xf32>, vector<8x128xf32>, vector<8x128xf32>, vector<8x128xf32>, vector<8x128xf32>, vector<8x128xf32>, vector<8x128xf32>, vector<8x128xf32>, vector<8x128xf32>, vector<8x128xf32>, vector<8x128xf32>, vector<8x128xf32>, vector<8x128xf32>, vector<8x128xf32>, vector<8x128xf32>, vector<8x128xf32>, vector<8x128xf32>, vector<8x128xf32>, vector<8x128xf32>, vector<8x128xf32>, vector<8x128xf32>, vector<8x128xf32>, vector<8x128xf32>, vector<8x128xf32>, vector<8x128xf32>, vector<8x128xf32>, vector<8x128xf32>, vector<8x128xf32>, vector<8x128xf32>, vector<8x128xf32>, vector<8x128xf32>, vector<8x128xf32>, vector<8x128xf32>, vector<8x128xf32>, vector<8x128xf32>, vector<8x128xf32>, vector<8x128xf32>, vector<8x128xf32>, vector<8x128xf32>, vector<8x128xf32>, vector<8x128xf32>, vector<8x128xf32>, vector<8x128xf32>, vector<8x128xf32>, vector<8x128xf32>, vector<8x128xf32>, vector<8x128xf32>, vector<8x128xf32>, vector<8x128xf32>, vector<8x128xf32>, vector<8x128xf32>, vector<8x128xf32>, vector<8x128xf32>, vector<8x128xf32>, vector<8x128xf32>, vector<8x128xf32>, vector<8x128xf32>, vector<8x128xf32>, vector<8x128xf32>, vector<8x128xf32>, vector<8x128xf32>, vector<8x128xf32>, vector<8x128xf32>, vector<8x128xf32> -> vector<3128x128xf32>
    %swap3A = arith.constant 0 : index
    %swap3A_403 = arith.constant 0 : index
    %swap3A_404 = vector.load %arg3[%swap3A, %swap3A_403] : memref<3128x128xf32, #tpu.memory_space<vmem>>, vector<3128x128xf32>
    tpu.vector_store %arg3[%swap3A, %swap3A_403], %einshape_lo3A_402 {strides = array<i32>} : memref<3128x128xf32, #tpu.memory_space<vmem>>, vector<3128x128xf32>,
    return
  }
  func.func @transform_0(%arg0: i32, %arg1: i32) -> (i32, i32) {
    %c0_i32 = arith.constant 0 : i32
    return %arg0, %arg1 : i32, i32
  }
  func.func @transform_1(%arg0: i32, %arg1: i32) -> (i32, i32) {
    %mul3A = arith.constant 2 : i32
    %mul3A_0 = arith.muli %arg0, %mul3A : i32
    %add3A = arith.addi %mul3A_0, %arg1 : i32
    %c0_i32 = arith.constant 0 : i32
    %c0_i32_1 = arith.constant 0 : i32
    return %add3A, %c0_i32 : i32, i32
  }
}

module attributes {stable_mosaic.version = 14 : i64} {
  func.func @_mlp_body(%arg0: i32, %arg1: memref<4096x16xf32, #tpu.memory_space<vmem>>, %arg2: memref<4096x16xf32, #tpu.memory_space<vmem>>, %arg3: memref<16x256xbf16, #tpu.memory_space<vmem>>, %arg4: memref<16x256xbf16, #tpu.memory_space<vmem>>, %arg5: memref<16x256xbf16, #tpu.memory_space<vmem>>, %arg6: memref<16x256xbf16, #tpu.memory_space<vmem>>, %arg7: memref<1x256xf32, #tpu.memory_space<vmem>>, %arg8: memref<256x64xf32, #tpu.memory_space<vmem>>, %arg9: memref<1x64xf32, #tpu.memory_space<vmem>>, %arg10: memref<64x1xf32, #tpu.memory_space<vmem>>, %arg11: memref<1x1xf32, #tpu.memory_space<vmem>>, %arg12: memref<4096x1xf32, #tpu.memory_space<vmem>>) attributes {dimension_semantics = [#tpu.dimension_semantics<parallel>], iteration_bounds = array<i64: 4>, scalar_prefetch = 0 : i64, scratch_operands = 0 : i64, tpu.core_type = #tpu.core_type<tc>, window_params = [{transform_indices = @transform_0, window_bounds = array<i64: 4096, 16>}, {transform_indices = @transform_1, window_bounds = array<i64: 4096, 16>}, {pipeline_mode = #tpu.pipeline_mode<synchronous>, transform_indices = @transform_2, window_bounds = array<i64: 16, 256>}, {pipeline_mode = #tpu.pipeline_mode<synchronous>, transform_indices = @transform_3, window_bounds = array<i64: 16, 256>}, {pipeline_mode = #tpu.pipeline_mode<synchronous>, transform_indices = @transform_4, window_bounds = array<i64: 16, 256>}, {pipeline_mode = #tpu.pipeline_mode<synchronous>, transform_indices = @transform_5, window_bounds = array<i64: 16, 256>}, {pipeline_mode = #tpu.pipeline_mode<synchronous>, transform_indices = @transform_6, window_bounds = array<i64: 1, 256>}, {pipeline_mode = #tpu.pipeline_mode<synchronous>, transform_indices = @transform_7, window_bounds = array<i64: 256, 64>}, {pipeline_mode = #tpu.pipeline_mode<synchronous>, transform_indices = @transform_8, window_bounds = array<i64: 1, 64>}, {pipeline_mode = #tpu.pipeline_mode<synchronous>, transform_indices = @transform_9, window_bounds = array<i64: 64, 1>}, {pipeline_mode = #tpu.pipeline_mode<synchronous>, transform_indices = @transform_10, window_bounds = array<i64: 1, 1>}, {transform_indices = @transform_11, window_bounds = array<i64: 4096, 1>}]} {
    %get3A = arith.constant 0 : index
    %get3A_0 = arith.constant 0 : index
    %get3A_1 = vector.load %arg1[%get3A, %get3A_0] : memref<4096x16xf32, #tpu.memory_space<vmem>>, vector<4096x16xf32>
    %bitcast_convert_type3A = tpu.bitcast %get3A_1 : vector<4096x16xf32> -> vector<4096x16xi32>
    %shift_left3A = arith.constant 16 : i32
    %shift_left3A_2 = vector.broadcast %shift_left3A : i32 to vector<4096x16xi32>
    %shift_left3A_3 = arith.shli %bitcast_convert_type3A, %shift_left3A_2 : vector<4096x16xi32>
    %bitcast_convert_type3A_4 = tpu.bitcast %shift_left3A_3 : vector<4096x16xi32> -> vector<4096x16xf32>
    %and3A = arith.constant -65536 : i32
    %and3A_5 = vector.broadcast %and3A : i32 to vector<4096x16xi32>
    %and3A_6 = arith.andi %bitcast_convert_type3A, %and3A_5 : vector<4096x16xi32>
    %bitcast_convert_type3A_7 = tpu.bitcast %and3A_6 : vector<4096x16xi32> -> vector<4096x16xf32>
    %convert_element_type3A = arith.truncf %bitcast_convert_type3A_4 : vector<4096x16xf32> to vector<4096x16xbf16>
    %convert_element_type3A_8 = arith.truncf %bitcast_convert_type3A_7 : vector<4096x16xf32> to vector<4096x16xbf16>
    %get3A_9 = arith.constant 0 : index
    %get3A_10 = arith.constant 0 : index
    %get3A_11 = vector.load %arg2[%get3A_9, %get3A_10] : memref<4096x16xf32, #tpu.memory_space<vmem>>, vector<4096x16xf32>
    %bitcast_convert_type3A_12 = tpu.bitcast %get3A_11 : vector<4096x16xf32> -> vector<4096x16xi32>
    %shift_left3A_13 = arith.constant 16 : i32
    %shift_left3A_14 = vector.broadcast %shift_left3A_13 : i32 to vector<4096x16xi32>
    %shift_left3A_15 = arith.shli %bitcast_convert_type3A_12, %shift_left3A_14 : vector<4096x16xi32>
    %bitcast_convert_type3A_16 = tpu.bitcast %shift_left3A_15 : vector<4096x16xi32> -> vector<4096x16xf32>
    %and3A_17 = arith.constant -65536 : i32
    %and3A_18 = vector.broadcast %and3A_17 : i32 to vector<4096x16xi32>
    %and3A_19 = arith.andi %bitcast_convert_type3A_12, %and3A_18 : vector<4096x16xi32>
    %bitcast_convert_type3A_20 = tpu.bitcast %and3A_19 : vector<4096x16xi32> -> vector<4096x16xf32>
    %convert_element_type3A_21 = arith.truncf %bitcast_convert_type3A_16 : vector<4096x16xf32> to vector<4096x16xbf16>
    %convert_element_type3A_22 = arith.truncf %bitcast_convert_type3A_20 : vector<4096x16xf32> to vector<4096x16xbf16>
    %get3A_23 = arith.constant 0 : index
    %get3A_24 = arith.constant 0 : index
    %get3A_25 = vector.load %arg3[%get3A_23, %get3A_24] : memref<16x256xbf16, #tpu.memory_space<vmem>>, vector<16x256xbf16>
    %dot_general3A = arith.constant dense<0.000000e+00> : vector<4096x256xf32>
    %dot_general3A_26 = tpu.matmul %convert_element_type3A, %get3A_25, %dot_general3A {dimension_numbers = #tpu.dot_dimension_numbers<[1], [0], [0], [1], [0, 0, 1, 1], [], []>, transpose_lhs_hint = false} : vector<4096x16xbf16>, vector<16x256xbf16>, vector<4096x256xf32> -> vector<4096x256xf32>
    %get3A_27 = arith.constant 0 : index
    %get3A_28 = arith.constant 0 : index
    %get3A_29 = vector.load %arg4[%get3A_27, %get3A_28] : memref<16x256xbf16, #tpu.memory_space<vmem>>, vector<16x256xbf16>
    %dot_general3A_30 = arith.constant dense<0.000000e+00> : vector<4096x256xf32>
    %dot_general3A_31 = tpu.matmul %convert_element_type3A_8, %get3A_29, %dot_general3A_30 {dimension_numbers = #tpu.dot_dimension_numbers<[1], [0], [0], [1], [0, 0, 1, 1], [], []>, transpose_lhs_hint = false} : vector<4096x16xbf16>, vector<16x256xbf16>, vector<4096x256xf32> -> vector<4096x256xf32>
    %add3A = arith.addf %dot_general3A_26, %dot_general3A_31 : vector<4096x256xf32>
    %get3A_32 = arith.constant 0 : index
    %get3A_33 = arith.constant 0 : index
    %get3A_34 = vector.load %arg5[%get3A_32, %get3A_33] : memref<16x256xbf16, #tpu.memory_space<vmem>>, vector<16x256xbf16>
    %dot_general3A_35 = arith.constant dense<0.000000e+00> : vector<4096x256xf32>
    %dot_general3A_36 = tpu.matmul %convert_element_type3A_21, %get3A_34, %dot_general3A_35 {dimension_numbers = #tpu.dot_dimension_numbers<[1], [0], [0], [1], [0, 0, 1, 1], [], []>, transpose_lhs_hint = false} : vector<4096x16xbf16>, vector<16x256xbf16>, vector<4096x256xf32> -> vector<4096x256xf32>
    %add3A_37 = arith.addf %add3A, %dot_general3A_36 : vector<4096x256xf32>
    %get3A_38 = arith.constant 0 : index
    %get3A_39 = arith.constant 0 : index
    %get3A_40 = vector.load %arg6[%get3A_38, %get3A_39] : memref<16x256xbf16, #tpu.memory_space<vmem>>, vector<16x256xbf16>
    %dot_general3A_41 = arith.constant dense<0.000000e+00> : vector<4096x256xf32>
    %dot_general3A_42 = tpu.matmul %convert_element_type3A_22, %get3A_40, %dot_general3A_41 {dimension_numbers = #tpu.dot_dimension_numbers<[1], [0], [0], [1], [0, 0, 1, 1], [], []>, transpose_lhs_hint = false} : vector<4096x16xbf16>, vector<16x256xbf16>, vector<4096x256xf32> -> vector<4096x256xf32>
    %add3A_43 = arith.addf %add3A_37, %dot_general3A_42 : vector<4096x256xf32>
    %get3A_44 = arith.constant 0 : index
    %get3A_45 = arith.constant 0 : index
    %get3A_46 = vector.load %arg7[%get3A_44, %get3A_45] : memref<1x256xf32, #tpu.memory_space<vmem>>, vector<1x256xf32>
    %add3A_47 = vector.broadcast %get3A_46 : vector<1x256xf32> to vector<4096x256xf32>
    %add3A_48 = arith.addf %add3A_43, %add3A_47 : vector<4096x256xf32>
    %max3A = arith.constant 0.000000e+00 : f32
    %max3A_49 = vector.broadcast %max3A : f32 to vector<4096x256xf32>
    %max3A_50 = arith.maximumf %add3A_48, %max3A_49 : vector<4096x256xf32>
    %get3A_51 = arith.constant 0 : index
    %get3A_52 = arith.constant 0 : index
    %get3A_53 = vector.load %arg8[%get3A_51, %get3A_52] : memref<256x64xf32, #tpu.memory_space<vmem>>, vector<256x64xf32>
    %dot_general3A_54 = arith.constant dense<0.000000e+00> : vector<4096x64xf32>
    %dot_general3A_55 = tpu.matmul %max3A_50, %get3A_53, %dot_general3A_54 {dimension_numbers = #tpu.dot_dimension_numbers<[1], [0], [0], [1], [0, 0, 1, 1], [], []>, transpose_lhs_hint = false} : vector<4096x256xf32>, vector<256x64xf32>, vector<4096x64xf32> -> vector<4096x64xf32>
    %get3A_56 = arith.constant 0 : index
    %get3A_57 = arith.constant 0 : index
    %get3A_58 = vector.load %arg9[%get3A_56, %get3A_57] : memref<1x64xf32, #tpu.memory_space<vmem>>, vector<1x64xf32>
    %add3A_59 = vector.broadcast %get3A_58 : vector<1x64xf32> to vector<4096x64xf32>
    %add3A_60 = arith.addf %dot_general3A_55, %add3A_59 : vector<4096x64xf32>
    %max3A_61 = arith.constant 0.000000e+00 : f32
    %max3A_62 = vector.broadcast %max3A_61 : f32 to vector<4096x64xf32>
    %max3A_63 = arith.maximumf %add3A_60, %max3A_62 : vector<4096x64xf32>
    %get3A_64 = arith.constant 0 : index
    %get3A_65 = arith.constant 0 : index
    %get3A_66 = vector.load %arg10[%get3A_64, %get3A_65] : memref<64x1xf32, #tpu.memory_space<vmem>>, vector<64x1xf32>
    %dot_general3A_67 = arith.constant dense<0.000000e+00> : vector<4096x1xf32>
    %dot_general3A_68 = tpu.matmul %max3A_63, %get3A_66, %dot_general3A_67 {dimension_numbers = #tpu.dot_dimension_numbers<[1], [0], [0], [1], [0, 0, 1, 1], [], []>, transpose_lhs_hint = false} : vector<4096x64xf32>, vector<64x1xf32>, vector<4096x1xf32> -> vector<4096x1xf32>
    %get3A_69 = arith.constant 0 : index
    %get3A_70 = arith.constant 0 : index
    %get3A_71 = vector.load %arg11[%get3A_69, %get3A_70] : memref<1x1xf32, #tpu.memory_space<vmem>>, vector<1x1xf32>
    %add3A_72 = vector.broadcast %get3A_71 : vector<1x1xf32> to vector<4096x1xf32>
    %add3A_73 = arith.addf %dot_general3A_68, %add3A_72 : vector<4096x1xf32>
    %swap3A = arith.constant 0 : index
    %swap3A_74 = arith.constant 0 : index
    %swap3A_75 = vector.load %arg12[%swap3A, %swap3A_74] : memref<4096x1xf32, #tpu.memory_space<vmem>>, vector<4096x1xf32>
    tpu.vector_store %arg12[%swap3A, %swap3A_74], %add3A_73 {strides = array<i32>} : memref<4096x1xf32, #tpu.memory_space<vmem>>, vector<4096x1xf32>,
    return
  }
  func.func @transform_0(%arg0: i32) -> (i32, i32) {
    %c0_i32 = arith.constant 0 : i32
    %c0_i32_0 = arith.constant 0 : i32
    return %arg0, %c0_i32 : i32, i32
  }
  func.func @transform_1(%arg0: i32) -> (i32, i32) {
    %c0_i32 = arith.constant 0 : i32
    %c0_i32_0 = arith.constant 0 : i32
    return %arg0, %c0_i32 : i32, i32
  }
  func.func @transform_2(%arg0: i32) -> (i32, i32) {
    %c0_i32 = arith.constant 0 : i32
    %c0_i32_0 = arith.constant 0 : i32
    %c0_i32_1 = arith.constant 0 : i32
    return %c0_i32, %c0_i32_0 : i32, i32
  }
  func.func @transform_3(%arg0: i32) -> (i32, i32) {
    %c0_i32 = arith.constant 0 : i32
    %c0_i32_0 = arith.constant 0 : i32
    %c0_i32_1 = arith.constant 0 : i32
    return %c0_i32, %c0_i32_0 : i32, i32
  }
  func.func @transform_4(%arg0: i32) -> (i32, i32) {
    %c0_i32 = arith.constant 0 : i32
    %c0_i32_0 = arith.constant 0 : i32
    %c0_i32_1 = arith.constant 0 : i32
    return %c0_i32, %c0_i32_0 : i32, i32
  }
  func.func @transform_5(%arg0: i32) -> (i32, i32) {
    %c0_i32 = arith.constant 0 : i32
    %c0_i32_0 = arith.constant 0 : i32
    %c0_i32_1 = arith.constant 0 : i32
    return %c0_i32, %c0_i32_0 : i32, i32
  }
  func.func @transform_6(%arg0: i32) -> (i32, i32) {
    %c0_i32 = arith.constant 0 : i32
    %c0_i32_0 = arith.constant 0 : i32
    %c0_i32_1 = arith.constant 0 : i32
    return %c0_i32, %c0_i32_0 : i32, i32
  }
  func.func @transform_7(%arg0: i32) -> (i32, i32) {
    %c0_i32 = arith.constant 0 : i32
    %c0_i32_0 = arith.constant 0 : i32
    %c0_i32_1 = arith.constant 0 : i32
    return %c0_i32, %c0_i32_0 : i32, i32
  }
  func.func @transform_8(%arg0: i32) -> (i32, i32) {
    %c0_i32 = arith.constant 0 : i32
    %c0_i32_0 = arith.constant 0 : i32
    %c0_i32_1 = arith.constant 0 : i32
    return %c0_i32, %c0_i32_0 : i32, i32
  }
  func.func @transform_9(%arg0: i32) -> (i32, i32) {
    %c0_i32 = arith.constant 0 : i32
    %c0_i32_0 = arith.constant 0 : i32
    %c0_i32_1 = arith.constant 0 : i32
    return %c0_i32, %c0_i32_0 : i32, i32
  }
  func.func @transform_10(%arg0: i32) -> (i32, i32) {
    %c0_i32 = arith.constant 0 : i32
    %c0_i32_0 = arith.constant 0 : i32
    %c0_i32_1 = arith.constant 0 : i32
    return %c0_i32, %c0_i32_0 : i32, i32
  }
  func.func @transform_11(%arg0: i32) -> (i32, i32) {
    %c0_i32 = arith.constant 0 : i32
    %c0_i32_0 = arith.constant 0 : i32
    return %arg0, %c0_i32 : i32, i32
  }
}

</mosaic_0001>

<sc_bundles>
// kernel: kernel.10.cloned.1.call-start
scs
__scs_entry_jumppad:
0x0: {  	(pc) =	sbr.rel $0x88, $3  }
0x1: {  	(tag) =	ssettag $0x0;
	lr =	simm.s32 $0x1  }
0x2: {  	[smem:$0x3F97] =	sst lr;
	_ =	strace $0xD0000000  }
0x3: {  	_ = 	snop  }
0x4: {  	_ = 	snop  }
0x5: {  	_ = 	snop  }
0x6: {  	_ = 	snop  }
0x7: {  	_ = 	snop  }
__scs_overlays_trampoline_lowered:
0x8: {  	[smem:$0x3FA6] =	sst s0  }
0x9: {  	[smem:$0x3FA7] =	sst s1  }
0xa: {  	[smem:$0x3FA8] =	sst s2  }
0xb: {  	[smem:$0x3FA9] =	sst s3  }
0xc: {  	[smem:$0x3FAA] =	sst s4  }
0xd: {  	[smem:$0x3FAB] =	sst s5  }
0xe: {  	[smem:$0x3FAC] =	sst s6  }
0xf: {  	[smem:$0x3FAD] =	sst s7  }
0x10: {  	[smem:$0x3FAE] =	sst s8  }
0x11: {  	[smem:$0x3FAF] =	sst s9;
	s0 =	simm.s32 @!p0 $0x0  }
0x12: {  	s1 =	sld [smem:$0x3F95];
	s0 =	simm.s32 @p0 $0x1  }
0x13: {  	[smem:$0x3FB0] =	sst s0;
	s0 =	simm.s32 @!p1 $0x0  }
0x14: {  	s2 =	sld [smem:$0x3F94];
	s0 =	simm.s32 @p1 $0x1  }
0x15: {  	[smem:$0x3FB1] =	sst s0;
	s0 =	simm.s32 @!p2 $0x0  }
0x16: {  	s3 =	sld [smem:$0x3FDB];
	s0 =	simm.s32 @p2 $0x1  }
0x17: {  	s4 =	simm.s32 $0x1BF5;
	[smem:$0x3FB3] =	sst s0  }
0x18: {  	s0 =	sld [smem:$0x3F96];
	_ =	swait.ge [sflag:s4], $0x0  }
0x19: {  	s7 =	sld [smem:$0x3F97]  }
0x1a: {  	s8 =	sadd.s32 $0xFFFFE003, lr  }
0x1b: {  	s9 =	sadd.s32 $0xFFFFFEF7, lr;
	s5 =	simm.s32 $0xFFFFFFFF;
	p2 =	slt.u32 s8, $0xFFFFF086  }
0x1c: {  	p1 =	slt.u32 s9, $0xF7A;
	s5 =	simm.s32 @!p2 $0x0  }
0x1d: {  	s5 =	simm.s32 @p1 $0x1;
	p0 =	seq.s32 s7, s2  }
0x1e: {  	s7 =	smul.u32 @!p0 $0xF7A, s2;
	p2 =	seq.s32 @!p0 s5, $0x0  }
0x1f: {  	s9 =	smul.u32 $0xF7A, s1;
	s8 =	simm.s32 @!p0 $0x1BF5;
	p2 =	por !p2, p0  }
0x20: {  	[sflag:s8] =	ssyncset.s32 @!p0 $0xFFFFF086;
	s6 =	sadd.s32 @!p0 s3, s7;
	s7 =	simm.s32 @!p0 $0x108  }
0x21: {  	s3 =	sadd.s32 s3, s9;
	s6 =	sadd.s32 @!p0 $0x88, s6;
	s7 =	simm.s32 @p2 $0x1082  }
0x22: {  	[simem:s7], [sflag:s8] =	dma.local @!p0 [hbm:s6], $0xF7A  }
0x23: {  	s9 =	sor.u32 $0xD0000000, s2;
	s6 =	simm.s32 $0x108;
	_ =	swait.ge @!p0 [sflag:s8], $0x0  }
0x24: {  	s3 =	sadd.s32 $0x88, s3;
	s6 =	simm.s32 @!p1 $0x1082;
	[sflag:s4] =	ssyncset.s32 $0xFFFFF086  }
0x25: {  	[simem:s6], [sflag:s4] =	dma.local [hbm:s3], $0xF7A  }
0x26: {  	[smem:$0x3F97] =	sst s1;
	(tag) =	ssettag s2;
	_ =	strace s9  }
0x27: {  	s1 =	sld [smem:$0x3FA7]  }
0x28: {  	s2 =	sld [smem:$0x3FA8]  }
0x29: {  	s4 =	sld [smem:$0x3FAA]  }
0x2a: {  	p0 =	seq.s32 s5, $0x0;
	s5 =	sld [smem:$0x3FAB]  }
0x2b: {  	s6 =	sld [smem:$0x3FAC]  }
0x2c: {  	s7 =	sld [smem:$0x3FAD]  }
0x2d: {  	s3 =	simm.s32 $0x108;
	s8 =	sld [smem:$0x3FAE]  }
0x2e: {  	s3 =	simm.s32 @!p0 $0x1082;
	s9 =	sld [smem:$0x3FAF]  }
0x2f: {  	lr =	sadd.s32 s0, s3;
	s0 =	sld [smem:$0x3FA6]  }
0x30: {  	s3 =	sld [smem:$0x3FA9]  }
0x31: {  	[smem:$0x3FB2] =	sst s10  }
0x32: {  	s10 =	sld [smem:$0x3FB0];
	_ =	sdelay $0x3  }
0x33: {  	p0 =	seq.s32 s10, $0x1;
	s10 =	sld [smem:$0x3FB2];
	_ =	sdelay $0x3  }
0x34: {  	[smem:$0x3FB2] =	sst s10  }
0x35: {  	s10 =	sld [smem:$0x3FB1];
	_ =	sdelay $0x3  }
0x36: {  	p1 =	seq.s32 s10, $0x1;
	s10 =	sld [smem:$0x3FB2];
	_ =	sdelay $0x3  }
0x37: {  	[smem:$0x3FB2] =	sst s10  }
0x38: {  	s10 =	sld [smem:$0x3FB3]  }
0x39: {  	_ = 	snop;
	(pc) =	sbr.ind lr, $3  }
0x3a: {  	_ = 	snop  }
0x3b: {  	_ = 	snop  }
0x3c: {  	p2 =	seq.s32 s10, $0x1;
	s10 =	sld [smem:$0x3FB2]  }
0x3d: {  	_ =	shalt  }
0x3e: {  	_ =	shalt  }
0x3f: {  	_ =	shalt  }
0x40: {  	_ =	shalt  }
0x41: {  	_ =	shalt  }
0x42: {  	_ =	shalt  }
0x43: {  	_ =	shalt  }
0x44: {  	_ =	shalt  }
0x45: {  	_ =	shalt  }
0x46: {  	_ =	shalt  }
0x47: {  	_ =	shalt  }
0x48: {  	_ =	shalt  }
0x49: {  	_ =	shalt  }
0x4a: {  	_ =	shalt  }
0x4b: {  	_ =	shalt  }
0x4c: {  	_ =	shalt  }
0x4d: {  	_ =	shalt  }
0x4e: {  	_ =	shalt  }
0x4f: {  	_ =	shalt  }
0x50: {  	_ =	shalt  }
0x51: {  	_ =	shalt  }
0x52: {  	_ =	shalt  }
0x53: {  	_ =	shalt  }
0x54: {  	_ =	shalt  }
0x55: {  	_ =	shalt  }
0x56: {  	_ =	shalt  }
0x57: {  	_ =	shalt  }
0x58: {  	_ =	shalt  }
0x59: {  	_ =	shalt  }
0x5a: {  	_ =	shalt  }
0x5b: {  	_ =	shalt  }
0x5c: {  	_ =	shalt  }
0x5d: {  	_ =	shalt  }
0x5e: {  	_ =	shalt  }
0x5f: {  	_ =	shalt  }
0x60: {  	_ =	shalt  }
0x61: {  	_ =	shalt  }
0x62: {  	_ =	shalt  }
0x63: {  	_ =	shalt  }
0x64: {  	_ =	shalt  }
0x65: {  	_ =	shalt  }
0x66: {  	_ =	shalt  }
0x67: {  	_ =	shalt  }
0x68: {  	_ =	shalt  }
0x69: {  	_ =	shalt  }
0x6a: {  	_ =	shalt  }
0x6b: {  	_ =	shalt  }
0x6c: {  	_ =	shalt  }
0x6d: {  	_ =	shalt  }
0x6e: {  	_ =	shalt  }
0x6f: {  	_ =	shalt  }
0x70: {  	_ =	shalt  }
0x71: {  	_ =	shalt  }
0x72: {  	_ =	shalt  }
0x73: {  	_ =	shalt  }
0x74: {  	_ =	shalt  }
0x75: {  	_ =	shalt  }
0x76: {  	_ =	shalt  }
0x77: {  	_ =	shalt  }
0x78: {  	_ =	shalt  }
0x79: {  	_ =	shalt  }
0x7a: {  	_ =	shalt  }
0x7b: {  	_ =	shalt  }
0x7c: {  	_ =	shalt  }
0x7d: {  	_ =	shalt  }
0x7e: {  	_ =	shalt  }
0x7f: {  	_ =	shalt  }
0x80: {  	_ =	shalt  }
0x81: {  	_ =	shalt  }
0x82: {  	_ =	shalt  }
0x83: {  	_ =	shalt  }
0x84: {  	_ =	shalt  }
0x85: {  	_ =	shalt  }
0x86: {  	_ =	shalt  }
0x87: {  	_ =	shalt  }
.Lfunc_end0:
.L_simem_size_0:
called_computation.1_lowered:
.L_overlay_start_0:
0x88: {  	s2 =	sld [smem:$0x3FD9]  }
0x89: {  	s3 =	sld [smem:$0x3FFE];
	_ =	sdelay $0x1  }
0x8a: {  	s1 =	srdreg.scid  }
0x8b: {  	s0 =	sand.u32 $0x1, s1  }
0x8c: {  	s17 =	sshll.u32 s0, $0xA;
	s2 =	sadd.s32 s3, s2  }
0x8d: {  	s2 =	sadd.s32 s2, s17  }
0x8e: {  	[smem:$0x3FBE] =	sst s2  }
0x8f: {  	_ = 	snop  }
0x90: {  	s2 =	sld [smem:$0x3FC9]  }
0x91: {  	s18 =	sld [smem:$0x3FD0];
	(tm) =	ssettm $0x1  }
0x92: {  	s4 =	sld [smem:$0x3FFB];
	_ =	sdelay $0x3  }
0x93: {  	_ =	strace s4  }
0x94: {  	s4 =	sld [smem:$0x3FFC];
	_ =	sdelay $0x3  }
0x95: {  	_ =	strace s4  }
0x96: {  	s4 =	sld [smem:$0x3FFD];
	_ =	sdelay $0x3  }
0x97: {  	_ =	strace s4  }
0x98: {  	_ =	strace $0x8FFFFFFF  }
0x99: {  	s19 =	sld [smem:$0x3FDB];
	_ =	sdelay $0x1  }
0x9a: {  	s5 =	simm.s32 $_scs_section_size  }
0x9b: {  	s6 =	simm.s32 $_size__tile_overlayer_lowered;
	s7 =	simm.s32 $_tile_overlayer_lowered  }
0x9c: {  	s22 =	simm.s32 $0x1BFF;
	s21 =	sshll.u32 s7, $0x1;
	s4 =	sadd.s32 s5, s19  }
0x9d: {  	s8 =	simm.s32 $0x0;
	s20 =	sshll.u32 s6, $0x1;
	s6 =	sadd.s32 s21, s4  }
0x9e: {  	[timem:s8], [sflag:s22] =	dma.local [hbm:s6], s20  }
0x9f: {  	_ =	swait.ge [sflag:s22], s20  }
0xa0: {  	s5 =	ssub.s32 $0x0, s20;
	[sflag:s22] =	ssyncset.done $0x0  }
0xa1: {  	[sflag:s22] =	ssyncadd.s32 s5;
	_ =	sdelay $0x1  }
0xa2: {  	s23 =	simm.s32 $0x1B8B  }
0xa3: {  	_ =	swait.ge [sflag:s23], $0x1  }
0xa4: {  	[sflag:s23] =	ssyncset.done $0x0  }
0xa5: {  	s25 =	simm.s32 $0x1B8E;
	s24 =	sld [smem:$0x3FFE];
	[sflag:s23] =	ssyncadd.s32 $0xFFFFFFFF  }
0xa6: {  	s26 =	simm.s32 $execute0_lowered;
	[smem:$0x3FD2] =	sst s25  }
0xa7: {  	s6 =	sshll.u32 s26, $0x1;
	_ =	strace $0x80000046;
	[dreg:$0x1] =	wrdreg $0xFFFFFFFF  }
0xa8: {  	s28 =	simm.s32 $_size_execute0_lowered;
	s4 =	sadd.s32 s4, s6;
	[dreg:$0x0] =	wrdreg $0x0  }
0xa9: {  	s6 =	sshll.u32 s28, $0x1;
	[dreg:$0x2] =	wrdreg s4  }
0xaa: {  	[dreg:$0x3] =	wrdreg s6  }
0xab: {  	[dreg:$0x4] =	wrdreg $0xC0  }
0xac: {  	_ =	task [dreg:s8], $0x5FFFF  }
0xad: {  	[dreg:$0x1] =	wrdreg $0xFFFFFFFF  }
0xae: {  	[dreg:$0x0] =	wrdreg $0x60  }
0xaf: {  	[dreg:$0x2] =	wrdreg s24  }
0xb0: {  	[dreg:$0x3] =	wrdreg s2  }
0xb1: {  	[dreg:$0x4] =	wrdreg s18  }
0xb2: {  	[dreg:$0x5] =	wrdreg $0xA  }
0xb3: {  	_ =	task.clear_ibuf [dreg:s8], $0x6FFFF;
	_ =	strace $0x90000046  }
0xb4: {  	s29 =	simm.s32 $0xA;
	_ =	strace $0x80000048  }
0xb5: {  	_ =	swait.ge [sflag:s29], $0x1  }
0xb6: {  	[sflag:s29] =	ssyncadd.s32 $0xFFFFFFFF  }
0xb7: {  	_ =	strace $0x90000048  }
0xb8: {  	_ =	sfence  }
0xb9: {  	s30 =	sld [smem:$0x0];
	_ =	sdelay $0x2  }
0xba: {  	s31 =	sshll.u32 s1, $0xD;
	s1 =	sshrl.u32 s1, $0x2  }
0xbb: {  	s3 =	sand.u32 $0x4000, s31;
	s1 =	sadd.s32 s1, s30  }
0xbc: {  	s0 =	sor.u32 s3, s0;
	s1 =	sshll.u32 s1, $0x11  }
0xbd: {  	s0 =	sor.u32 s1, s0  }
0xbe: {  	s0 =	sadd.s32 $0x8F2B, s0  }
0xbf: {  	[sflag:s0] =	ssyncadd.remote.s32 $0x1  }
0xc0: {  	_ =	sfence.sel $0xFFFF  }
0xc1: {  	[dreg:$0x0] =	wrdreg $0xFFFFFFFF;
	(pc) =	sbr.abs _section_cstart, $3  }
0xc2: {  	[dreg:$0x1] =	wrdreg $0xFFFFFFFF  }
0xc3: {  	_ =	task.clear_ibuf [dreg:s8], $0x2FFFF;
	_ =	strace $0x9FFFFFFF  }
0xc4: {  	(tm) =	ssettm $0x7FFFFFFF  }
0xc5: {  	_ =	shalt  }
tec
execute0_lowered:
.L_overlay_start_1:
0x0: {  	(tag) =	ssettag $0x1  }
0x1: {  	s5 =	rddreg [dreg:$0x0]  }
0x2: {  	s6 =	rddreg [dreg:$0x1]  }
0x3: {  	s1 =	rddreg [dreg:$0x2]  }
0x4: {  	s0 =	rddreg [dreg:$0x3];
	s3 =	simm.s32 $0x0  }
0x5: {  	s4 =	srdreg.scid;
	s2 =	stileid.u32;
	s11 =	simm.s32 $0x2280  }
0x6: {  	s12 =	simm.s32 $0x1;
	s13 =	simm.s32 $0x2;
	s14 =	simm.s32 $0x0  }
0x7: {  	[smem:$0x7FF] =	sst s3;
	s7 =	sand.u32 $0x1, s4;
	s8 =	sshll.u32 s2, $0x1  }
0x8: {  	s4 =	sadd.s32 $0x32E00, s5;
	s8 =	sor.u32 s7, s8;
	s7 =	ssub.s32 $0x2, s7  }
0x9: {  	_ =	strace $0x80000047;
	s9 =	sshll.u32 s8, $0xA;
	s10 =	sshrl.u32 s7, $0x1  }
0xa: {  	s8 =	sshll.u32 s8, $0x6;
	s9 =	sadd.s32 s9, s5;
	s7 =	ssub.s32 s7, s10  }
0xb: {  	s5 =	sadd.s32 s6, s8;
	s8 =	simm.s32 $0x200;
	s10 =	simm.s32 $0x280  }
0xc: {  	v0 =	vimm.s32 $0x0;
	s6 =	sadd.s32 $0x21B400, s9;
	s7 =	smax.u32 s7, $0x1;
	s9 =	simm.s32 $0x2000  }
.LBB2_1:
0xd: {  	[tilespmem:s3], [sflag:$0x2] =	stream.linear.gather [hbm4b:s5+s3], $0x200, $0x38;
	[tilespmem:$0x4280] =	vst v63  }
0xe: {  	_ =	swait.ge [sflag:s13], $0x200  }
0xf: {  	[sflag:s13] =	ssyncset.done $0x0  }
0x10: {  	[sflag:s13] =	ssyncadd.s32 $0xFFFFFE00  }
0x11: {  	[tilespmem:s8], [sflag:$0x2] =	stream.linear.gather [hbm4b:s1+s3], $0x80, $0x38;
	[tilespmem:$0x4280] =	vst v63  }
0x12: {  	_ =	swait.ge [sflag:s13], $0x80  }
0x13: {  	[sflag:s13] =	ssyncset.done $0x0  }
0x14: {  	[sflag:s13] =	ssyncadd.s32 $0xFFFFFF80  }
0x15: {  	v2 =	vld.msk [tilespmem:s13+$0xFFFFFFFE], $0x1;
	_ =	sdelay $0x3  }
0x16: {  	s18 =	simm.s32 $0x6;
	v1 =	vld [tilespmem:$0x200]  }
0x17: {  	v4 =	vld.msk [tilespmem:s18+$0xFFFFFFFE], $0x1;
	v3 =	vshll.u32 v2, $0x3  }
0x18: {  	v2 =	vand.u32 $0x7F, v2;
	v3 =	vand.u32 $0xFFFFFC00, v3  }
0x19: {  	v2 =	vor.u32 v2, v3  }
0x1a: {  	v2 =	vperm.xlane v2, v0;
	_ =	sdelay $0x1  }
0x1b: {  	s15 =	simm.s32 $0x2A0;
	s20 =	simm.s32 $0xA;
	v3 =	vshll.u32 v4, $0x3;
	v2 =	vadd.s32 v1, v2  }
0x1c: {  	[tilespmem:s15+$0xFFFFFFE0] =	vst v2;
	v2 =	vand.u32 $0xFFFFFC00, v3;
	v3 =	vand.u32 $0x7F, v4;
	v4 =	vld.msk [tilespmem:s20+$0xFFFFFFFE], $0x1  }
0x1d: {  	v5 =	vld.msk [tilespmem:s13+$0xFFFFFFFF], $0x1;
	v2 =	vor.u32 v3, v2  }
0x1e: {  	v2 =	vperm.xlane v2, v0;
	_ =	sdelay $0x1  }
0x1f: {  	s16 =	simm.s32 $0x2E0;
	v2 =	vadd.s32 v1, v2  }
0x20: {  	[tilespmem:s16+$0xFFFFFFE0] =	vst v2;
	v2 =	vshll.u32 v4, $0x3  }
0x21: {  	s21 =	simm.s32 $0xE;
	v4 =	vand.u32 $0x7F, v4;
	v3 =	vshll.u32 v5, $0x3;
	v6 =	vld.msk [tilespmem:s18+$0xFFFFFFFF], $0x1;
	v2 =	vand.u32 $0xFFFFFC00, v2  }
0x22: {  	v5 =	vand.u32 $0x7F, v5;
	v3 =	vand.u32 $0xFFFFFC00, v3;
	v2 =	vor.u32 v4, v2;
	v4 =	vld.msk [tilespmem:s21+$0xFFFFFFFE], $0x1  }
0x23: {  	v3 =	vor.u32 v5, v3;
	v2 =	vperm.xlane v2, v0  }
0x24: {  	v3 =	vperm.xlane v3, v0  }
0x25: {  	s17 =	simm.s32 $0x320;
	v2 =	vadd.s32 v1, v2  }
0x26: {  	v3 =	vadd.s32 v1, v3;
	v5 =	vshll.u32 v6, $0x3;
	[tilespmem:s17+$0xFFFFFFE0] =	vst v2  }
0x27: {  	v2 =	vand.u32 $0x7F, v6;
	[tilespmem:s15+$0xFFFFFFF0] =	vst v3;
	v3 =	vand.u32 $0xFFFFFC00, v5;
	v5 =	vshll.u32 v4, $0x3;
	v6 =	vld.msk [tilespmem:s20+$0xFFFFFFFF], $0x1  }
0x28: {  	v4 =	vand.u32 $0x7F, v4;
	v7 =	vld.msk [tilespmem:s13+$0x0], $0x1;
	v2 =	vor.u32 v2, v3;
	v3 =	vand.u32 $0xFFFFFC00, v5  }
0x29: {  	s22 =	simm.s32 $0x12;
	v2 =	vperm.xlane v2, v0;
	v3 =	vor.u32 v4, v3  }
0x2a: {  	v4 =	vld.msk [tilespmem:s22+$0xFFFFFFFE], $0x1;
	v3 =	vperm.xlane v3, v0  }
0x2b: {  	v2 =	vadd.s32 v1, v2  }
0x2c: {  	s19 =	simm.s32 $0x360;
	[tilespmem:s16+$0xFFFFFFF0] =	vst v2;
	v2 =	vshll.u32 v6, $0x3;
	v3 =	vadd.s32 v1, v3  }
0x2d: {  	v6 =	vand.u32 $0x7F, v6;
	v5 =	vshll.u32 v7, $0x3;
	v8 =	vld.msk [tilespmem:s18+$0x0], $0x1;
	v2 =	vand.u32 $0xFFFFFC00, v2;
	[tilespmem:s19+$0xFFFFFFE0] =	vst v3  }
0x2e: {  	v3 =	vand.u32 $0x7F, v7;
	v5 =	vand.u32 $0xFFFFFC00, v5;
	v2 =	vor.u32 v6, v2;
	v6 =	vld.msk [tilespmem:s21+$0xFFFFFFFF], $0x1  }
0x2f: {  	v3 =	vor.u32 v3, v5;
	v5 =	vshll.u32 v4, $0x3;
	v2 =	vperm.xlane v2, v0  }
0x30: {  	v4 =	vand.u32 $0x7F, v4;
	v3 =	vperm.xlane v3, v0;
	v5 =	vand.u32 $0xFFFFFC00, v5  }
0x31: {  	v4 =	vor.u32 v4, v5  }
0x32: {  	s24 =	simm.s32 $0x16;
	v2 =	vadd.s32 v1, v2;
	v7 =	vadd.s32 v1, v3;
	v3 =	vshll.u32 v8, $0x3  }
0x33: {  	v5 =	vld.msk [tilespmem:s24+$0xFFFFFFFE], $0x1;
	v8 =	vand.u32 $0x7F, v8;
	v4 =	vperm.xlane v4, v0;
	v9 =	vshll.u32 v6, $0x3  }
0x34: {  	[tilespmem:s17+$0xFFFFFFF0] =	vst v2;
	v3 =	vand.u32 $0xFFFFFC00, v3;
	v6 =	vand.u32 $0x7F, v6;
	v9 =	vand.u32 $0xFFFFFC00, v9  }
0x35: {  	[tilespmem:s15+$0x0] =	vst v7;
	v2 =	vor.u32 v6, v9;
	v6 =	vor.u32 v8, v3;
	v3 =	vld.msk [tilespmem:s20+$0x0], $0x1  }
0x36: {  	s23 =	simm.s32 $0x3A0;
	v4 =	vadd.s32 v1, v4;
	v8 =	vperm.xlane v2, v0;
	v2 =	vld.msk [tilespmem:s13+$0x1], $0x1  }
0x37: {  	[tilespmem:s23+$0xFFFFFFE0] =	vst v4  }
0x38: {  	v7 =	vshll.u32 v5, $0x3;
	v63 =	vperm.xlane v6, v0;
	v6 =	vand.u32 $0x7F, v5;
	v5 =	vld.msk [tilespmem:s22+$0xFFFFFFFF], $0x1  }
0x39: {  	v4 =	vand.u32 $0xFFFFFC00, v7  }
0x3a: {  	s25 =	simm.s32 $0x14;
	s26 =	simm.s32 $0x1A;
	v6 =	vor.u32 v6, v4;
	v7 =	vadd.s32 v1, v8;
	v4 =	vadd.s32 v1, v63  }
.LBB2_2:
0x3b: {  	v8 =	vld.msk [tilespmem:s26+$0xFFFFFFFE], $0x1;
	s25 =	sadd.s32 $0x4, s25;
	[tilespmem:s19+$0xFFFFFFF0] =	vst v7;
	v7 =	vshll.u32 v3, $0x3;
	v9 =	vand.u32 $0x7F, v3;
	v10 =	vshll.u32 v2, $0x3;
	s28 =	smov.u32 s17;
	s17 =	smov.u32 s19  }
0x3c: {  	v6 =	vperm.xlane v6, v0;
	s19 =	smov.u32 s23;
	p0 =	slt.u32 s25, $0x1FC;
	v3 =	vld.msk [tilespmem:s21+$0x0], $0x1;
	v7 =	vand.u32 $0xFFFFFC00, v7;
	v10 =	vand.u32 $0xFFFFFC00, v10  }
0x3d: {  	v11 =	vshll.u32 v5, $0x3;
	v5 =	vand.u32 $0x7F, v5;
	[tilespmem:s16+$0x0] =	vst v4;
	v4 =	vand.u32 $0x7F, v2  }
.Ltmp0:
0x3e: {  	s23 =	sadd.s32 $0x40, s23;
	v6 =	vadd.s32 v1, v6;
	v11 =	vand.u32 $0xFFFFFC00, v11;
	v2 =	vld.msk [tilespmem:s18+$0x1], $0x1;
	v4 =	vor.u32 v4, v10;
	s18 =	smov.u32 s20;
	(pc) =	sbr.rel @p0 .LBB2_2-.Ltmp0, $4  }
0x3f: {  	v7 =	vor.u32 v9, v7;
	s20 =	smov.u32 s21;
	s21 =	smov.u32 s22;
	s22 =	smov.u32 s24;
	[tilespmem:s23+$0xFFFFFFE0] =	vst v6;
	v6 =	vor.u32 v5, v11;
	v4 =	vperm.xlane v4, v0  }
0x40: {  	s24 =	smov.u32 s26;
	v11 =	vperm.xlane v7, v0;
	v9 =	vshll.u32 v8, $0x3;
	v5 =	vld.msk [tilespmem:s22+$0xFFFFFFFF], $0x1;
	v10 =	vperm.xlane v6, v0  }
0x41: {  	v7 =	vand.u32 $0x7F, v8;
	v6 =	vand.u32 $0xFFFFFC00, v9;
	v8 =	vadd.s32 v1, v4  }
0x42: {  	s26 =	sadd.s32 $0x4, s26;
	v4 =	vadd.s32 v1, v11;
	v6 =	vor.u32 v7, v6;
	v7 =	vadd.s32 v1, v10;
	[tilespmem:s15+$0x10] =	vst v8;
	s15 =	smov.u32 s16;
	s16 =	smov.u32 s28  }
0x43: {  	v6 =	vperm.xlane v6, v0;
	_ =	sdelay $0x1  }
0x44: {  	s25 =	sadd.s32 $0x40, s23;
	v6 =	vadd.s32 v1, v6  }
0x45: {  	[tilespmem:s25+$0xFFFFFFE0] =	vst v6  }
0x46: {  	v6 =	vld.msk [tilespmem:s24+$0xFFFFFFFF], $0x1;
	_ =	sdelay $0x1  }
0x47: {  	v8 =	vshll.u32 v5, $0x3  }
0x48: {  	v29 =	vand.u32 $0x7F, v5;
	v30 =	vand.u32 $0xFFFFFC00, v8  }
0x49: {  	[tilespmem:s19+$0xFFFFFFF0] =	vst v7;
	v5 =	vor.u32 v29, v30  }
0x4a: {  	v9 =	vld.msk [tilespmem:s21+$0x0], $0x1;
	v5 =	vperm.xlane v5, v0;
	v31 =	vshll.u32 v6, $0x3  }
0x4b: {  	v6 =	vand.u32 $0x7F, v6;
	v32 =	vand.u32 $0xFFFFFC00, v31  }
0x4c: {  	v5 =	vadd.s32 v1, v5;
	v6 =	vor.u32 v6, v32  }
0x4d: {  	[tilespmem:s23+$0xFFFFFFF0] =	vst v5;
	v6 =	vperm.xlane v6, v0  }
0x4e: {  	v34 =	vshll.u32 v3, $0x3;
	v3 =	vand.u32 $0x7F, v3;
	v36 =	vld.msk [tilespmem:s22+$0x0], $0x1  }
0x4f: {  	v37 =	vand.u32 $0xFFFFFC00, v34;
	v35 =	vshll.u32 v9, $0x3;
	v33 =	vadd.s32 v1, v6  }
0x50: {  	v3 =	vor.u32 v3, v37;
	v38 =	vand.u32 $0x7F, v9;
	v7 =	vand.u32 $0xFFFFFC00, v35;
	[tilespmem:s25+$0xFFFFFFF0] =	vst v33  }
0x51: {  	v3 =	vperm.xlane v3, v0;
	v40 =	vor.u32 v38, v7;
	v39 =	vld.msk [tilespmem:s24+$0x0], $0x1  }
0x52: {  	v5 =	vperm.xlane v40, v0  }
0x53: {  	v3 =	vadd.s32 v1, v3;
	v42 =	vshll.u32 v36, $0x3  }
0x54: {  	[tilespmem:s16+$0x0] =	vst v4;
	v41 =	vadd.s32 v1, v5;
	v44 =	vand.u32 $0x7F, v36;
	v5 =	vand.u32 $0xFFFFFC00, v42  }
0x55: {  	[tilespmem:s17+$0x0] =	vst v3;
	v3 =	vor.u32 v44, v5  }
0x56: {  	v48 =	vshll.u32 v2, $0x3;
	v43 =	vld.msk [tilespmem:s18+$0x1], $0x1;
	v3 =	vperm.xlane v3, v0;
	v45 =	vshll.u32 v39, $0x3  }
0x57: {  	v2 =	vand.u32 $0x7F, v2;
	v49 =	vld.msk [tilespmem:s20+$0x1], $0x1;
	[tilespmem:s19+$0x0] =	vst v41;
	v46 =	vand.u32 $0x7F, v39;
	v47 =	vand.u32 $0xFFFFFC00, v45  }
0x58: {  	v51 =	vand.u32 $0xFFFFFC00, v48;
	v52 =	vld.msk [tilespmem:s21+$0x1], $0x1;
	v3 =	vadd.s32 v1, v3;
	v50 =	vor.u32 v46, v47  }
0x59: {  	v2 =	vor.u32 v2, v51;
	[tilespmem:s23+$0x0] =	vst v3;
	v4 =	vperm.xlane v50, v0  }
0x5a: {  	v2 =	vperm.xlane v2, v0;
	v56 =	vld.msk [tilespmem:s22+$0x1], $0x1  }
0x5b: {  	v3 =	vadd.s32 v1, v4  }
0x5c: {  	v2 =	vadd.s32 v1, v2;
	v53 =	vshll.u32 v43, $0x3;
	v55 =	vand.u32 $0x7F, v43;
	[tilespmem:s25+$0x0] =	vst v3  }
0x5d: {  	v54 =	vand.u32 $0xFFFFFC00, v53;
	v57 =	vshll.u32 v49, $0x3;
	v59 =	vshll.u32 v52, $0x3;
	v58 =	vld.msk [tilespmem:s24+$0x1], $0x1  }
0x5e: {  	v9 =	vand.u32 $0x7F, v49;
	v7 =	vand.u32 $0x7F, v52;
	v8 =	vand.u32 $0xFFFFFC00, v59  }
0x5f: {  	v7 =	vor.u32 v7, v8;
	v4 =	vand.u32 $0xFFFFFC00, v57;
	v60 =	vshll.u32 v56, $0x3  }
0x60: {  	v6 =	vand.u32 $0x7F, v56;
	v3 =	vor.u32 v55, v54;
	v8 =	vand.u32 $0xFFFFFC00, v60  }
0x61: {  	[tilespmem:s15+$0x10] =	vst v2;
	v4 =	vor.u32 v9, v4;
	v3 =	vperm.xlane v3, v0;
	v2 =	vor.u32 v6, v8  }
0x62: {  	v4 =	vperm.xlane v4, v0;
	v2 =	vperm.xlane v2, v0;
	v61 =	vshll.u32 v58, $0x3  }
0x63: {  	v3 =	vadd.s32 v1, v3;
	v5 =	vand.u32 $0x7F, v58;
	v62 =	vand.u32 $0xFFFFFC00, v61  }
0x64: {  	v7 =	vperm.xlane v7, v0;
	[tilespmem:s16+$0x10] =	vst v3;
	v3 =	vadd.s32 v1, v4;
	v63 =	vor.u32 v5, v62  }
0x65: {  	v2 =	vadd.s32 v1, v2;
	[tilespmem:s17+$0x10] =	vst v3;
	v4 =	vperm.xlane v63, v0  }
0x66: {  	v3 =	vadd.s32 v1, v7;
	[tilespmem:s23+$0x10] =	vst v2  }
0x67: {  	[tilespmem:s19+$0x10] =	vst v3;
	v1 =	vadd.s32 v1, v4  }
0x68: {  	[tilespmem:s25+$0x10] =	vst v1  }
0x69: {  	[tilespmem:s11], [sflag:$0x1] =	stream.indirect.gather [hbm4b:s4+s9], $0x1, s10, s9, $0xb8;
	[tilespmem:$0x4280] =	vst v63  }
0x6a: {  	s14 =	sadd.s32 $0x1, s14;
	_ =	swait.ge [sflag:s12], $0x2000  }
0x6b: {  	p0 =	sne.s32 s14, s7;
	[sflag:s12] =	ssyncset.done $0x0  }
.Ltmp1:
0x6c: {  	[sflag:s12] =	ssyncadd.s32 $0xFFFFE000;
	(pc) =	sbr.rel @p0 .LBB2_1-.Ltmp1, $4  }
0x6d: {  	[hbm4b:s6+s3] =	stream.linear.scatter [tilespmem:s11], [sflag:$0x2], $0x2000, $0x38;
	[tilespmem:$0x4280] =	vst v63  }
0x6e: {  	_ =	swait.ge [sflag:s13], $0x2000  }
0x6f: {  	[sflag:s13] =	ssyncset.done $0x0  }
0x70: {  	[sflag:s13] =	ssyncadd.s32 $0xFFFFE000  }
0x71: {  	_ =	sfence.sel $0x180000  }
0x72: {  	[bflag:$0x0] =	sbarrier.arrive $0xFFFF  }
0x73: {  	p0 =	sne.s32 s2, $0x0;
	_ =	strace $0x90000047  }
0x74: {  	s0 =	sadd.s32 @!p0 $0x100000, s0;
	[bflag:$0x2] =	sbarrier.arrive $0xFFFF  }
0x75: {  	[sflag:s0] =	ssyncadd.tile.s32 @!p0 $0x1;
	_ =	shalt  }
.Lfunc_end2:
_tile_overlayer_lowered:
.L_overlay_start_2:
0x76: {  	(tag) =	ssettag $0x2  }
0x77: {  	s0 =	rddreg [dreg:$0x0];
	s2 =	stileid.u32  }
0x78: {  	s1 =	rddreg [dreg:$0x1];
	p0 =	sne.s32 s2, $0x0  }
0x79: {  	s3 =	rddreg [dreg:$0x2];
	[bflag:$0x3] =	sbarrier.arrive $0xFFFF;
	s2 =	simm.s32 @!p0 $0x1C02  }
0x7a: {  	[timem:s3], [sflag:s2] =	dma.local @!p0 [hbm:s0], s1  }
0x7b: {  	s0 =	simm.s32 @!p0 $0x2  }
0x7c: {  	_ =	swait.ge @!p0 [sflag:s0], s1  }
0x7d: {  	s1 =	ssub.s32 @!p0 $0x0, s1;
	[sflag:s0] =	ssyncset.done @!p0 $0x0  }
0x7e: {  	[sflag:s0] =	ssyncadd.s32 @!p0 s1  }
0x7f: {  	[bflag:$0x3] =	sbarrier.arrive $0xFFFF  }
0x80: {  	_ =	shalt  }

// kernel: kernel.7.cloned.1.call-start
scs
__scs_entry_jumppad:
0x0: {  	(pc) =	sbr.rel $0x88, $3  }
0x1: {  	(tag) =	ssettag $0x0;
	lr =	simm.s32 $0x1  }
0x2: {  	[smem:$0x3F97] =	sst lr;
	_ =	strace $0xD0000000  }
0x3: {  	_ = 	snop  }
0x4: {  	_ = 	snop  }
0x5: {  	_ = 	snop  }
0x6: {  	_ = 	snop  }
0x7: {  	_ = 	snop  }
__scs_overlays_trampoline_lowered:
0x8: {  	[smem:$0x3FA6] =	sst s0  }
0x9: {  	[smem:$0x3FA7] =	sst s1  }
0xa: {  	[smem:$0x3FA8] =	sst s2  }
0xb: {  	[smem:$0x3FA9] =	sst s3  }
0xc: {  	[smem:$0x3FAA] =	sst s4  }
0xd: {  	[smem:$0x3FAB] =	sst s5  }
0xe: {  	[smem:$0x3FAC] =	sst s6  }
0xf: {  	[smem:$0x3FAD] =	sst s7  }
0x10: {  	[smem:$0x3FAE] =	sst s8  }
0x11: {  	[smem:$0x3FAF] =	sst s9;
	s0 =	simm.s32 @!p0 $0x0  }
0x12: {  	s1 =	sld [smem:$0x3F95];
	s0 =	simm.s32 @p0 $0x1  }
0x13: {  	[smem:$0x3FB0] =	sst s0;
	s0 =	simm.s32 @!p1 $0x0  }
0x14: {  	s2 =	sld [smem:$0x3F94];
	s0 =	simm.s32 @p1 $0x1  }
0x15: {  	[smem:$0x3FB1] =	sst s0;
	s0 =	simm.s32 @!p2 $0x0  }
0x16: {  	s3 =	sld [smem:$0x3FDB];
	s0 =	simm.s32 @p2 $0x1  }
0x17: {  	s4 =	simm.s32 $0x1BF5;
	[smem:$0x3FB3] =	sst s0  }
0x18: {  	s0 =	sld [smem:$0x3F96];
	_ =	swait.ge [sflag:s4], $0x0  }
0x19: {  	s7 =	sld [smem:$0x3F97]  }
0x1a: {  	s8 =	sadd.s32 $0xFFFFE003, lr  }
0x1b: {  	s9 =	sadd.s32 $0xFFFFFEF7, lr;
	s5 =	simm.s32 $0xFFFFFFFF;
	p2 =	slt.u32 s8, $0xFFFFF086  }
0x1c: {  	p1 =	slt.u32 s9, $0xF7A;
	s5 =	simm.s32 @!p2 $0x0  }
0x1d: {  	s5 =	simm.s32 @p1 $0x1;
	p0 =	seq.s32 s7, s2  }
0x1e: {  	s7 =	smul.u32 @!p0 $0xF7A, s2;
	p2 =	seq.s32 @!p0 s5, $0x0  }
0x1f: {  	s9 =	smul.u32 $0xF7A, s1;
	s8 =	simm.s32 @!p0 $0x1BF5;
	p2 =	por !p2, p0  }
0x20: {  	[sflag:s8] =	ssyncset.s32 @!p0 $0xFFFFF086;
	s6 =	sadd.s32 @!p0 s3, s7;
	s7 =	simm.s32 @!p0 $0x108  }
0x21: {  	s3 =	sadd.s32 s3, s9;
	s6 =	sadd.s32 @!p0 $0x88, s6;
	s7 =	simm.s32 @p2 $0x1082  }
0x22: {  	[simem:s7], [sflag:s8] =	dma.local @!p0 [hbm:s6], $0xF7A  }
0x23: {  	s9 =	sor.u32 $0xD0000000, s2;
	s6 =	simm.s32 $0x108;
	_ =	swait.ge @!p0 [sflag:s8], $0x0  }
0x24: {  	s3 =	sadd.s32 $0x88, s3;
	s6 =	simm.s32 @!p1 $0x1082;
	[sflag:s4] =	ssyncset.s32 $0xFFFFF086  }
0x25: {  	[simem:s6], [sflag:s4] =	dma.local [hbm:s3], $0xF7A  }
0x26: {  	[smem:$0x3F97] =	sst s1;
	(tag) =	ssettag s2;
	_ =	strace s9  }
0x27: {  	s1 =	sld [smem:$0x3FA7]  }
0x28: {  	s2 =	sld [smem:$0x3FA8]  }
0x29: {  	s4 =	sld [smem:$0x3FAA]  }
0x2a: {  	p0 =	seq.s32 s5, $0x0;
	s5 =	sld [smem:$0x3FAB]  }
0x2b: {  	s6 =	sld [smem:$0x3FAC]  }
0x2c: {  	s7 =	sld [smem:$0x3FAD]  }
0x2d: {  	s3 =	simm.s32 $0x108;
	s8 =	sld [smem:$0x3FAE]  }
0x2e: {  	s3 =	simm.s32 @!p0 $0x1082;
	s9 =	sld [smem:$0x3FAF]  }
0x2f: {  	lr =	sadd.s32 s0, s3;
	s0 =	sld [smem:$0x3FA6]  }
0x30: {  	s3 =	sld [smem:$0x3FA9]  }
0x31: {  	[smem:$0x3FB2] =	sst s10  }
0x32: {  	s10 =	sld [smem:$0x3FB0];
	_ =	sdelay $0x3  }
0x33: {  	p0 =	seq.s32 s10, $0x1;
	s10 =	sld [smem:$0x3FB2];
	_ =	sdelay $0x3  }
0x34: {  	[smem:$0x3FB2] =	sst s10  }
0x35: {  	s10 =	sld [smem:$0x3FB1];
	_ =	sdelay $0x3  }
0x36: {  	p1 =	seq.s32 s10, $0x1;
	s10 =	sld [smem:$0x3FB2];
	_ =	sdelay $0x3  }
0x37: {  	[smem:$0x3FB2] =	sst s10  }
0x38: {  	s10 =	sld [smem:$0x3FB3]  }
0x39: {  	_ = 	snop;
	(pc) =	sbr.ind lr, $3  }
0x3a: {  	_ = 	snop  }
0x3b: {  	_ = 	snop  }
0x3c: {  	p2 =	seq.s32 s10, $0x1;
	s10 =	sld [smem:$0x3FB2]  }
0x3d: {  	_ =	shalt  }
0x3e: {  	_ =	shalt  }
0x3f: {  	_ =	shalt  }
0x40: {  	_ =	shalt  }
0x41: {  	_ =	shalt  }
0x42: {  	_ =	shalt  }
0x43: {  	_ =	shalt  }
0x44: {  	_ =	shalt  }
0x45: {  	_ =	shalt  }
0x46: {  	_ =	shalt  }
0x47: {  	_ =	shalt  }
0x48: {  	_ =	shalt  }
0x49: {  	_ =	shalt  }
0x4a: {  	_ =	shalt  }
0x4b: {  	_ =	shalt  }
0x4c: {  	_ =	shalt  }
0x4d: {  	_ =	shalt  }
0x4e: {  	_ =	shalt  }
0x4f: {  	_ =	shalt  }
0x50: {  	_ =	shalt  }
0x51: {  	_ =	shalt  }
0x52: {  	_ =	shalt  }
0x53: {  	_ =	shalt  }
0x54: {  	_ =	shalt  }
0x55: {  	_ =	shalt  }
0x56: {  	_ =	shalt  }
0x57: {  	_ =	shalt  }
0x58: {  	_ =	shalt  }
0x59: {  	_ =	shalt  }
0x5a: {  	_ =	shalt  }
0x5b: {  	_ =	shalt  }
0x5c: {  	_ =	shalt  }
0x5d: {  	_ =	shalt  }
0x5e: {  	_ =	shalt  }
0x5f: {  	_ =	shalt  }
0x60: {  	_ =	shalt  }
0x61: {  	_ =	shalt  }
0x62: {  	_ =	shalt  }
0x63: {  	_ =	shalt  }
0x64: {  	_ =	shalt  }
0x65: {  	_ =	shalt  }
0x66: {  	_ =	shalt  }
0x67: {  	_ =	shalt  }
0x68: {  	_ =	shalt  }
0x69: {  	_ =	shalt  }
0x6a: {  	_ =	shalt  }
0x6b: {  	_ =	shalt  }
0x6c: {  	_ =	shalt  }
0x6d: {  	_ =	shalt  }
0x6e: {  	_ =	shalt  }
0x6f: {  	_ =	shalt  }
0x70: {  	_ =	shalt  }
0x71: {  	_ =	shalt  }
0x72: {  	_ =	shalt  }
0x73: {  	_ =	shalt  }
0x74: {  	_ =	shalt  }
0x75: {  	_ =	shalt  }
0x76: {  	_ =	shalt  }
0x77: {  	_ =	shalt  }
0x78: {  	_ =	shalt  }
0x79: {  	_ =	shalt  }
0x7a: {  	_ =	shalt  }
0x7b: {  	_ =	shalt  }
0x7c: {  	_ =	shalt  }
0x7d: {  	_ =	shalt  }
0x7e: {  	_ =	shalt  }
0x7f: {  	_ =	shalt  }
0x80: {  	_ =	shalt  }
0x81: {  	_ =	shalt  }
0x82: {  	_ =	shalt  }
0x83: {  	_ =	shalt  }
0x84: {  	_ =	shalt  }
0x85: {  	_ =	shalt  }
0x86: {  	_ =	shalt  }
0x87: {  	_ =	shalt  }
.Lfunc_end0:
.L_simem_size_0:
called_computation_lowered:
.L_overlay_start_0:
0x88: {  	s2 =	sld [smem:$0x3FD9]  }
0x89: {  	s3 =	sld [smem:$0x3FFE];
	_ =	sdelay $0x1  }
0x8a: {  	s1 =	srdreg.scid  }
0x8b: {  	s0 =	sand.u32 $0x1, s1  }
0x8c: {  	s17 =	sshll.u32 s0, $0xA;
	s2 =	sadd.s32 s3, s2  }
0x8d: {  	s2 =	sadd.s32 s2, s17  }
0x8e: {  	[smem:$0x3FBE] =	sst s2  }
0x8f: {  	_ = 	snop  }
0x90: {  	s18 =	sld [smem:$0x3FC8];
	(tm) =	ssettm $0x1  }
0x91: {  	s19 =	sld [smem:$0x3FFB];
	_ =	sdelay $0x3  }
0x92: {  	_ =	strace s19  }
0x93: {  	s2 =	sld [smem:$0x3FFC];
	_ =	sdelay $0x3  }
0x94: {  	_ =	strace s2  }
0x95: {  	s2 =	sld [smem:$0x3FFD];
	_ =	sdelay $0x3  }
0x96: {  	_ =	strace s2  }
0x97: {  	_ =	strace $0x8FFFFFFF  }
0x98: {  	s20 =	sld [smem:$0x3FDB];
	_ =	sdelay $0x1  }
0x99: {  	s4 =	simm.s32 $_scs_section_size  }
0x9a: {  	s5 =	simm.s32 $_size__tile_overlayer_lowered;
	s6 =	simm.s32 $_tile_overlayer_lowered  }
0x9b: {  	s7 =	simm.s32 $0x1BFF;
	s21 =	sshll.u32 s6, $0x1;
	s4 =	sadd.s32 s4, s20  }
0x9c: {  	s22 =	simm.s32 $0x0;
	s5 =	sshll.u32 s5, $0x1;
	s6 =	sadd.s32 s21, s4  }
0x9d: {  	[timem:s22], [sflag:s7] =	dma.local [hbm:s6], s5  }
0x9e: {  	_ =	swait.ge [sflag:s7], s5  }
0x9f: {  	s5 =	ssub.s32 $0x0, s5;
	[sflag:s7] =	ssyncset.done $0x0  }
0xa0: {  	[sflag:s7] =	ssyncadd.s32 s5;
	_ =	sdelay $0x1  }
0xa1: {  	s23 =	simm.s32 $0x1B8B  }
0xa2: {  	_ =	swait.ge [sflag:s23], $0x1  }
0xa3: {  	[sflag:s23] =	ssyncset.done $0x0  }
0xa4: {  	[sflag:s23] =	ssyncadd.s32 $0xFFFFFFFF  }
0xa5: {  	s5 =	sld [smem:$0x0]  }
0xa6: {  	s6 =	sand.u32 $0xFFFFFFFE, s1  }
0xa7: {  	p0 =	sne.s32 s1, s6  }
0xa8: {  	s6 =	sshll.u32 @p0 s6, $0xE  }
0xa9: {  	s6 =	sadd.s32 @p0 $0x11B8D, s6;
	s7 =	sshll.u32 @p0 s5, $0x11  }
0xaa: {  	s6 =	sor.u32 @p0 s7, s6  }
0xab: {  	[sflag:s6] =	ssyncadd.remote.s32 @p0 $0x1;
	_ =	sdelay $0x1  }
0xac: {  	s6 =	simm.s32 @p0 $0x1B8D  }
0xad: {  	_ =	swait.eq @p0 [sflag:s6], $0x1  }
0xae: {  	[sflag:s6] =	ssyncadd.s32 @p0 $0xFFFFFFFF  }
0xaf: {  	s7 =	sshll.u32 @!p0 s1, $0xE  }
0xb0: {  	s7 =	sor.u32 @!p0 $0x4000, s7;
	s6 =	simm.s32 @!p0 $0x1B8D  }
0xb1: {  	s5 =	sshll.u32 @!p0 s5, $0x11;
	s7 =	sadd.s32 @!p0 $0x11B8D, s7;
	_ =	swait.eq @!p0 [sflag:s6], $0x1  }
0xb2: {  	s5 =	sor.u32 @!p0 s5, s7;
	[sflag:s6] =	ssyncadd.s32 @!p0 $0xFFFFFFFF  }
0xb3: {  	s25 =	simm.s32 $0x1B8E;
	s24 =	sld [smem:$0x3FFE];
	[sflag:s5] =	ssyncadd.remote.s32 @!p0 $0x1  }
0xb4: {  	s26 =	simm.s32 $execute0_lowered;
	[smem:$0x3FD2] =	sst s25  }
0xb5: {  	s6 =	sshll.u32 s26, $0x1;
	_ =	strace $0x80000049;
	[dreg:$0x1] =	wrdreg $0xFFFFFFFF  }
0xb6: {  	s28 =	simm.s32 $_size_execute0_lowered;
	s4 =	sadd.s32 s4, s6;
	[dreg:$0x0] =	wrdreg $0x0  }
0xb7: {  	s6 =	sshll.u32 s28, $0x1;
	[dreg:$0x2] =	wrdreg s4  }
0xb8: {  	[dreg:$0x3] =	wrdreg s6  }
0xb9: {  	[dreg:$0x4] =	wrdreg $0xC0  }
0xba: {  	_ =	task [dreg:s22], $0x5FFFF  }
0xbb: {  	[dreg:$0x1] =	wrdreg $0xFFFFFFFF  }
0xbc: {  	[dreg:$0x0] =	wrdreg $0x60  }
0xbd: {  	[dreg:$0x2] =	wrdreg s24  }
0xbe: {  	[dreg:$0x3] =	wrdreg s18  }
0xbf: {  	[dreg:$0x4] =	wrdreg $0x9  }
0xc0: {  	_ =	task.clear_ibuf [dreg:s22], $0x5FFFF;
	_ =	strace $0x90000049  }
0xc1: {  	s29 =	simm.s32 $0x9;
	_ =	strace $0x8000004B  }
0xc2: {  	_ =	swait.ge [sflag:s29], $0x1  }
0xc3: {  	[sflag:s29] =	ssyncadd.s32 $0xFFFFFFFF  }
0xc4: {  	_ =	strace $0x9000004B  }
0xc5: {  	_ =	sfence  }
0xc6: {  	s30 =	sld [smem:$0x0];
	_ =	sdelay $0x2  }
0xc7: {  	s31 =	sshll.u32 s1, $0xD;
	s1 =	sshrl.u32 s1, $0x2  }
0xc8: {  	s4 =	sand.u32 $0x4000, s31;
	s1 =	sadd.s32 s1, s30  }
0xc9: {  	s0 =	sor.u32 s4, s0;
	s1 =	sshll.u32 s1, $0x11  }
0xca: {  	s0 =	sor.u32 s1, s0  }
0xcb: {  	s0 =	sadd.s32 $0x8F2B, s0  }
0xcc: {  	[sflag:s0] =	ssyncadd.remote.s32 $0x1  }
0xcd: {  	_ =	sfence.sel $0xFFFF  }
0xce: {  	[dreg:$0x0] =	wrdreg $0xFFFFFFFF;
	(pc) =	sbr.abs _section_cstart, $3  }
0xcf: {  	[dreg:$0x1] =	wrdreg $0xFFFFFFFF  }
0xd0: {  	_ =	task.clear_ibuf [dreg:s22], $0x2FFFF;
	_ =	strace $0x9FFFFFFF  }
0xd1: {  	(tm) =	ssettm $0x7FFFFFFF  }
tec
execute0_lowered:
.L_overlay_start_1:
0x0: {  	(tag) =	ssettag $0x1  }
0x1: {  	s5 =	rddreg [dreg:$0x0]  }
0x2: {  	s6 =	rddreg [dreg:$0x1]  }
0x3: {  	s0 =	rddreg [dreg:$0x2];
	s2 =	simm.s32 $0x0;
	s4 =	srdreg.scid  }
0x4: {  	s1 =	stileid.u32;
	s11 =	simm.s32 $0x2280;
	s12 =	simm.s32 $0x1  }
0x5: {  	s13 =	simm.s32 $0x2;
	s14 =	simm.s32 $0x0;
	[smem:$0x7FF] =	sst s2  }
0x6: {  	s3 =	sadd.s32 $0x2000, s5;
	s7 =	sand.u32 $0x1, s4;
	s8 =	sshll.u32 s1, $0x1  }
0x7: {  	s4 =	sadd.s32 $0x223400, s5;
	s8 =	sor.u32 s7, s8;
	s7 =	ssub.s32 $0x2, s7  }
0x8: {  	_ =	strace $0x8000004A;
	s9 =	sshll.u32 s8, $0xA;
	s10 =	sshrl.u32 s7, $0x1  }
0x9: {  	s8 =	sshll.u32 s8, $0x6;
	s9 =	sadd.s32 s9, s5;
	s7 =	ssub.s32 s7, s10  }
0xa: {  	s5 =	sadd.s32 s6, s8;
	s8 =	simm.s32 $0x200;
	s10 =	simm.s32 $0x280  }
0xb: {  	v0 =	vimm.s32 $0x0;
	s6 =	sadd.s32 $0x223600, s9;
	s7 =	smax.u32 s7, $0x1;
	s9 =	simm.s32 $0x2000  }
.LBB2_1:
0xc: {  	[tilespmem:s2], [sflag:$0x2] =	stream.linear.gather [hbm4b:s5+s2], $0x200, $0x38;
	[tilespmem:$0x4280] =	vst v63  }
0xd: {  	_ =	swait.ge [sflag:s13], $0x200  }
0xe: {  	[sflag:s13] =	ssyncset.done $0x0  }
0xf: {  	[sflag:s13] =	ssyncadd.s32 $0xFFFFFE00  }
0x10: {  	[tilespmem:s8], [sflag:$0x2] =	stream.linear.gather [hbm4b:s4+s2], $0x80, $0x38;
	[tilespmem:$0x4280] =	vst v63  }
0x11: {  	_ =	swait.ge [sflag:s13], $0x80  }
0x12: {  	[sflag:s13] =	ssyncset.done $0x0  }
0x13: {  	[sflag:s13] =	ssyncadd.s32 $0xFFFFFF80  }
0x14: {  	v2 =	vld.msk [tilespmem:s13+$0xFFFFFFFE], $0x1;
	_ =	sdelay $0x3  }
0x15: {  	s18 =	simm.s32 $0x6;
	v1 =	vld [tilespmem:$0x200]  }
0x16: {  	v4 =	vld.msk [tilespmem:s18+$0xFFFFFFFE], $0x1;
	v3 =	vshll.u32 v2, $0x3  }
0x17: {  	v2 =	vand.u32 $0x7F, v2;
	v3 =	vand.u32 $0xFFFFFC00, v3  }
0x18: {  	v2 =	vor.u32 v2, v3  }
0x19: {  	v2 =	vperm.xlane v2, v0;
	_ =	sdelay $0x1  }
0x1a: {  	s15 =	simm.s32 $0x2A0;
	s20 =	simm.s32 $0xA;
	v3 =	vshll.u32 v4, $0x3;
	v2 =	vadd.s32 v1, v2  }
0x1b: {  	[tilespmem:s15+$0xFFFFFFE0] =	vst v2;
	v2 =	vand.u32 $0xFFFFFC00, v3;
	v3 =	vand.u32 $0x7F, v4;
	v4 =	vld.msk [tilespmem:s20+$0xFFFFFFFE], $0x1  }
0x1c: {  	v5 =	vld.msk [tilespmem:s13+$0xFFFFFFFF], $0x1;
	v2 =	vor.u32 v3, v2  }
0x1d: {  	v2 =	vperm.xlane v2, v0;
	_ =	sdelay $0x1  }
0x1e: {  	s16 =	simm.s32 $0x2E0;
	v2 =	vadd.s32 v1, v2  }
0x1f: {  	[tilespmem:s16+$0xFFFFFFE0] =	vst v2;
	v2 =	vshll.u32 v4, $0x3  }
0x20: {  	s21 =	simm.s32 $0xE;
	v4 =	vand.u32 $0x7F, v4;
	v3 =	vshll.u32 v5, $0x3;
	v6 =	vld.msk [tilespmem:s18+$0xFFFFFFFF], $0x1;
	v2 =	vand.u32 $0xFFFFFC00, v2  }
0x21: {  	v5 =	vand.u32 $0x7F, v5;
	v3 =	vand.u32 $0xFFFFFC00, v3;
	v2 =	vor.u32 v4, v2;
	v4 =	vld.msk [tilespmem:s21+$0xFFFFFFFE], $0x1  }
0x22: {  	v3 =	vor.u32 v5, v3;
	v2 =	vperm.xlane v2, v0  }
0x23: {  	v3 =	vperm.xlane v3, v0  }
0x24: {  	s17 =	simm.s32 $0x320;
	v2 =	vadd.s32 v1, v2  }
0x25: {  	v3 =	vadd.s32 v1, v3;
	v5 =	vshll.u32 v6, $0x3;
	[tilespmem:s17+$0xFFFFFFE0] =	vst v2  }
0x26: {  	v2 =	vand.u32 $0x7F, v6;
	[tilespmem:s15+$0xFFFFFFF0] =	vst v3;
	v3 =	vand.u32 $0xFFFFFC00, v5;
	v5 =	vshll.u32 v4, $0x3;
	v6 =	vld.msk [tilespmem:s20+$0xFFFFFFFF], $0x1  }
0x27: {  	v4 =	vand.u32 $0x7F, v4;
	v7 =	vld.msk [tilespmem:s13+$0x0], $0x1;
	v2 =	vor.u32 v2, v3;
	v3 =	vand.u32 $0xFFFFFC00, v5  }
0x28: {  	s22 =	simm.s32 $0x12;
	v2 =	vperm.xlane v2, v0;
	v3 =	vor.u32 v4, v3  }
0x29: {  	v4 =	vld.msk [tilespmem:s22+$0xFFFFFFFE], $0x1;
	v3 =	vperm.xlane v3, v0  }
0x2a: {  	v2 =	vadd.s32 v1, v2  }
0x2b: {  	s19 =	simm.s32 $0x360;
	[tilespmem:s16+$0xFFFFFFF0] =	vst v2;
	v2 =	vshll.u32 v6, $0x3;
	v3 =	vadd.s32 v1, v3  }
0x2c: {  	v6 =	vand.u32 $0x7F, v6;
	v5 =	vshll.u32 v7, $0x3;
	v8 =	vld.msk [tilespmem:s18+$0x0], $0x1;
	v2 =	vand.u32 $0xFFFFFC00, v2;
	[tilespmem:s19+$0xFFFFFFE0] =	vst v3  }
0x2d: {  	v3 =	vand.u32 $0x7F, v7;
	v5 =	vand.u32 $0xFFFFFC00, v5;
	v2 =	vor.u32 v6, v2;
	v6 =	vld.msk [tilespmem:s21+$0xFFFFFFFF], $0x1  }
0x2e: {  	v3 =	vor.u32 v3, v5;
	v5 =	vshll.u32 v4, $0x3;
	v2 =	vperm.xlane v2, v0  }
0x2f: {  	v4 =	vand.u32 $0x7F, v4;
	v3 =	vperm.xlane v3, v0;
	v5 =	vand.u32 $0xFFFFFC00, v5  }
0x30: {  	v4 =	vor.u32 v4, v5  }
0x31: {  	s24 =	simm.s32 $0x16;
	v2 =	vadd.s32 v1, v2;
	v7 =	vadd.s32 v1, v3;
	v3 =	vshll.u32 v8, $0x3  }
0x32: {  	v5 =	vld.msk [tilespmem:s24+$0xFFFFFFFE], $0x1;
	v8 =	vand.u32 $0x7F, v8;
	v4 =	vperm.xlane v4, v0;
	v9 =	vshll.u32 v6, $0x3  }
0x33: {  	[tilespmem:s17+$0xFFFFFFF0] =	vst v2;
	v3 =	vand.u32 $0xFFFFFC00, v3;
	v6 =	vand.u32 $0x7F, v6;
	v9 =	vand.u32 $0xFFFFFC00, v9  }
0x34: {  	[tilespmem:s15+$0x0] =	vst v7;
	v2 =	vor.u32 v6, v9;
	v6 =	vor.u32 v8, v3;
	v3 =	vld.msk [tilespmem:s20+$0x0], $0x1  }
0x35: {  	s23 =	simm.s32 $0x3A0;
	v4 =	vadd.s32 v1, v4;
	v8 =	vperm.xlane v2, v0;
	v2 =	vld.msk [tilespmem:s13+$0x1], $0x1  }
0x36: {  	[tilespmem:s23+$0xFFFFFFE0] =	vst v4  }
0x37: {  	v7 =	vshll.u32 v5, $0x3;
	v63 =	vperm.xlane v6, v0;
	v6 =	vand.u32 $0x7F, v5;
	v5 =	vld.msk [tilespmem:s22+$0xFFFFFFFF], $0x1  }
0x38: {  	v4 =	vand.u32 $0xFFFFFC00, v7  }
0x39: {  	s25 =	simm.s32 $0x14;
	s26 =	simm.s32 $0x1A;
	v6 =	vor.u32 v6, v4;
	v7 =	vadd.s32 v1, v8;
	v4 =	vadd.s32 v1, v63  }
.LBB2_2:
0x3a: {  	v8 =	vld.msk [tilespmem:s26+$0xFFFFFFFE], $0x1;
	s25 =	sadd.s32 $0x4, s25;
	[tilespmem:s19+$0xFFFFFFF0] =	vst v7;
	v7 =	vshll.u32 v3, $0x3;
	v9 =	vand.u32 $0x7F, v3;
	v10 =	vshll.u32 v2, $0x3;
	s28 =	smov.u32 s17;
	s17 =	smov.u32 s19  }
0x3b: {  	v6 =	vperm.xlane v6, v0;
	s19 =	smov.u32 s23;
	p0 =	slt.u32 s25, $0x1FC;
	v3 =	vld.msk [tilespmem:s21+$0x0], $0x1;
	v7 =	vand.u32 $0xFFFFFC00, v7;
	v10 =	vand.u32 $0xFFFFFC00, v10  }
0x3c: {  	v11 =	vshll.u32 v5, $0x3;
	v5 =	vand.u32 $0x7F, v5;
	[tilespmem:s16+$0x0] =	vst v4;
	v4 =	vand.u32 $0x7F, v2  }
.Ltmp0:
0x3d: {  	s23 =	sadd.s32 $0x40, s23;
	v6 =	vadd.s32 v1, v6;
	v11 =	vand.u32 $0xFFFFFC00, v11;
	v2 =	vld.msk [tilespmem:s18+$0x1], $0x1;
	v4 =	vor.u32 v4, v10;
	s18 =	smov.u32 s20;
	(pc) =	sbr.rel @p0 .LBB2_2-.Ltmp0, $4  }
0x3e: {  	v7 =	vor.u32 v9, v7;
	s20 =	smov.u32 s21;
	s21 =	smov.u32 s22;
	s22 =	smov.u32 s24;
	[tilespmem:s23+$0xFFFFFFE0] =	vst v6;
	v6 =	vor.u32 v5, v11;
	v4 =	vperm.xlane v4, v0  }
0x3f: {  	s24 =	smov.u32 s26;
	v11 =	vperm.xlane v7, v0;
	v9 =	vshll.u32 v8, $0x3;
	v5 =	vld.msk [tilespmem:s22+$0xFFFFFFFF], $0x1;
	v10 =	vperm.xlane v6, v0  }
0x40: {  	v7 =	vand.u32 $0x7F, v8;
	v6 =	vand.u32 $0xFFFFFC00, v9;
	v8 =	vadd.s32 v1, v4  }
0x41: {  	s26 =	sadd.s32 $0x4, s26;
	v4 =	vadd.s32 v1, v11;
	v6 =	vor.u32 v7, v6;
	v7 =	vadd.s32 v1, v10;
	[tilespmem:s15+$0x10] =	vst v8;
	s15 =	smov.u32 s16;
	s16 =	smov.u32 s28  }
0x42: {  	v6 =	vperm.xlane v6, v0;
	_ =	sdelay $0x1  }
0x43: {  	s25 =	sadd.s32 $0x40, s23;
	v6 =	vadd.s32 v1, v6  }
0x44: {  	[tilespmem:s25+$0xFFFFFFE0] =	vst v6  }
0x45: {  	v6 =	vld.msk [tilespmem:s24+$0xFFFFFFFF], $0x1;
	_ =	sdelay $0x1  }
0x46: {  	v8 =	vshll.u32 v5, $0x3  }
0x47: {  	v29 =	vand.u32 $0x7F, v5;
	v30 =	vand.u32 $0xFFFFFC00, v8  }
0x48: {  	[tilespmem:s19+$0xFFFFFFF0] =	vst v7;
	v5 =	vor.u32 v29, v30  }
0x49: {  	v9 =	vld.msk [tilespmem:s21+$0x0], $0x1;
	v5 =	vperm.xlane v5, v0;
	v31 =	vshll.u32 v6, $0x3  }
0x4a: {  	v6 =	vand.u32 $0x7F, v6;
	v32 =	vand.u32 $0xFFFFFC00, v31  }
0x4b: {  	v5 =	vadd.s32 v1, v5;
	v6 =	vor.u32 v6, v32  }
0x4c: {  	[tilespmem:s23+$0xFFFFFFF0] =	vst v5;
	v6 =	vperm.xlane v6, v0  }
0x4d: {  	v34 =	vshll.u32 v3, $0x3;
	v3 =	vand.u32 $0x7F, v3;
	v36 =	vld.msk [tilespmem:s22+$0x0], $0x1  }
0x4e: {  	v37 =	vand.u32 $0xFFFFFC00, v34;
	v35 =	vshll.u32 v9, $0x3;
	v33 =	vadd.s32 v1, v6  }
0x4f: {  	v3 =	vor.u32 v3, v37;
	v38 =	vand.u32 $0x7F, v9;
	v7 =	vand.u32 $0xFFFFFC00, v35;
	[tilespmem:s25+$0xFFFFFFF0] =	vst v33  }
0x50: {  	v3 =	vperm.xlane v3, v0;
	v40 =	vor.u32 v38, v7;
	v39 =	vld.msk [tilespmem:s24+$0x0], $0x1  }
0x51: {  	v5 =	vperm.xlane v40, v0  }
0x52: {  	v3 =	vadd.s32 v1, v3;
	v42 =	vshll.u32 v36, $0x3  }
0x53: {  	[tilespmem:s16+$0x0] =	vst v4;
	v41 =	vadd.s32 v1, v5;
	v44 =	vand.u32 $0x7F, v36;
	v5 =	vand.u32 $0xFFFFFC00, v42  }
0x54: {  	[tilespmem:s17+$0x0] =	vst v3;
	v3 =	vor.u32 v44, v5  }
0x55: {  	v48 =	vshll.u32 v2, $0x3;
	v43 =	vld.msk [tilespmem:s18+$0x1], $0x1;
	v3 =	vperm.xlane v3, v0;
	v45 =	vshll.u32 v39, $0x3  }
0x56: {  	v2 =	vand.u32 $0x7F, v2;
	v49 =	vld.msk [tilespmem:s20+$0x1], $0x1;
	[tilespmem:s19+$0x0] =	vst v41;
	v46 =	vand.u32 $0x7F, v39;
	v47 =	vand.u32 $0xFFFFFC00, v45  }
0x57: {  	v51 =	vand.u32 $0xFFFFFC00, v48;
	v52 =	vld.msk [tilespmem:s21+$0x1], $0x1;
	v3 =	vadd.s32 v1, v3;
	v50 =	vor.u32 v46, v47  }
0x58: {  	v2 =	vor.u32 v2, v51;
	[tilespmem:s23+$0x0] =	vst v3;
	v4 =	vperm.xlane v50, v0  }
0x59: {  	v2 =	vperm.xlane v2, v0;
	v56 =	vld.msk [tilespmem:s22+$0x1], $0x1  }
0x5a: {  	v3 =	vadd.s32 v1, v4  }
0x5b: {  	v2 =	vadd.s32 v1, v2;
	v53 =	vshll.u32 v43, $0x3;
	v55 =	vand.u32 $0x7F, v43;
	[tilespmem:s25+$0x0] =	vst v3  }
0x5c: {  	v54 =	vand.u32 $0xFFFFFC00, v53;
	v57 =	vshll.u32 v49, $0x3;
	v59 =	vshll.u32 v52, $0x3;
	v58 =	vld.msk [tilespmem:s24+$0x1], $0x1  }
0x5d: {  	v9 =	vand.u32 $0x7F, v49;
	v7 =	vand.u32 $0x7F, v52;
	v8 =	vand.u32 $0xFFFFFC00, v59  }
0x5e: {  	v7 =	vor.u32 v7, v8;
	v4 =	vand.u32 $0xFFFFFC00, v57;
	v60 =	vshll.u32 v56, $0x3  }
0x5f: {  	v6 =	vand.u32 $0x7F, v56;
	v3 =	vor.u32 v55, v54;
	v8 =	vand.u32 $0xFFFFFC00, v60  }
0x60: {  	[tilespmem:s15+$0x10] =	vst v2;
	v4 =	vor.u32 v9, v4;
	v3 =	vperm.xlane v3, v0;
	v2 =	vor.u32 v6, v8  }
0x61: {  	v4 =	vperm.xlane v4, v0;
	v2 =	vperm.xlane v2, v0;
	v61 =	vshll.u32 v58, $0x3  }
0x62: {  	v3 =	vadd.s32 v1, v3;
	v5 =	vand.u32 $0x7F, v58;
	v62 =	vand.u32 $0xFFFFFC00, v61  }
0x63: {  	v7 =	vperm.xlane v7, v0;
	[tilespmem:s16+$0x10] =	vst v3;
	v3 =	vadd.s32 v1, v4;
	v63 =	vor.u32 v5, v62  }
0x64: {  	v2 =	vadd.s32 v1, v2;
	[tilespmem:s17+$0x10] =	vst v3;
	v4 =	vperm.xlane v63, v0  }
0x65: {  	v3 =	vadd.s32 v1, v7;
	[tilespmem:s23+$0x10] =	vst v2  }
0x66: {  	[tilespmem:s19+$0x10] =	vst v3;
	v1 =	vadd.s32 v1, v4  }
0x67: {  	[tilespmem:s25+$0x10] =	vst v1  }
0x68: {  	[tilespmem:s11], [sflag:$0x1] =	stream.indirect.gather [hbm4b:s3+s9], $0x1, s10, s9, $0xb8;
	[tilespmem:$0x4280] =	vst v63  }
0x69: {  	s14 =	sadd.s32 $0x1, s14;
	_ =	swait.ge [sflag:s12], $0x2000  }
0x6a: {  	p0 =	sne.s32 s14, s7;
	[sflag:s12] =	ssyncset.done $0x0  }
.Ltmp1:
0x6b: {  	[sflag:s12] =	ssyncadd.s32 $0xFFFFE000;
	(pc) =	sbr.rel @p0 .LBB2_1-.Ltmp1, $4  }
0x6c: {  	[hbm4b:s6+s2] =	stream.linear.scatter [tilespmem:s11], [sflag:$0x2], $0x2000, $0x38;
	[tilespmem:$0x4280] =	vst v63  }
0x6d: {  	_ =	swait.ge [sflag:s13], $0x2000  }
0x6e: {  	[sflag:s13] =	ssyncset.done $0x0  }
0x6f: {  	[sflag:s13] =	ssyncadd.s32 $0xFFFFE000  }
0x70: {  	_ =	sfence.sel $0x180000  }
0x71: {  	[bflag:$0x0] =	sbarrier.arrive $0xFFFF  }
0x72: {  	p0 =	sne.s32 s1, $0x0;
	_ =	strace $0x9000004A  }
0x73: {  	s0 =	sadd.s32 @!p0 $0x100000, s0;
	[bflag:$0x2] =	sbarrier.arrive $0xFFFF  }
0x74: {  	[sflag:s0] =	ssyncadd.tile.s32 @!p0 $0x1;
	_ =	shalt  }
.Lfunc_end2:
_tile_overlayer_lowered:
.L_overlay_start_2:
0x75: {  	(tag) =	ssettag $0x2  }
0x76: {  	s0 =	rddreg [dreg:$0x0];
	s2 =	stileid.u32  }
0x77: {  	s1 =	rddreg [dreg:$0x1];
	p0 =	sne.s32 s2, $0x0  }
0x78: {  	s3 =	rddreg [dreg:$0x2];
	[bflag:$0x3] =	sbarrier.arrive $0xFFFF;
	s2 =	simm.s32 @!p0 $0x1C02  }
0x79: {  	[timem:s3], [sflag:s2] =	dma.local @!p0 [hbm:s0], s1  }
0x7a: {  	s0 =	simm.s32 @!p0 $0x2  }
0x7b: {  	_ =	swait.ge @!p0 [sflag:s0], s1  }
0x7c: {  	s1 =	ssub.s32 @!p0 $0x0, s1;
	[sflag:s0] =	ssyncset.done @!p0 $0x0  }
0x7d: {  	[sflag:s0] =	ssyncadd.s32 @!p0 s1  }
0x7e: {  	[bflag:$0x3] =	sbarrier.arrive $0xFFFF  }
0x7f: {  	_ =	shalt  }

</sc_bundles>
